<compile_context>
chip_gen: v7x
topology: tpu7x:2x2x1
jax: 0.10.2.dev20260603
libtpu: 0.0.44.dev20260713+nightly
codegen_flags: <defaults>
</compile_context>

<pallas_src>
import functools

import jax
import jax.numpy as jnp
from jax import lax
from jax.experimental import pallas as pl
from jax.experimental.pallas import tpu as pltpu
from jax.experimental.pallas import tpu_sc as plsc

B = 16384
C = 1000
MARGIN = 1.0

BSC = 4096
BT = B - BSC

BCOL = 2048
GRID = BT // BCOL

NC = 2
NS = 16
L = 16
NW = NC * NS
SW = BSC // NW
NG = SW // L
UNROLL = 8


def _tc_hinge_body(xt_ref, y_ref, out_ref):
    pi = pl.program_id(0)
    xt = xt_ref[...]
    yv = y_ref[0, 0, :]
    yrow = yv.reshape(1, BCOL)
    cls = lax.broadcasted_iota(jnp.int32, (C, BCOL), 0)
    oy = jnp.sum(jnp.where(cls == yrow, xt, 0.0), axis=0, keepdims=True)
    s = jnp.sum(jnp.maximum(xt - oy + MARGIN, 0.0))

    @pl.when(pi == 0)
    def _init():
        out_ref[0, 0] = 0.0

    out_ref[0, 0] += s


_tc_hinge = pl.pallas_call(
    _tc_hinge_body,
    grid=(GRID,),
    in_specs=[
        pl.BlockSpec((C, BCOL), lambda i: (0, i)),
        pl.BlockSpec((1, 1, BCOL), lambda i: (i, 0, 0)),
    ],
    out_specs=pl.BlockSpec((1, 1), lambda i: (0, 0), memory_space=pltpu.SMEM),
    out_shape=jax.ShapeDtypeStruct((1, 1), jnp.float32),
)


def _sc_hinge_body(xt_hbm, y_hbm, out_hbm, ybuf, xbuf, accbuf, sem):
    wid = lax.axis_index("s") * NC + lax.axis_index("c")
    soff = pl.multiple_of(BT + wid * SW, SW)
    pltpu.sync_copy(y_hbm.at[pl.ds(soff, SW)], ybuf)
    pltpu.async_copy(xt_hbm.at[:, pl.ds(soff, SW)], xbuf, sem).wait()

    NA = 4

    accs = tuple(jnp.zeros((L,), jnp.float32) for _ in range(NA))
    for q in range(NG):
        yv = ybuf[pl.ds(q * L, L)]

        def s1(i, oyvs, yv=yv, q=q):
            c0 = i * UNROLL
            d = yv - c0
            oyvs = list(oyvs)
            for k in range(UNROLL):
                v = xbuf[c0 + k, pl.ds(q * L, L)]
                oyvs[k % NA] = jnp.where(d == k, v, oyvs[k % NA])
            return tuple(oyvs)

        oyvs = lax.fori_loop(0, C // UNROLL, s1,
                             tuple(jnp.zeros((L,), jnp.float32)
                                   for _ in range(NA)))
        ym = (oyvs[0] + oyvs[1]) + (oyvs[2] + oyvs[3]) - MARGIN

        def s2(i, accs_, ym=ym, q=q):
            c0 = i * UNROLL
            accs_ = list(accs_)
            for k in range(UNROLL):
                v = xbuf[c0 + k, pl.ds(q * L, L)]
                accs_[k % NA] = accs_[k % NA] + jnp.maximum(v - ym, 0.0)
            return tuple(accs_)

        accs = lax.fori_loop(0, C // UNROLL, s2, accs)

    accbuf[...] = (accs[0] + accs[1]) + (accs[2] + accs[3])
    pltpu.sync_copy(accbuf, out_hbm.at[pl.ds(wid * L, L)])


@functools.cache
def _sc_hinge():
    return pl.kernel(
        _sc_hinge_body,
        out_type=jax.ShapeDtypeStruct((NW * L,), jnp.float32),
        mesh=plsc.VectorSubcoreMesh(core_axis_name="c", subcore_axis_name="s",
                                    num_cores=NC, num_subcores=NS),
        scratch_types=[
            pltpu.VMEM((SW,), jnp.int32),
            pltpu.VMEM((C, SW), jnp.float32),
            pltpu.VMEM((L,), jnp.float32),
            pltpu.SemaphoreType.DMA,
        ],
    )


def kernel(output, y):
    y32 = y.astype(jnp.int32)
    xt = output.T
    sc_partials = _sc_hinge()(xt, y32)
    y3 = y32[:BT].reshape(GRID, 1, BCOL)
    tc_partial = _tc_hinge(xt, y3)
    total = tc_partial[0, 0] + jnp.sum(sc_partials)
    return (total - float(B)) / float(B)

# --- scband reference (transcript-rebuilt; emitter-appended) ---
"""Pipeline reference for scband-multi-class-hinge-loss-73942156968424 (READ-ONLY COPY).

The authoritative reference and input builder live on the scoring server;
editing this copy changes nothing except your own understanding.
"""

import jax, jax.numpy as jnp
import numpy as np

B = 16384
C = 1000
MARGIN = 1.0

def setup_inputs(seed: int = 0) -> dict:
    key = jax.random.key(seed)
    k1, k2 = jax.random.split(key)
    output = jax.random.normal(k1, (B, C), dtype=jnp.float32)
    y = jax.random.randint(k2, (B,), 0, C, dtype=jnp.int64)
    return {"output": output, "y": y}

def reference(output, y):
    n = output.shape[0]
    rows = jnp.arange(n)
    # gather the score of the correct class for each row
    output_y = output[rows, y].reshape(-1, 1)
    loss = output - output_y + MARGIN
    # zero out the correct-class positions (scatter-overwrite)
    loss = loss.at[rows, y].set(0.0)
    # hinge: clamp negatives to zero
    loss = jnp.where(loss < 0.0, 0.0, loss)
    total = jnp.sum(loss)
    # size_average=True
    total = total / n
    return total

if __name__ == "__main__":
    import jax
    _d = setup_inputs()
    print(jax.jit(kernel)(*tuple(_d.values())))

</pallas_src>

<mosaic_0001>
#map = affine_map<(d0, d1) -> (0, 0)>
#map1 = affine_map<(d0, d1) -> (0)>
module attributes {stable_mosaic.version = 14 : i64} {
  func.func @_sc_hinge_body(%arg0: i32, %arg1: i32, %arg2: memref<1000x16384xf32, #tpu.memory_space<hbm>>, %arg3: memref<16384xi32, #tpu.memory_space<hbm>>, %arg4: memref<512xf32, #tpu.memory_space<hbm>>, %arg5: memref<128xi32, #tpu.memory_space<vmem>>, %arg6: memref<1000x128xf32, #tpu.memory_space<vmem>>, %arg7: memref<16xf32, #tpu.memory_space<vmem>>, %arg8: memref<!tpu.dma_semaphore, #tpu.memory_space<semaphore_mem>>) attributes {dimension_semantics = [#tpu.dimension_semantics<core_parallel>, #tpu.dimension_semantics<subcore_parallel>], iteration_bounds = array<i64: 2, 16>, scalar_prefetch = 0 : i64, scratch_operands = 4 : i64, tpu.core_type = #tpu.core_type<sc_vector_subcore>, window_params = [{transform_indices = #map}, {transform_indices = #map1}, {transform_indices = #map1}]} {
    %mul3A = arith.constant 2 : i32
    %mul3A_0 = arith.muli %arg1, %mul3A : i32
    %add3A = arith.addi %mul3A_0, %arg0 : i32
    %mul3A_1 = arith.constant 128 : i32
    %mul3A_2 = arith.muli %add3A, %mul3A_1 : i32
    %add3A_3 = arith.constant 12288 : i32
    %add3A_4 = arith.addi %add3A_3, %mul3A_2 : i32
    %multiple_of3A = tpu.assume_multiple %add3A_4, 128 : i32
    "tpu.region"() ({
      %run_scoped3A = tpu.sem_alloc : memref<!tpu.dma_semaphore, #tpu.memory_space<semaphore_mem>>
      %dma_start3A_255 = tpu.memref_slice %arg3[%multiple_of3A] : memref<16384xi32, #tpu.memory_space<hbm>> -> memref<128xi32, #tpu.memory_space<hbm>>
      %dma_start3A_256 = tpu.memref_slice %arg3[%multiple_of3A] : memref<16384xi32, #tpu.memory_space<hbm>> -> memref<128xi32, #tpu.memory_space<hbm>>
      tpu.enqueue_dma source(%dma_start3A_256 : memref<128xi32, #tpu.memory_space<hbm>>) target(%arg5 : memref<128xi32, #tpu.memory_space<vmem>>) target_semaphore(%run_scoped3A : memref<!tpu.dma_semaphore, #tpu.memory_space<semaphore_mem>>)
      %dma_wait3A_257 = tpu.memref_slice %arg3[%multiple_of3A] : memref<16384xi32, #tpu.memory_space<hbm>> -> memref<128xi32, #tpu.memory_space<hbm>>
      %dma_wait3A_258 = tpu.memref_slice %arg3[%multiple_of3A] : memref<16384xi32, #tpu.memory_space<hbm>> -> memref<128xi32, #tpu.memory_space<hbm>>
      tpu.wait_dma2 semaphore(%run_scoped3A : memref<!tpu.dma_semaphore, #tpu.memory_space<semaphore_mem>>) src(%dma_wait3A_258 : memref<128xi32, #tpu.memory_space<hbm>>) dst(%arg5 : memref<128xi32, #tpu.memory_space<vmem>>)
      tpu.yield
    }) : () -> ()
    %dma_start3A = arith.constant 0 : i32
    %dma_start3A_5 = tpu.memref_slice %arg2[%dma_start3A, %multiple_of3A] : memref<1000x16384xf32, #tpu.memory_space<hbm>> -> memref<1000x128xf32, #tpu.memory_space<hbm>>
    %dma_start3A_6 = arith.constant 0 : i32
    %dma_start3A_7 = tpu.memref_slice %arg2[%dma_start3A_6, %multiple_of3A] : memref<1000x16384xf32, #tpu.memory_space<hbm>> -> memref<1000x128xf32, #tpu.memory_space<hbm>>
    tpu.enqueue_dma source(%dma_start3A_7 : memref<1000x128xf32, #tpu.memory_space<hbm>>) target(%arg6 : memref<1000x128xf32, #tpu.memory_space<vmem>>) target_semaphore(%arg8 : memref<!tpu.dma_semaphore, #tpu.memory_space<semaphore_mem>>)
    %dma_wait3A = arith.constant 0 : i32
    %dma_wait3A_8 = tpu.memref_slice %arg2[%dma_wait3A, %multiple_of3A] : memref<1000x16384xf32, #tpu.memory_space<hbm>> -> memref<1000x128xf32, #tpu.memory_space<hbm>>
    %dma_wait3A_9 = arith.constant 0 : i32
    %dma_wait3A_10 = tpu.memref_slice %arg2[%dma_wait3A_9, %multiple_of3A] : memref<1000x16384xf32, #tpu.memory_space<hbm>> -> memref<1000x128xf32, #tpu.memory_space<hbm>>
    tpu.wait_dma2 semaphore(%arg8 : memref<!tpu.dma_semaphore, #tpu.memory_space<semaphore_mem>>) src(%dma_wait3A_10 : memref<1000x128xf32, #tpu.memory_space<hbm>>) dst(%arg6 : memref<1000x128xf32, #tpu.memory_space<vmem>>)
    %broadcast_in_dim3A = arith.constant 0.000000e+00 : f32
    %broadcast_in_dim3A_11 = vector.broadcast %broadcast_in_dim3A : f32 to vector<16xf32>
    %broadcast_in_dim3A_12 = arith.constant 0.000000e+00 : f32
    %broadcast_in_dim3A_13 = vector.broadcast %broadcast_in_dim3A_12 : f32 to vector<16xf32>
    %broadcast_in_dim3A_14 = arith.constant 0.000000e+00 : f32
    %broadcast_in_dim3A_15 = vector.broadcast %broadcast_in_dim3A_14 : f32 to vector<16xf32>
    %broadcast_in_dim3A_16 = arith.constant 0.000000e+00 : f32
    %broadcast_in_dim3A_17 = vector.broadcast %broadcast_in_dim3A_16 : f32 to vector<16xf32>
    %get3A = arith.constant 0 : index
    %get3A_18 = tpu.vector_load %arg5[%get3A] {strides = array<i32>} : memref<128xi32, #tpu.memory_space<vmem>>, vector<16xi32>,
    %get3A_19 = vector.shape_cast %get3A_18 : vector<16xi32> to vector<16xi32>
    %broadcast_in_dim3A_20 = arith.constant 0.000000e+00 : f32
    %broadcast_in_dim3A_21 = vector.broadcast %broadcast_in_dim3A_20 : f32 to vector<16xf32>
    %broadcast_in_dim3A_22 = arith.constant 0.000000e+00 : f32
    %broadcast_in_dim3A_23 = vector.broadcast %broadcast_in_dim3A_22 : f32 to vector<16xf32>
    %broadcast_in_dim3A_24 = arith.constant 0.000000e+00 : f32
    %broadcast_in_dim3A_25 = vector.broadcast %broadcast_in_dim3A_24 : f32 to vector<16xf32>
    %broadcast_in_dim3A_26 = arith.constant 0.000000e+00 : f32
    %broadcast_in_dim3A_27 = vector.broadcast %broadcast_in_dim3A_26 : f32 to vector<16xf32>
    %scan3A = arith.constant 0 : i32
    %scan3A_28 = arith.constant 125 : i32
    %scan3A_29 = arith.addi %scan3A, %scan3A_28 : i32
    %scan3A_30 = arith.constant 1 : i32
    %scan3A_31:4 = scf.for %scan3A_255 = %scan3A to %scan3A_29 step %scan3A_30 iter_args(%scan3A_256 = %broadcast_in_dim3A_21, %scan3A_257 = %broadcast_in_dim3A_23, %scan3A_258 = %broadcast_in_dim3A_25, %scan3A_259 = %broadcast_in_dim3A_27) -> (vector<16xf32>, vector<16xf32>, vector<16xf32>, vector<16xf32>)  : i32 {
      %mul3A_260 = arith.constant 8 : i32
      %mul3A_261 = arith.muli %scan3A_255, %mul3A_260 : i32
      %sub3A_262 = vector.broadcast %mul3A_261 : i32 to vector<16xi32>
      %sub3A_263 = arith.subi %get3A_19, %sub3A_262 : vector<16xi32>
      %add3A_264 = arith.constant 0 : i32
      %add3A_265 = arith.addi %mul3A_261, %add3A_264 : i32
      %get3A_266 = arith.index_cast %add3A_265 : i32 to index
      %get3A_267 = arith.constant 0 : index
      %get3A_268 = tpu.vector_load %arg6[%get3A_266, %get3A_267] {strides = array<i32>} : memref<1000x128xf32, #tpu.memory_space<vmem>>, vector<1x16xf32>,
      %get3A_269 = vector.shape_cast %get3A_268 : vector<1x16xf32> to vector<16xf32>
      %eq3A = arith.constant 0 : i32
      %eq3A_270 = vector.broadcast %eq3A : i32 to vector<16xi32>
      %eq3A_271 = arith.cmpi eq, %sub3A_263, %eq3A_270 : vector<16xi32>
      %select_n3A = arith.select %eq3A_271, %get3A_269, %scan3A_256 : vector<16xi1>, vector<16xf32>
      %add3A_272 = arith.constant 1 : i32
      %add3A_273 = arith.addi %mul3A_261, %add3A_272 : i32
      %get3A_274 = arith.index_cast %add3A_273 : i32 to index
      %get3A_275 = arith.constant 0 : index
      %get3A_276 = tpu.vector_load %arg6[%get3A_274, %get3A_275] {strides = array<i32>} : memref<1000x128xf32, #tpu.memory_space<vmem>>, vector<1x16xf32>,
      %get3A_277 = vector.shape_cast %get3A_276 : vector<1x16xf32> to vector<16xf32>
      %eq3A_278 = arith.constant 1 : i32
      %eq3A_279 = vector.broadcast %eq3A_278 : i32 to vector<16xi32>
      %eq3A_280 = arith.cmpi eq, %sub3A_263, %eq3A_279 : vector<16xi32>
      %select_n3A_281 = arith.select %eq3A_280, %get3A_277, %scan3A_257 : vector<16xi1>, vector<16xf32>
      %add3A_282 = arith.constant 2 : i32
      %add3A_283 = arith.addi %mul3A_261, %add3A_282 : i32
      %get3A_284 = arith.index_cast %add3A_283 : i32 to index
      %get3A_285 = arith.constant 0 : index
      %get3A_286 = tpu.vector_load %arg6[%get3A_284, %get3A_285] {strides = array<i32>} : memref<1000x128xf32, #tpu.memory_space<vmem>>, vector<1x16xf32>,
      %get3A_287 = vector.shape_cast %get3A_286 : vector<1x16xf32> to vector<16xf32>
      %eq3A_288 = arith.constant 2 : i32
      %eq3A_289 = vector.broadcast %eq3A_288 : i32 to vector<16xi32>
      %eq3A_290 = arith.cmpi eq, %sub3A_263, %eq3A_289 : vector<16xi32>
      %select_n3A_291 = arith.select %eq3A_290, %get3A_287, %scan3A_258 : vector<16xi1>, vector<16xf32>
      %add3A_292 = arith.constant 3 : i32
      %add3A_293 = arith.addi %mul3A_261, %add3A_292 : i32
      %get3A_294 = arith.index_cast %add3A_293 : i32 to index
      %get3A_295 = arith.constant 0 : index
      %get3A_296 = tpu.vector_load %arg6[%get3A_294, %get3A_295] {strides = array<i32>} : memref<1000x128xf32, #tpu.memory_space<vmem>>, vector<1x16xf32>,
      %get3A_297 = vector.shape_cast %get3A_296 : vector<1x16xf32> to vector<16xf32>
      %eq3A_298 = arith.constant 3 : i32
      %eq3A_299 = vector.broadcast %eq3A_298 : i32 to vector<16xi32>
      %eq3A_300 = arith.cmpi eq, %sub3A_263, %eq3A_299 : vector<16xi32>
      %select_n3A_301 = arith.select %eq3A_300, %get3A_297, %scan3A_259 : vector<16xi1>, vector<16xf32>
      %add3A_302 = arith.constant 4 : i32
      %add3A_303 = arith.addi %mul3A_261, %add3A_302 : i32
      %get3A_304 = arith.index_cast %add3A_303 : i32 to index
      %get3A_305 = arith.constant 0 : index
      %get3A_306 = tpu.vector_load %arg6[%get3A_304, %get3A_305] {strides = array<i32>} : memref<1000x128xf32, #tpu.memory_space<vmem>>, vector<1x16xf32>,
      %get3A_307 = vector.shape_cast %get3A_306 : vector<1x16xf32> to vector<16xf32>
      %eq3A_308 = arith.constant 4 : i32
      %eq3A_309 = vector.broadcast %eq3A_308 : i32 to vector<16xi32>
      %eq3A_310 = arith.cmpi eq, %sub3A_263, %eq3A_309 : vector<16xi32>
      %select_n3A_311 = arith.select %eq3A_310, %get3A_307, %select_n3A : vector<16xi1>, vector<16xf32>
      %add3A_312 = arith.constant 5 : i32
      %add3A_313 = arith.addi %mul3A_261, %add3A_312 : i32
      %get3A_314 = arith.index_cast %add3A_313 : i32 to index
      %get3A_315 = arith.constant 0 : index
      %get3A_316 = tpu.vector_load %arg6[%get3A_314, %get3A_315] {strides = array<i32>} : memref<1000x128xf32, #tpu.memory_space<vmem>>, vector<1x16xf32>,
      %get3A_317 = vector.shape_cast %get3A_316 : vector<1x16xf32> to vector<16xf32>
      %eq3A_318 = arith.constant 5 : i32
      %eq3A_319 = vector.broadcast %eq3A_318 : i32 to vector<16xi32>
      %eq3A_320 = arith.cmpi eq, %sub3A_263, %eq3A_319 : vector<16xi32>
      %select_n3A_321 = arith.select %eq3A_320, %get3A_317, %select_n3A_281 : vector<16xi1>, vector<16xf32>
      %add3A_322 = arith.constant 6 : i32
      %add3A_323 = arith.addi %mul3A_261, %add3A_322 : i32
      %get3A_324 = arith.index_cast %add3A_323 : i32 to index
      %get3A_325 = arith.constant 0 : index
      %get3A_326 = tpu.vector_load %arg6[%get3A_324, %get3A_325] {strides = array<i32>} : memref<1000x128xf32, #tpu.memory_space<vmem>>, vector<1x16xf32>,
      %get3A_327 = vector.shape_cast %get3A_326 : vector<1x16xf32> to vector<16xf32>
      %eq3A_328 = arith.constant 6 : i32
      %eq3A_329 = vector.broadcast %eq3A_328 : i32 to vector<16xi32>
      %eq3A_330 = arith.cmpi eq, %sub3A_263, %eq3A_329 : vector<16xi32>
      %select_n3A_331 = arith.select %eq3A_330, %get3A_327, %select_n3A_291 : vector<16xi1>, vector<16xf32>
      %add3A_332 = arith.constant 7 : i32
      %add3A_333 = arith.addi %mul3A_261, %add3A_332 : i32
      %get3A_334 = arith.index_cast %add3A_333 : i32 to index
      %get3A_335 = arith.constant 0 : index
      %get3A_336 = tpu.vector_load %arg6[%get3A_334, %get3A_335] {strides = array<i32>} : memref<1000x128xf32, #tpu.memory_space<vmem>>, vector<1x16xf32>,
      %get3A_337 = vector.shape_cast %get3A_336 : vector<1x16xf32> to vector<16xf32>
      %eq3A_338 = arith.constant 7 : i32
      %eq3A_339 = vector.broadcast %eq3A_338 : i32 to vector<16xi32>
      %eq3A_340 = arith.cmpi eq, %sub3A_263, %eq3A_339 : vector<16xi32>
      %select_n3A_341 = arith.select %eq3A_340, %get3A_337, %select_n3A_301 : vector<16xi1>, vector<16xf32>
      scf.yield %select_n3A_311, %select_n3A_321, %select_n3A_331, %select_n3A_341 : vector<16xf32>, vector<16xf32>, vector<16xf32>, vector<16xf32>
    }
    %scan3A_32 = arith.constant 125 : i32
    %add3A_33 = arith.addf %scan3A_31#0, %scan3A_31#1 : vector<16xf32>
    %add3A_34 = arith.addf %scan3A_31#2, %scan3A_31#3 : vector<16xf32>
    %add3A_35 = arith.addf %add3A_33, %add3A_34 : vector<16xf32>
    %sub3A = arith.constant 1.000000e+00 : f32
    %sub3A_36 = vector.broadcast %sub3A : f32 to vector<16xf32>
    %sub3A_37 = arith.subf %add3A_35, %sub3A_36 : vector<16xf32>
    %scan3A_38 = arith.constant 0 : i32
    %scan3A_39 = arith.constant 125 : i32
    %scan3A_40 = arith.addi %scan3A_38, %scan3A_39 : i32
    %scan3A_41 = arith.constant 1 : i32
    %scan3A_42:4 = scf.for %scan3A_255 = %scan3A_38 to %scan3A_40 step %scan3A_41 iter_args(%scan3A_256 = %broadcast_in_dim3A_11, %scan3A_257 = %broadcast_in_dim3A_13, %scan3A_258 = %broadcast_in_dim3A_15, %scan3A_259 = %broadcast_in_dim3A_17) -> (vector<16xf32>, vector<16xf32>, vector<16xf32>, vector<16xf32>)  : i32 {
      %mul3A_260 = arith.constant 8 : i32
      %mul3A_261 = arith.muli %scan3A_255, %mul3A_260 : i32
      %add3A_262 = arith.constant 0 : i32
      %add3A_263 = arith.addi %mul3A_261, %add3A_262 : i32
      %get3A_264 = arith.index_cast %add3A_263 : i32 to index
      %get3A_265 = arith.constant 0 : index
      %get3A_266 = tpu.vector_load %arg6[%get3A_264, %get3A_265] {strides = array<i32>} : memref<1000x128xf32, #tpu.memory_space<vmem>>, vector<1x16xf32>,
      %get3A_267 = vector.shape_cast %get3A_266 : vector<1x16xf32> to vector<16xf32>
      %sub3A_268 = arith.subf %get3A_267, %sub3A_37 : vector<16xf32>
      %max3A = arith.constant 0.000000e+00 : f32
      %max3A_269 = vector.broadcast %max3A : f32 to vector<16xf32>
      %max3A_270 = arith.maximumf %sub3A_268, %max3A_269 : vector<16xf32>
      %add3A_271 = arith.addf %scan3A_256, %max3A_270 : vector<16xf32>
      %add3A_272 = arith.constant 1 : i32
      %add3A_273 = arith.addi %mul3A_261, %add3A_272 : i32
      %get3A_274 = arith.index_cast %add3A_273 : i32 to index
      %get3A_275 = arith.constant 0 : index
      %get3A_276 = tpu.vector_load %arg6[%get3A_274, %get3A_275] {strides = array<i32>} : memref<1000x128xf32, #tpu.memory_space<vmem>>, vector<1x16xf32>,
      %get3A_277 = vector.shape_cast %get3A_276 : vector<1x16xf32> to vector<16xf32>
      %sub3A_278 = arith.subf %get3A_277, %sub3A_37 : vector<16xf32>
      %max3A_279 = arith.constant 0.000000e+00 : f32
      %max3A_280 = vector.broadcast %max3A_279 : f32 to vector<16xf32>
      %max3A_281 = arith.maximumf %sub3A_278, %max3A_280 : vector<16xf32>
      %add3A_282 = arith.addf %scan3A_257, %max3A_281 : vector<16xf32>
      %add3A_283 = arith.constant 2 : i32
      %add3A_284 = arith.addi %mul3A_261, %add3A_283 : i32
      %get3A_285 = arith.index_cast %add3A_284 : i32 to index
      %get3A_286 = arith.constant 0 : index
      %get3A_287 = tpu.vector_load %arg6[%get3A_285, %get3A_286] {strides = array<i32>} : memref<1000x128xf32, #tpu.memory_space<vmem>>, vector<1x16xf32>,
      %get3A_288 = vector.shape_cast %get3A_287 : vector<1x16xf32> to vector<16xf32>
      %sub3A_289 = arith.subf %get3A_288, %sub3A_37 : vector<16xf32>
      %max3A_290 = arith.constant 0.000000e+00 : f32
      %max3A_291 = vector.broadcast %max3A_290 : f32 to vector<16xf32>
      %max3A_292 = arith.maximumf %sub3A_289, %max3A_291 : vector<16xf32>
      %add3A_293 = arith.addf %scan3A_258, %max3A_292 : vector<16xf32>
      %add3A_294 = arith.constant 3 : i32
      %add3A_295 = arith.addi %mul3A_261, %add3A_294 : i32
      %get3A_296 = arith.index_cast %add3A_295 : i32 to index
      %get3A_297 = arith.constant 0 : index
      %get3A_298 = tpu.vector_load %arg6[%get3A_296, %get3A_297] {strides = array<i32>} : memref<1000x128xf32, #tpu.memory_space<vmem>>, vector<1x16xf32>,
      %get3A_299 = vector.shape_cast %get3A_298 : vector<1x16xf32> to vector<16xf32>
      %sub3A_300 = arith.subf %get3A_299, %sub3A_37 : vector<16xf32>
      %max3A_301 = arith.constant 0.000000e+00 : f32
      %max3A_302 = vector.broadcast %max3A_301 : f32 to vector<16xf32>
      %max3A_303 = arith.maximumf %sub3A_300, %max3A_302 : vector<16xf32>
      %add3A_304 = arith.addf %scan3A_259, %max3A_303 : vector<16xf32>
      %add3A_305 = arith.constant 4 : i32
      %add3A_306 = arith.addi %mul3A_261, %add3A_305 : i32
      %get3A_307 = arith.index_cast %add3A_306 : i32 to index
      %get3A_308 = arith.constant 0 : index
      %get3A_309 = tpu.vector_load %arg6[%get3A_307, %get3A_308] {strides = array<i32>} : memref<1000x128xf32, #tpu.memory_space<vmem>>, vector<1x16xf32>,
      %get3A_310 = vector.shape_cast %get3A_309 : vector<1x16xf32> to vector<16xf32>
      %sub3A_311 = arith.subf %get3A_310, %sub3A_37 : vector<16xf32>
      %max3A_312 = arith.constant 0.000000e+00 : f32
      %max3A_313 = vector.broadcast %max3A_312 : f32 to vector<16xf32>
      %max3A_314 = arith.maximumf %sub3A_311, %max3A_313 : vector<16xf32>
      %add3A_315 = arith.addf %add3A_271, %max3A_314 : vector<16xf32>
      %add3A_316 = arith.constant 5 : i32
      %add3A_317 = arith.addi %mul3A_261, %add3A_316 : i32
      %get3A_318 = arith.index_cast %add3A_317 : i32 to index
      %get3A_319 = arith.constant 0 : index
      %get3A_320 = tpu.vector_load %arg6[%get3A_318, %get3A_319] {strides = array<i32>} : memref<1000x128xf32, #tpu.memory_space<vmem>>, vector<1x16xf32>,
      %get3A_321 = vector.shape_cast %get3A_320 : vector<1x16xf32> to vector<16xf32>
      %sub3A_322 = arith.subf %get3A_321, %sub3A_37 : vector<16xf32>
      %max3A_323 = arith.constant 0.000000e+00 : f32
      %max3A_324 = vector.broadcast %max3A_323 : f32 to vector<16xf32>
      %max3A_325 = arith.maximumf %sub3A_322, %max3A_324 : vector<16xf32>
      %add3A_326 = arith.addf %add3A_282, %max3A_325 : vector<16xf32>
      %add3A_327 = arith.constant 6 : i32
      %add3A_328 = arith.addi %mul3A_261, %add3A_327 : i32
      %get3A_329 = arith.index_cast %add3A_328 : i32 to index
      %get3A_330 = arith.constant 0 : index
      %get3A_331 = tpu.vector_load %arg6[%get3A_329, %get3A_330] {strides = array<i32>} : memref<1000x128xf32, #tpu.memory_space<vmem>>, vector<1x16xf32>,
      %get3A_332 = vector.shape_cast %get3A_331 : vector<1x16xf32> to vector<16xf32>
      %sub3A_333 = arith.subf %get3A_332, %sub3A_37 : vector<16xf32>
      %max3A_334 = arith.constant 0.000000e+00 : f32
      %max3A_335 = vector.broadcast %max3A_334 : f32 to vector<16xf32>
      %max3A_336 = arith.maximumf %sub3A_333, %max3A_335 : vector<16xf32>
      %add3A_337 = arith.addf %add3A_293, %max3A_336 : vector<16xf32>
      %add3A_338 = arith.constant 7 : i32
      %add3A_339 = arith.addi %mul3A_261, %add3A_338 : i32
      %get3A_340 = arith.index_cast %add3A_339 : i32 to index
      %get3A_341 = arith.constant 0 : index
      %get3A_342 = tpu.vector_load %arg6[%get3A_340, %get3A_341] {strides = array<i32>} : memref<1000x128xf32, #tpu.memory_space<vmem>>, vector<1x16xf32>,
      %get3A_343 = vector.shape_cast %get3A_342 : vector<1x16xf32> to vector<16xf32>
      %sub3A_344 = arith.subf %get3A_343, %sub3A_37 : vector<16xf32>
      %max3A_345 = arith.constant 0.000000e+00 : f32
      %max3A_346 = vector.broadcast %max3A_345 : f32 to vector<16xf32>
      %max3A_347 = arith.maximumf %sub3A_344, %max3A_346 : vector<16xf32>
      %add3A_348 = arith.addf %add3A_304, %max3A_347 : vector<16xf32>
      scf.yield %add3A_315, %add3A_326, %add3A_337, %add3A_348 : vector<16xf32>, vector<16xf32>, vector<16xf32>, vector<16xf32>
    }
    %scan3A_43 = arith.constant 125 : i32
    %get3A_44 = arith.constant 16 : index
    %get3A_45 = tpu.vector_load %arg5[%get3A_44] {strides = array<i32>} : memref<128xi32, #tpu.memory_space<vmem>>, vector<16xi32>,
    %get3A_46 = vector.shape_cast %get3A_45 : vector<16xi32> to vector<16xi32>
    %broadcast_in_dim3A_47 = arith.constant 0.000000e+00 : f32
    %broadcast_in_dim3A_48 = vector.broadcast %broadcast_in_dim3A_47 : f32 to vector<16xf32>
    %broadcast_in_dim3A_49 = arith.constant 0.000000e+00 : f32
    %broadcast_in_dim3A_50 = vector.broadcast %broadcast_in_dim3A_49 : f32 to vector<16xf32>
    %broadcast_in_dim3A_51 = arith.constant 0.000000e+00 : f32
    %broadcast_in_dim3A_52 = vector.broadcast %broadcast_in_dim3A_51 : f32 to vector<16xf32>
    %broadcast_in_dim3A_53 = arith.constant 0.000000e+00 : f32
    %broadcast_in_dim3A_54 = vector.broadcast %broadcast_in_dim3A_53 : f32 to vector<16xf32>
    %scan3A_55 = arith.constant 0 : i32
    %scan3A_56 = arith.constant 125 : i32
    %scan3A_57 = arith.addi %scan3A_55, %scan3A_56 : i32
    %scan3A_58 = arith.constant 1 : i32
    %scan3A_59:4 = scf.for %scan3A_255 = %scan3A_55 to %scan3A_57 step %scan3A_58 iter_args(%scan3A_256 = %broadcast_in_dim3A_48, %scan3A_257 = %broadcast_in_dim3A_50, %scan3A_258 = %broadcast_in_dim3A_52, %scan3A_259 = %broadcast_in_dim3A_54) -> (vector<16xf32>, vector<16xf32>, vector<16xf32>, vector<16xf32>)  : i32 {
      %mul3A_260 = arith.constant 8 : i32
      %mul3A_261 = arith.muli %scan3A_255, %mul3A_260 : i32
      %sub3A_262 = vector.broadcast %mul3A_261 : i32 to vector<16xi32>
      %sub3A_263 = arith.subi %get3A_46, %sub3A_262 : vector<16xi32>
      %add3A_264 = arith.constant 0 : i32
      %add3A_265 = arith.addi %mul3A_261, %add3A_264 : i32
      %get3A_266 = arith.index_cast %add3A_265 : i32 to index
      %get3A_267 = arith.constant 16 : index
      %get3A_268 = tpu.vector_load %arg6[%get3A_266, %get3A_267] {strides = array<i32>} : memref<1000x128xf32, #tpu.memory_space<vmem>>, vector<1x16xf32>,
      %get3A_269 = vector.shape_cast %get3A_268 : vector<1x16xf32> to vector<16xf32>
      %eq3A = arith.constant 0 : i32
      %eq3A_270 = vector.broadcast %eq3A : i32 to vector<16xi32>
      %eq3A_271 = arith.cmpi eq, %sub3A_263, %eq3A_270 : vector<16xi32>
      %select_n3A = arith.select %eq3A_271, %get3A_269, %scan3A_256 : vector<16xi1>, vector<16xf32>
      %add3A_272 = arith.constant 1 : i32
      %add3A_273 = arith.addi %mul3A_261, %add3A_272 : i32
      %get3A_274 = arith.index_cast %add3A_273 : i32 to index
      %get3A_275 = arith.constant 16 : index
      %get3A_276 = tpu.vector_load %arg6[%get3A_274, %get3A_275] {strides = array<i32>} : memref<1000x128xf32, #tpu.memory_space<vmem>>, vector<1x16xf32>,
      %get3A_277 = vector.shape_cast %get3A_276 : vector<1x16xf32> to vector<16xf32>
      %eq3A_278 = arith.constant 1 : i32
      %eq3A_279 = vector.broadcast %eq3A_278 : i32 to vector<16xi32>
      %eq3A_280 = arith.cmpi eq, %sub3A_263, %eq3A_279 : vector<16xi32>
      %select_n3A_281 = arith.select %eq3A_280, %get3A_277, %scan3A_257 : vector<16xi1>, vector<16xf32>
      %add3A_282 = arith.constant 2 : i32
      %add3A_283 = arith.addi %mul3A_261, %add3A_282 : i32
      %get3A_284 = arith.index_cast %add3A_283 : i32 to index
      %get3A_285 = arith.constant 16 : index
      %get3A_286 = tpu.vector_load %arg6[%get3A_284, %get3A_285] {strides = array<i32>} : memref<1000x128xf32, #tpu.memory_space<vmem>>, vector<1x16xf32>,
      %get3A_287 = vector.shape_cast %get3A_286 : vector<1x16xf32> to vector<16xf32>
      %eq3A_288 = arith.constant 2 : i32
      %eq3A_289 = vector.broadcast %eq3A_288 : i32 to vector<16xi32>
      %eq3A_290 = arith.cmpi eq, %sub3A_263, %eq3A_289 : vector<16xi32>
      %select_n3A_291 = arith.select %eq3A_290, %get3A_287, %scan3A_258 : vector<16xi1>, vector<16xf32>
      %add3A_292 = arith.constant 3 : i32
      %add3A_293 = arith.addi %mul3A_261, %add3A_292 : i32
      %get3A_294 = arith.index_cast %add3A_293 : i32 to index
      %get3A_295 = arith.constant 16 : index
      %get3A_296 = tpu.vector_load %arg6[%get3A_294, %get3A_295] {strides = array<i32>} : memref<1000x128xf32, #tpu.memory_space<vmem>>, vector<1x16xf32>,
      %get3A_297 = vector.shape_cast %get3A_296 : vector<1x16xf32> to vector<16xf32>
      %eq3A_298 = arith.constant 3 : i32
      %eq3A_299 = vector.broadcast %eq3A_298 : i32 to vector<16xi32>
      %eq3A_300 = arith.cmpi eq, %sub3A_263, %eq3A_299 : vector<16xi32>
      %select_n3A_301 = arith.select %eq3A_300, %get3A_297, %scan3A_259 : vector<16xi1>, vector<16xf32>
      %add3A_302 = arith.constant 4 : i32
      %add3A_303 = arith.addi %mul3A_261, %add3A_302 : i32
      %get3A_304 = arith.index_cast %add3A_303 : i32 to index
      %get3A_305 = arith.constant 16 : index
      %get3A_306 = tpu.vector_load %arg6[%get3A_304, %get3A_305] {strides = array<i32>} : memref<1000x128xf32, #tpu.memory_space<vmem>>, vector<1x16xf32>,
      %get3A_307 = vector.shape_cast %get3A_306 : vector<1x16xf32> to vector<16xf32>
      %eq3A_308 = arith.constant 4 : i32
      %eq3A_309 = vector.broadcast %eq3A_308 : i32 to vector<16xi32>
      %eq3A_310 = arith.cmpi eq, %sub3A_263, %eq3A_309 : vector<16xi32>
      %select_n3A_311 = arith.select %eq3A_310, %get3A_307, %select_n3A : vector<16xi1>, vector<16xf32>
      %add3A_312 = arith.constant 5 : i32
      %add3A_313 = arith.addi %mul3A_261, %add3A_312 : i32
      %get3A_314 = arith.index_cast %add3A_313 : i32 to index
      %get3A_315 = arith.constant 16 : index
      %get3A_316 = tpu.vector_load %arg6[%get3A_314, %get3A_315] {strides = array<i32>} : memref<1000x128xf32, #tpu.memory_space<vmem>>, vector<1x16xf32>,
      %get3A_317 = vector.shape_cast %get3A_316 : vector<1x16xf32> to vector<16xf32>
      %eq3A_318 = arith.constant 5 : i32
      %eq3A_319 = vector.broadcast %eq3A_318 : i32 to vector<16xi32>
      %eq3A_320 = arith.cmpi eq, %sub3A_263, %eq3A_319 : vector<16xi32>
      %select_n3A_321 = arith.select %eq3A_320, %get3A_317, %select_n3A_281 : vector<16xi1>, vector<16xf32>
      %add3A_322 = arith.constant 6 : i32
      %add3A_323 = arith.addi %mul3A_261, %add3A_322 : i32
      %get3A_324 = arith.index_cast %add3A_323 : i32 to index
      %get3A_325 = arith.constant 16 : index
      %get3A_326 = tpu.vector_load %arg6[%get3A_324, %get3A_325] {strides = array<i32>} : memref<1000x128xf32, #tpu.memory_space<vmem>>, vector<1x16xf32>,
      %get3A_327 = vector.shape_cast %get3A_326 : vector<1x16xf32> to vector<16xf32>
      %eq3A_328 = arith.constant 6 : i32
      %eq3A_329 = vector.broadcast %eq3A_328 : i32 to vector<16xi32>
      %eq3A_330 = arith.cmpi eq, %sub3A_263, %eq3A_329 : vector<16xi32>
      %select_n3A_331 = arith.select %eq3A_330, %get3A_327, %select_n3A_291 : vector<16xi1>, vector<16xf32>
      %add3A_332 = arith.constant 7 : i32
      %add3A_333 = arith.addi %mul3A_261, %add3A_332 : i32
      %get3A_334 = arith.index_cast %add3A_333 : i32 to index
      %get3A_335 = arith.constant 16 : index
      %get3A_336 = tpu.vector_load %arg6[%get3A_334, %get3A_335] {strides = array<i32>} : memref<1000x128xf32, #tpu.memory_space<vmem>>, vector<1x16xf32>,
      %get3A_337 = vector.shape_cast %get3A_336 : vector<1x16xf32> to vector<16xf32>
      %eq3A_338 = arith.constant 7 : i32
      %eq3A_339 = vector.broadcast %eq3A_338 : i32 to vector<16xi32>
      %eq3A_340 = arith.cmpi eq, %sub3A_263, %eq3A_339 : vector<16xi32>
      %select_n3A_341 = arith.select %eq3A_340, %get3A_337, %select_n3A_301 : vector<16xi1>, vector<16xf32>
      scf.yield %select_n3A_311, %select_n3A_321, %select_n3A_331, %select_n3A_341 : vector<16xf32>, vector<16xf32>, vector<16xf32>, vector<16xf32>
    }
    %scan3A_60 = arith.constant 125 : i32
    %add3A_61 = arith.addf %scan3A_59#0, %scan3A_59#1 : vector<16xf32>
    %add3A_62 = arith.addf %scan3A_59#2, %scan3A_59#3 : vector<16xf32>
    %add3A_63 = arith.addf %add3A_61, %add3A_62 : vector<16xf32>
    %sub3A_64 = arith.constant 1.000000e+00 : f32
    %sub3A_65 = vector.broadcast %sub3A_64 : f32 to vector<16xf32>
    %sub3A_66 = arith.subf %add3A_63, %sub3A_65 : vector<16xf32>
    %scan3A_67 = arith.constant 0 : i32
    %scan3A_68 = arith.constant 125 : i32
    %scan3A_69 = arith.addi %scan3A_67, %scan3A_68 : i32
    %scan3A_70 = arith.constant 1 : i32
    %scan3A_71:4 = scf.for %scan3A_255 = %scan3A_67 to %scan3A_69 step %scan3A_70 iter_args(%scan3A_256 = %scan3A_42#0, %scan3A_257 = %scan3A_42#1, %scan3A_258 = %scan3A_42#2, %scan3A_259 = %scan3A_42#3) -> (vector<16xf32>, vector<16xf32>, vector<16xf32>, vector<16xf32>)  : i32 {
      %mul3A_260 = arith.constant 8 : i32
      %mul3A_261 = arith.muli %scan3A_255, %mul3A_260 : i32
      %add3A_262 = arith.constant 0 : i32
      %add3A_263 = arith.addi %mul3A_261, %add3A_262 : i32
      %get3A_264 = arith.index_cast %add3A_263 : i32 to index
      %get3A_265 = arith.constant 16 : index
      %get3A_266 = tpu.vector_load %arg6[%get3A_264, %get3A_265] {strides = array<i32>} : memref<1000x128xf32, #tpu.memory_space<vmem>>, vector<1x16xf32>,
      %get3A_267 = vector.shape_cast %get3A_266 : vector<1x16xf32> to vector<16xf32>
      %sub3A_268 = arith.subf %get3A_267, %sub3A_66 : vector<16xf32>
      %max3A = arith.constant 0.000000e+00 : f32
      %max3A_269 = vector.broadcast %max3A : f32 to vector<16xf32>
      %max3A_270 = arith.maximumf %sub3A_268, %max3A_269 : vector<16xf32>
      %add3A_271 = arith.addf %scan3A_256, %max3A_270 : vector<16xf32>
      %add3A_272 = arith.constant 1 : i32
      %add3A_273 = arith.addi %mul3A_261, %add3A_272 : i32
      %get3A_274 = arith.index_cast %add3A_273 : i32 to index
      %get3A_275 = arith.constant 16 : index
      %get3A_276 = tpu.vector_load %arg6[%get3A_274, %get3A_275] {strides = array<i32>} : memref<1000x128xf32, #tpu.memory_space<vmem>>, vector<1x16xf32>,
      %get3A_277 = vector.shape_cast %get3A_276 : vector<1x16xf32> to vector<16xf32>
      %sub3A_278 = arith.subf %get3A_277, %sub3A_66 : vector<16xf32>
      %max3A_279 = arith.constant 0.000000e+00 : f32
      %max3A_280 = vector.broadcast %max3A_279 : f32 to vector<16xf32>
      %max3A_281 = arith.maximumf %sub3A_278, %max3A_280 : vector<16xf32>
      %add3A_282 = arith.addf %scan3A_257, %max3A_281 : vector<16xf32>
      %add3A_283 = arith.constant 2 : i32
      %add3A_284 = arith.addi %mul3A_261, %add3A_283 : i32
      %get3A_285 = arith.index_cast %add3A_284 : i32 to index
      %get3A_286 = arith.constant 16 : index
      %get3A_287 = tpu.vector_load %arg6[%get3A_285, %get3A_286] {strides = array<i32>} : memref<1000x128xf32, #tpu.memory_space<vmem>>, vector<1x16xf32>,
      %get3A_288 = vector.shape_cast %get3A_287 : vector<1x16xf32> to vector<16xf32>
      %sub3A_289 = arith.subf %get3A_288, %sub3A_66 : vector<16xf32>
      %max3A_290 = arith.constant 0.000000e+00 : f32
      %max3A_291 = vector.broadcast %max3A_290 : f32 to vector<16xf32>
      %max3A_292 = arith.maximumf %sub3A_289, %max3A_291 : vector<16xf32>
      %add3A_293 = arith.addf %scan3A_258, %max3A_292 : vector<16xf32>
      %add3A_294 = arith.constant 3 : i32
      %add3A_295 = arith.addi %mul3A_261, %add3A_294 : i32
      %get3A_296 = arith.index_cast %add3A_295 : i32 to index
      %get3A_297 = arith.constant 16 : index
      %get3A_298 = tpu.vector_load %arg6[%get3A_296, %get3A_297] {strides = array<i32>} : memref<1000x128xf32, #tpu.memory_space<vmem>>, vector<1x16xf32>,
      %get3A_299 = vector.shape_cast %get3A_298 : vector<1x16xf32> to vector<16xf32>
      %sub3A_300 = arith.subf %get3A_299, %sub3A_66 : vector<16xf32>
      %max3A_301 = arith.constant 0.000000e+00 : f32
      %max3A_302 = vector.broadcast %max3A_301 : f32 to vector<16xf32>
      %max3A_303 = arith.maximumf %sub3A_300, %max3A_302 : vector<16xf32>
      %add3A_304 = arith.addf %scan3A_259, %max3A_303 : vector<16xf32>
      %add3A_305 = arith.constant 4 : i32
      %add3A_306 = arith.addi %mul3A_261, %add3A_305 : i32
      %get3A_307 = arith.index_cast %add3A_306 : i32 to index
      %get3A_308 = arith.constant 16 : index
      %get3A_309 = tpu.vector_load %arg6[%get3A_307, %get3A_308] {strides = array<i32>} : memref<1000x128xf32, #tpu.memory_space<vmem>>, vector<1x16xf32>,
      %get3A_310 = vector.shape_cast %get3A_309 : vector<1x16xf32> to vector<16xf32>
      %sub3A_311 = arith.subf %get3A_310, %sub3A_66 : vector<16xf32>
      %max3A_312 = arith.constant 0.000000e+00 : f32
      %max3A_313 = vector.broadcast %max3A_312 : f32 to vector<16xf32>
      %max3A_314 = arith.maximumf %sub3A_311, %max3A_313 : vector<16xf32>
      %add3A_315 = arith.addf %add3A_271, %max3A_314 : vector<16xf32>
      %add3A_316 = arith.constant 5 : i32
      %add3A_317 = arith.addi %mul3A_261, %add3A_316 : i32
      %get3A_318 = arith.index_cast %add3A_317 : i32 to index
      %get3A_319 = arith.constant 16 : index
      %get3A_320 = tpu.vector_load %arg6[%get3A_318, %get3A_319] {strides = array<i32>} : memref<1000x128xf32, #tpu.memory_space<vmem>>, vector<1x16xf32>,
      %get3A_321 = vector.shape_cast %get3A_320 : vector<1x16xf32> to vector<16xf32>
      %sub3A_322 = arith.subf %get3A_321, %sub3A_66 : vector<16xf32>
      %max3A_323 = arith.constant 0.000000e+00 : f32
      %max3A_324 = vector.broadcast %max3A_323 : f32 to vector<16xf32>
      %max3A_325 = arith.maximumf %sub3A_322, %max3A_324 : vector<16xf32>
      %add3A_326 = arith.addf %add3A_282, %max3A_325 : vector<16xf32>
      %add3A_327 = arith.constant 6 : i32
      %add3A_328 = arith.addi %mul3A_261, %add3A_327 : i32
      %get3A_329 = arith.index_cast %add3A_328 : i32 to index
      %get3A_330 = arith.constant 16 : index
      %get3A_331 = tpu.vector_load %arg6[%get3A_329, %get3A_330] {strides = array<i32>} : memref<1000x128xf32, #tpu.memory_space<vmem>>, vector<1x16xf32>,
      %get3A_332 = vector.shape_cast %get3A_331 : vector<1x16xf32> to vector<16xf32>
      %sub3A_333 = arith.subf %get3A_332, %sub3A_66 : vector<16xf32>
      %max3A_334 = arith.constant 0.000000e+00 : f32
      %max3A_335 = vector.broadcast %max3A_334 : f32 to vector<16xf32>
      %max3A_336 = arith.maximumf %sub3A_333, %max3A_335 : vector<16xf32>
      %add3A_337 = arith.addf %add3A_293, %max3A_336 : vector<16xf32>
      %add3A_338 = arith.constant 7 : i32
      %add3A_339 = arith.addi %mul3A_261, %add3A_338 : i32
      %get3A_340 = arith.index_cast %add3A_339 : i32 to index
      %get3A_341 = arith.constant 16 : index
      %get3A_342 = tpu.vector_load %arg6[%get3A_340, %get3A_341] {strides = array<i32>} : memref<1000x128xf32, #tpu.memory_space<vmem>>, vector<1x16xf32>,
      %get3A_343 = vector.shape_cast %get3A_342 : vector<1x16xf32> to vector<16xf32>
      %sub3A_344 = arith.subf %get3A_343, %sub3A_66 : vector<16xf32>
      %max3A_345 = arith.constant 0.000000e+00 : f32
      %max3A_346 = vector.broadcast %max3A_345 : f32 to vector<16xf32>
      %max3A_347 = arith.maximumf %sub3A_344, %max3A_346 : vector<16xf32>
      %add3A_348 = arith.addf %add3A_304, %max3A_347 : vector<16xf32>
      scf.yield %add3A_315, %add3A_326, %add3A_337, %add3A_348 : vector<16xf32>, vector<16xf32>, vector<16xf32>, vector<16xf32>
    }
    %scan3A_72 = arith.constant 125 : i32
    %get3A_73 = arith.constant 32 : index
    %get3A_74 = tpu.vector_load %arg5[%get3A_73] {strides = array<i32>} : memref<128xi32, #tpu.memory_space<vmem>>, vector<16xi32>,
    %get3A_75 = vector.shape_cast %get3A_74 : vector<16xi32> to vector<16xi32>
    %broadcast_in_dim3A_76 = arith.constant 0.000000e+00 : f32
    %broadcast_in_dim3A_77 = vector.broadcast %broadcast_in_dim3A_76 : f32 to vector<16xf32>
    %broadcast_in_dim3A_78 = arith.constant 0.000000e+00 : f32
    %broadcast_in_dim3A_79 = vector.broadcast %broadcast_in_dim3A_78 : f32 to vector<16xf32>
    %broadcast_in_dim3A_80 = arith.constant 0.000000e+00 : f32
    %broadcast_in_dim3A_81 = vector.broadcast %broadcast_in_dim3A_80 : f32 to vector<16xf32>
    %broadcast_in_dim3A_82 = arith.constant 0.000000e+00 : f32
    %broadcast_in_dim3A_83 = vector.broadcast %broadcast_in_dim3A_82 : f32 to vector<16xf32>
    %scan3A_84 = arith.constant 0 : i32
    %scan3A_85 = arith.constant 125 : i32
    %scan3A_86 = arith.addi %scan3A_84, %scan3A_85 : i32
    %scan3A_87 = arith.constant 1 : i32
    %scan3A_88:4 = scf.for %scan3A_255 = %scan3A_84 to %scan3A_86 step %scan3A_87 iter_args(%scan3A_256 = %broadcast_in_dim3A_77, %scan3A_257 = %broadcast_in_dim3A_79, %scan3A_258 = %broadcast_in_dim3A_81, %scan3A_259 = %broadcast_in_dim3A_83) -> (vector<16xf32>, vector<16xf32>, vector<16xf32>, vector<16xf32>)  : i32 {
      %mul3A_260 = arith.constant 8 : i32
      %mul3A_261 = arith.muli %scan3A_255, %mul3A_260 : i32
      %sub3A_262 = vector.broadcast %mul3A_261 : i32 to vector<16xi32>
      %sub3A_263 = arith.subi %get3A_75, %sub3A_262 : vector<16xi32>
      %add3A_264 = arith.constant 0 : i32
      %add3A_265 = arith.addi %mul3A_261, %add3A_264 : i32
      %get3A_266 = arith.index_cast %add3A_265 : i32 to index
      %get3A_267 = arith.constant 32 : index
      %get3A_268 = tpu.vector_load %arg6[%get3A_266, %get3A_267] {strides = array<i32>} : memref<1000x128xf32, #tpu.memory_space<vmem>>, vector<1x16xf32>,
      %get3A_269 = vector.shape_cast %get3A_268 : vector<1x16xf32> to vector<16xf32>
      %eq3A = arith.constant 0 : i32
      %eq3A_270 = vector.broadcast %eq3A : i32 to vector<16xi32>
      %eq3A_271 = arith.cmpi eq, %sub3A_263, %eq3A_270 : vector<16xi32>
      %select_n3A = arith.select %eq3A_271, %get3A_269, %scan3A_256 : vector<16xi1>, vector<16xf32>
      %add3A_272 = arith.constant 1 : i32
      %add3A_273 = arith.addi %mul3A_261, %add3A_272 : i32
      %get3A_274 = arith.index_cast %add3A_273 : i32 to index
      %get3A_275 = arith.constant 32 : index
      %get3A_276 = tpu.vector_load %arg6[%get3A_274, %get3A_275] {strides = array<i32>} : memref<1000x128xf32, #tpu.memory_space<vmem>>, vector<1x16xf32>,
      %get3A_277 = vector.shape_cast %get3A_276 : vector<1x16xf32> to vector<16xf32>
      %eq3A_278 = arith.constant 1 : i32
      %eq3A_279 = vector.broadcast %eq3A_278 : i32 to vector<16xi32>
      %eq3A_280 = arith.cmpi eq, %sub3A_263, %eq3A_279 : vector<16xi32>
      %select_n3A_281 = arith.select %eq3A_280, %get3A_277, %scan3A_257 : vector<16xi1>, vector<16xf32>
      %add3A_282 = arith.constant 2 : i32
      %add3A_283 = arith.addi %mul3A_261, %add3A_282 : i32
      %get3A_284 = arith.index_cast %add3A_283 : i32 to index
      %get3A_285 = arith.constant 32 : index
      %get3A_286 = tpu.vector_load %arg6[%get3A_284, %get3A_285] {strides = array<i32>} : memref<1000x128xf32, #tpu.memory_space<vmem>>, vector<1x16xf32>,
      %get3A_287 = vector.shape_cast %get3A_286 : vector<1x16xf32> to vector<16xf32>
      %eq3A_288 = arith.constant 2 : i32
      %eq3A_289 = vector.broadcast %eq3A_288 : i32 to vector<16xi32>
      %eq3A_290 = arith.cmpi eq, %sub3A_263, %eq3A_289 : vector<16xi32>
      %select_n3A_291 = arith.select %eq3A_290, %get3A_287, %scan3A_258 : vector<16xi1>, vector<16xf32>
      %add3A_292 = arith.constant 3 : i32
      %add3A_293 = arith.addi %mul3A_261, %add3A_292 : i32
      %get3A_294 = arith.index_cast %add3A_293 : i32 to index
      %get3A_295 = arith.constant 32 : index
      %get3A_296 = tpu.vector_load %arg6[%get3A_294, %get3A_295] {strides = array<i32>} : memref<1000x128xf32, #tpu.memory_space<vmem>>, vector<1x16xf32>,
      %get3A_297 = vector.shape_cast %get3A_296 : vector<1x16xf32> to vector<16xf32>
      %eq3A_298 = arith.constant 3 : i32
      %eq3A_299 = vector.broadcast %eq3A_298 : i32 to vector<16xi32>
      %eq3A_300 = arith.cmpi eq, %sub3A_263, %eq3A_299 : vector<16xi32>
      %select_n3A_301 = arith.select %eq3A_300, %get3A_297, %scan3A_259 : vector<16xi1>, vector<16xf32>
      %add3A_302 = arith.constant 4 : i32
      %add3A_303 = arith.addi %mul3A_261, %add3A_302 : i32
      %get3A_304 = arith.index_cast %add3A_303 : i32 to index
      %get3A_305 = arith.constant 32 : index
      %get3A_306 = tpu.vector_load %arg6[%get3A_304, %get3A_305] {strides = array<i32>} : memref<1000x128xf32, #tpu.memory_space<vmem>>, vector<1x16xf32>,
      %get3A_307 = vector.shape_cast %get3A_306 : vector<1x16xf32> to vector<16xf32>
      %eq3A_308 = arith.constant 4 : i32
      %eq3A_309 = vector.broadcast %eq3A_308 : i32 to vector<16xi32>
      %eq3A_310 = arith.cmpi eq, %sub3A_263, %eq3A_309 : vector<16xi32>
      %select_n3A_311 = arith.select %eq3A_310, %get3A_307, %select_n3A : vector<16xi1>, vector<16xf32>
      %add3A_312 = arith.constant 5 : i32
      %add3A_313 = arith.addi %mul3A_261, %add3A_312 : i32
      %get3A_314 = arith.index_cast %add3A_313 : i32 to index
      %get3A_315 = arith.constant 32 : index
      %get3A_316 = tpu.vector_load %arg6[%get3A_314, %get3A_315] {strides = array<i32>} : memref<1000x128xf32, #tpu.memory_space<vmem>>, vector<1x16xf32>,
      %get3A_317 = vector.shape_cast %get3A_316 : vector<1x16xf32> to vector<16xf32>
      %eq3A_318 = arith.constant 5 : i32
      %eq3A_319 = vector.broadcast %eq3A_318 : i32 to vector<16xi32>
      %eq3A_320 = arith.cmpi eq, %sub3A_263, %eq3A_319 : vector<16xi32>
      %select_n3A_321 = arith.select %eq3A_320, %get3A_317, %select_n3A_281 : vector<16xi1>, vector<16xf32>
      %add3A_322 = arith.constant 6 : i32
      %add3A_323 = arith.addi %mul3A_261, %add3A_322 : i32
      %get3A_324 = arith.index_cast %add3A_323 : i32 to index
      %get3A_325 = arith.constant 32 : index
      %get3A_326 = tpu.vector_load %arg6[%get3A_324, %get3A_325] {strides = array<i32>} : memref<1000x128xf32, #tpu.memory_space<vmem>>, vector<1x16xf32>,
      %get3A_327 = vector.shape_cast %get3A_326 : vector<1x16xf32> to vector<16xf32>
      %eq3A_328 = arith.constant 6 : i32
      %eq3A_329 = vector.broadcast %eq3A_328 : i32 to vector<16xi32>
      %eq3A_330 = arith.cmpi eq, %sub3A_263, %eq3A_329 : vector<16xi32>
      %select_n3A_331 = arith.select %eq3A_330, %get3A_327, %select_n3A_291 : vector<16xi1>, vector<16xf32>
      %add3A_332 = arith.constant 7 : i32
      %add3A_333 = arith.addi %mul3A_261, %add3A_332 : i32
      %get3A_334 = arith.index_cast %add3A_333 : i32 to index
      %get3A_335 = arith.constant 32 : index
      %get3A_336 = tpu.vector_load %arg6[%get3A_334, %get3A_335] {strides = array<i32>} : memref<1000x128xf32, #tpu.memory_space<vmem>>, vector<1x16xf32>,
      %get3A_337 = vector.shape_cast %get3A_336 : vector<1x16xf32> to vector<16xf32>
      %eq3A_338 = arith.constant 7 : i32
      %eq3A_339 = vector.broadcast %eq3A_338 : i32 to vector<16xi32>
      %eq3A_340 = arith.cmpi eq, %sub3A_263, %eq3A_339 : vector<16xi32>
      %select_n3A_341 = arith.select %eq3A_340, %get3A_337, %select_n3A_301 : vector<16xi1>, vector<16xf32>
      scf.yield %select_n3A_311, %select_n3A_321, %select_n3A_331, %select_n3A_341 : vector<16xf32>, vector<16xf32>, vector<16xf32>, vector<16xf32>
    }
    %scan3A_89 = arith.constant 125 : i32
    %add3A_90 = arith.addf %scan3A_88#0, %scan3A_88#1 : vector<16xf32>
    %add3A_91 = arith.addf %scan3A_88#2, %scan3A_88#3 : vector<16xf32>
    %add3A_92 = arith.addf %add3A_90, %add3A_91 : vector<16xf32>
    %sub3A_93 = arith.constant 1.000000e+00 : f32
    %sub3A_94 = vector.broadcast %sub3A_93 : f32 to vector<16xf32>
    %sub3A_95 = arith.subf %add3A_92, %sub3A_94 : vector<16xf32>
    %scan3A_96 = arith.constant 0 : i32
    %scan3A_97 = arith.constant 125 : i32
    %scan3A_98 = arith.addi %scan3A_96, %scan3A_97 : i32
    %scan3A_99 = arith.constant 1 : i32
    %scan3A_100:4 = scf.for %scan3A_255 = %scan3A_96 to %scan3A_98 step %scan3A_99 iter_args(%scan3A_256 = %scan3A_71#0, %scan3A_257 = %scan3A_71#1, %scan3A_258 = %scan3A_71#2, %scan3A_259 = %scan3A_71#3) -> (vector<16xf32>, vector<16xf32>, vector<16xf32>, vector<16xf32>)  : i32 {
      %mul3A_260 = arith.constant 8 : i32
      %mul3A_261 = arith.muli %scan3A_255, %mul3A_260 : i32
      %add3A_262 = arith.constant 0 : i32
      %add3A_263 = arith.addi %mul3A_261, %add3A_262 : i32
      %get3A_264 = arith.index_cast %add3A_263 : i32 to index
      %get3A_265 = arith.constant 32 : index
      %get3A_266 = tpu.vector_load %arg6[%get3A_264, %get3A_265] {strides = array<i32>} : memref<1000x128xf32, #tpu.memory_space<vmem>>, vector<1x16xf32>,
      %get3A_267 = vector.shape_cast %get3A_266 : vector<1x16xf32> to vector<16xf32>
      %sub3A_268 = arith.subf %get3A_267, %sub3A_95 : vector<16xf32>
      %max3A = arith.constant 0.000000e+00 : f32
      %max3A_269 = vector.broadcast %max3A : f32 to vector<16xf32>
      %max3A_270 = arith.maximumf %sub3A_268, %max3A_269 : vector<16xf32>
      %add3A_271 = arith.addf %scan3A_256, %max3A_270 : vector<16xf32>
      %add3A_272 = arith.constant 1 : i32
      %add3A_273 = arith.addi %mul3A_261, %add3A_272 : i32
      %get3A_274 = arith.index_cast %add3A_273 : i32 to index
      %get3A_275 = arith.constant 32 : index
      %get3A_276 = tpu.vector_load %arg6[%get3A_274, %get3A_275] {strides = array<i32>} : memref<1000x128xf32, #tpu.memory_space<vmem>>, vector<1x16xf32>,
      %get3A_277 = vector.shape_cast %get3A_276 : vector<1x16xf32> to vector<16xf32>
      %sub3A_278 = arith.subf %get3A_277, %sub3A_95 : vector<16xf32>
      %max3A_279 = arith.constant 0.000000e+00 : f32
      %max3A_280 = vector.broadcast %max3A_279 : f32 to vector<16xf32>
      %max3A_281 = arith.maximumf %sub3A_278, %max3A_280 : vector<16xf32>
      %add3A_282 = arith.addf %scan3A_257, %max3A_281 : vector<16xf32>
      %add3A_283 = arith.constant 2 : i32
      %add3A_284 = arith.addi %mul3A_261, %add3A_283 : i32
      %get3A_285 = arith.index_cast %add3A_284 : i32 to index
      %get3A_286 = arith.constant 32 : index
      %get3A_287 = tpu.vector_load %arg6[%get3A_285, %get3A_286] {strides = array<i32>} : memref<1000x128xf32, #tpu.memory_space<vmem>>, vector<1x16xf32>,
      %get3A_288 = vector.shape_cast %get3A_287 : vector<1x16xf32> to vector<16xf32>
      %sub3A_289 = arith.subf %get3A_288, %sub3A_95 : vector<16xf32>
      %max3A_290 = arith.constant 0.000000e+00 : f32
      %max3A_291 = vector.broadcast %max3A_290 : f32 to vector<16xf32>
      %max3A_292 = arith.maximumf %sub3A_289, %max3A_291 : vector<16xf32>
      %add3A_293 = arith.addf %scan3A_258, %max3A_292 : vector<16xf32>
      %add3A_294 = arith.constant 3 : i32
      %add3A_295 = arith.addi %mul3A_261, %add3A_294 : i32
      %get3A_296 = arith.index_cast %add3A_295 : i32 to index
      %get3A_297 = arith.constant 32 : index
      %get3A_298 = tpu.vector_load %arg6[%get3A_296, %get3A_297] {strides = array<i32>} : memref<1000x128xf32, #tpu.memory_space<vmem>>, vector<1x16xf32>,
      %get3A_299 = vector.shape_cast %get3A_298 : vector<1x16xf32> to vector<16xf32>
      %sub3A_300 = arith.subf %get3A_299, %sub3A_95 : vector<16xf32>
      %max3A_301 = arith.constant 0.000000e+00 : f32
      %max3A_302 = vector.broadcast %max3A_301 : f32 to vector<16xf32>
      %max3A_303 = arith.maximumf %sub3A_300, %max3A_302 : vector<16xf32>
      %add3A_304 = arith.addf %scan3A_259, %max3A_303 : vector<16xf32>
      %add3A_305 = arith.constant 4 : i32
      %add3A_306 = arith.addi %mul3A_261, %add3A_305 : i32
      %get3A_307 = arith.index_cast %add3A_306 : i32 to index
      %get3A_308 = arith.constant 32 : index
      %get3A_309 = tpu.vector_load %arg6[%get3A_307, %get3A_308] {strides = array<i32>} : memref<1000x128xf32, #tpu.memory_space<vmem>>, vector<1x16xf32>,
      %get3A_310 = vector.shape_cast %get3A_309 : vector<1x16xf32> to vector<16xf32>
      %sub3A_311 = arith.subf %get3A_310, %sub3A_95 : vector<16xf32>
      %max3A_312 = arith.constant 0.000000e+00 : f32
      %max3A_313 = vector.broadcast %max3A_312 : f32 to vector<16xf32>
      %max3A_314 = arith.maximumf %sub3A_311, %max3A_313 : vector<16xf32>
      %add3A_315 = arith.addf %add3A_271, %max3A_314 : vector<16xf32>
      %add3A_316 = arith.constant 5 : i32
      %add3A_317 = arith.addi %mul3A_261, %add3A_316 : i32
      %get3A_318 = arith.index_cast %add3A_317 : i32 to index
      %get3A_319 = arith.constant 32 : index
      %get3A_320 = tpu.vector_load %arg6[%get3A_318, %get3A_319] {strides = array<i32>} : memref<1000x128xf32, #tpu.memory_space<vmem>>, vector<1x16xf32>,
      %get3A_321 = vector.shape_cast %get3A_320 : vector<1x16xf32> to vector<16xf32>
      %sub3A_322 = arith.subf %get3A_321, %sub3A_95 : vector<16xf32>
      %max3A_323 = arith.constant 0.000000e+00 : f32
      %max3A_324 = vector.broadcast %max3A_323 : f32 to vector<16xf32>
      %max3A_325 = arith.maximumf %sub3A_322, %max3A_324 : vector<16xf32>
      %add3A_326 = arith.addf %add3A_282, %max3A_325 : vector<16xf32>
      %add3A_327 = arith.constant 6 : i32
      %add3A_328 = arith.addi %mul3A_261, %add3A_327 : i32
      %get3A_329 = arith.index_cast %add3A_328 : i32 to index
      %get3A_330 = arith.constant 32 : index
      %get3A_331 = tpu.vector_load %arg6[%get3A_329, %get3A_330] {strides = array<i32>} : memref<1000x128xf32, #tpu.memory_space<vmem>>, vector<1x16xf32>,
      %get3A_332 = vector.shape_cast %get3A_331 : vector<1x16xf32> to vector<16xf32>
      %sub3A_333 = arith.subf %get3A_332, %sub3A_95 : vector<16xf32>
      %max3A_334 = arith.constant 0.000000e+00 : f32
      %max3A_335 = vector.broadcast %max3A_334 : f32 to vector<16xf32>
      %max3A_336 = arith.maximumf %sub3A_333, %max3A_335 : vector<16xf32>
      %add3A_337 = arith.addf %add3A_293, %max3A_336 : vector<16xf32>
      %add3A_338 = arith.constant 7 : i32
      %add3A_339 = arith.addi %mul3A_261, %add3A_338 : i32
      %get3A_340 = arith.index_cast %add3A_339 : i32 to index
      %get3A_341 = arith.constant 32 : index
      %get3A_342 = tpu.vector_load %arg6[%get3A_340, %get3A_341] {strides = array<i32>} : memref<1000x128xf32, #tpu.memory_space<vmem>>, vector<1x16xf32>,
      %get3A_343 = vector.shape_cast %get3A_342 : vector<1x16xf32> to vector<16xf32>
      %sub3A_344 = arith.subf %get3A_343, %sub3A_95 : vector<16xf32>
      %max3A_345 = arith.constant 0.000000e+00 : f32
      %max3A_346 = vector.broadcast %max3A_345 : f32 to vector<16xf32>
      %max3A_347 = arith.maximumf %sub3A_344, %max3A_346 : vector<16xf32>
      %add3A_348 = arith.addf %add3A_304, %max3A_347 : vector<16xf32>
      scf.yield %add3A_315, %add3A_326, %add3A_337, %add3A_348 : vector<16xf32>, vector<16xf32>, vector<16xf32>, vector<16xf32>
    }
    %scan3A_101 = arith.constant 125 : i32
    %get3A_102 = arith.constant 48 : index
    %get3A_103 = tpu.vector_load %arg5[%get3A_102] {strides = array<i32>} : memref<128xi32, #tpu.memory_space<vmem>>, vector<16xi32>,
    %get3A_104 = vector.shape_cast %get3A_103 : vector<16xi32> to vector<16xi32>
    %broadcast_in_dim3A_105 = arith.constant 0.000000e+00 : f32
    %broadcast_in_dim3A_106 = vector.broadcast %broadcast_in_dim3A_105 : f32 to vector<16xf32>
    %broadcast_in_dim3A_107 = arith.constant 0.000000e+00 : f32
    %broadcast_in_dim3A_108 = vector.broadcast %broadcast_in_dim3A_107 : f32 to vector<16xf32>
    %broadcast_in_dim3A_109 = arith.constant 0.000000e+00 : f32
    %broadcast_in_dim3A_110 = vector.broadcast %broadcast_in_dim3A_109 : f32 to vector<16xf32>
    %broadcast_in_dim3A_111 = arith.constant 0.000000e+00 : f32
    %broadcast_in_dim3A_112 = vector.broadcast %broadcast_in_dim3A_111 : f32 to vector<16xf32>
    %scan3A_113 = arith.constant 0 : i32
    %scan3A_114 = arith.constant 125 : i32
    %scan3A_115 = arith.addi %scan3A_113, %scan3A_114 : i32
    %scan3A_116 = arith.constant 1 : i32
    %scan3A_117:4 = scf.for %scan3A_255 = %scan3A_113 to %scan3A_115 step %scan3A_116 iter_args(%scan3A_256 = %broadcast_in_dim3A_106, %scan3A_257 = %broadcast_in_dim3A_108, %scan3A_258 = %broadcast_in_dim3A_110, %scan3A_259 = %broadcast_in_dim3A_112) -> (vector<16xf32>, vector<16xf32>, vector<16xf32>, vector<16xf32>)  : i32 {
      %mul3A_260 = arith.constant 8 : i32
      %mul3A_261 = arith.muli %scan3A_255, %mul3A_260 : i32
      %sub3A_262 = vector.broadcast %mul3A_261 : i32 to vector<16xi32>
      %sub3A_263 = arith.subi %get3A_104, %sub3A_262 : vector<16xi32>
      %add3A_264 = arith.constant 0 : i32
      %add3A_265 = arith.addi %mul3A_261, %add3A_264 : i32
      %get3A_266 = arith.index_cast %add3A_265 : i32 to index
      %get3A_267 = arith.constant 48 : index
      %get3A_268 = tpu.vector_load %arg6[%get3A_266, %get3A_267] {strides = array<i32>} : memref<1000x128xf32, #tpu.memory_space<vmem>>, vector<1x16xf32>,
      %get3A_269 = vector.shape_cast %get3A_268 : vector<1x16xf32> to vector<16xf32>
      %eq3A = arith.constant 0 : i32
      %eq3A_270 = vector.broadcast %eq3A : i32 to vector<16xi32>
      %eq3A_271 = arith.cmpi eq, %sub3A_263, %eq3A_270 : vector<16xi32>
      %select_n3A = arith.select %eq3A_271, %get3A_269, %scan3A_256 : vector<16xi1>, vector<16xf32>
      %add3A_272 = arith.constant 1 : i32
      %add3A_273 = arith.addi %mul3A_261, %add3A_272 : i32
      %get3A_274 = arith.index_cast %add3A_273 : i32 to index
      %get3A_275 = arith.constant 48 : index
      %get3A_276 = tpu.vector_load %arg6[%get3A_274, %get3A_275] {strides = array<i32>} : memref<1000x128xf32, #tpu.memory_space<vmem>>, vector<1x16xf32>,
      %get3A_277 = vector.shape_cast %get3A_276 : vector<1x16xf32> to vector<16xf32>
      %eq3A_278 = arith.constant 1 : i32
      %eq3A_279 = vector.broadcast %eq3A_278 : i32 to vector<16xi32>
      %eq3A_280 = arith.cmpi eq, %sub3A_263, %eq3A_279 : vector<16xi32>
      %select_n3A_281 = arith.select %eq3A_280, %get3A_277, %scan3A_257 : vector<16xi1>, vector<16xf32>
      %add3A_282 = arith.constant 2 : i32
      %add3A_283 = arith.addi %mul3A_261, %add3A_282 : i32
      %get3A_284 = arith.index_cast %add3A_283 : i32 to index
      %get3A_285 = arith.constant 48 : index
      %get3A_286 = tpu.vector_load %arg6[%get3A_284, %get3A_285] {strides = array<i32>} : memref<1000x128xf32, #tpu.memory_space<vmem>>, vector<1x16xf32>,
      %get3A_287 = vector.shape_cast %get3A_286 : vector<1x16xf32> to vector<16xf32>
      %eq3A_288 = arith.constant 2 : i32
      %eq3A_289 = vector.broadcast %eq3A_288 : i32 to vector<16xi32>
      %eq3A_290 = arith.cmpi eq, %sub3A_263, %eq3A_289 : vector<16xi32>
      %select_n3A_291 = arith.select %eq3A_290, %get3A_287, %scan3A_258 : vector<16xi1>, vector<16xf32>
      %add3A_292 = arith.constant 3 : i32
      %add3A_293 = arith.addi %mul3A_261, %add3A_292 : i32
      %get3A_294 = arith.index_cast %add3A_293 : i32 to index
      %get3A_295 = arith.constant 48 : index
      %get3A_296 = tpu.vector_load %arg6[%get3A_294, %get3A_295] {strides = array<i32>} : memref<1000x128xf32, #tpu.memory_space<vmem>>, vector<1x16xf32>,
      %get3A_297 = vector.shape_cast %get3A_296 : vector<1x16xf32> to vector<16xf32>
      %eq3A_298 = arith.constant 3 : i32
      %eq3A_299 = vector.broadcast %eq3A_298 : i32 to vector<16xi32>
      %eq3A_300 = arith.cmpi eq, %sub3A_263, %eq3A_299 : vector<16xi32>
      %select_n3A_301 = arith.select %eq3A_300, %get3A_297, %scan3A_259 : vector<16xi1>, vector<16xf32>
      %add3A_302 = arith.constant 4 : i32
      %add3A_303 = arith.addi %mul3A_261, %add3A_302 : i32
      %get3A_304 = arith.index_cast %add3A_303 : i32 to index
      %get3A_305 = arith.constant 48 : index
      %get3A_306 = tpu.vector_load %arg6[%get3A_304, %get3A_305] {strides = array<i32>} : memref<1000x128xf32, #tpu.memory_space<vmem>>, vector<1x16xf32>,
      %get3A_307 = vector.shape_cast %get3A_306 : vector<1x16xf32> to vector<16xf32>
      %eq3A_308 = arith.constant 4 : i32
      %eq3A_309 = vector.broadcast %eq3A_308 : i32 to vector<16xi32>
      %eq3A_310 = arith.cmpi eq, %sub3A_263, %eq3A_309 : vector<16xi32>
      %select_n3A_311 = arith.select %eq3A_310, %get3A_307, %select_n3A : vector<16xi1>, vector<16xf32>
      %add3A_312 = arith.constant 5 : i32
      %add3A_313 = arith.addi %mul3A_261, %add3A_312 : i32
      %get3A_314 = arith.index_cast %add3A_313 : i32 to index
      %get3A_315 = arith.constant 48 : index
      %get3A_316 = tpu.vector_load %arg6[%get3A_314, %get3A_315] {strides = array<i32>} : memref<1000x128xf32, #tpu.memory_space<vmem>>, vector<1x16xf32>,
      %get3A_317 = vector.shape_cast %get3A_316 : vector<1x16xf32> to vector<16xf32>
      %eq3A_318 = arith.constant 5 : i32
      %eq3A_319 = vector.broadcast %eq3A_318 : i32 to vector<16xi32>
      %eq3A_320 = arith.cmpi eq, %sub3A_263, %eq3A_319 : vector<16xi32>
      %select_n3A_321 = arith.select %eq3A_320, %get3A_317, %select_n3A_281 : vector<16xi1>, vector<16xf32>
      %add3A_322 = arith.constant 6 : i32
      %add3A_323 = arith.addi %mul3A_261, %add3A_322 : i32
      %get3A_324 = arith.index_cast %add3A_323 : i32 to index
      %get3A_325 = arith.constant 48 : index
      %get3A_326 = tpu.vector_load %arg6[%get3A_324, %get3A_325] {strides = array<i32>} : memref<1000x128xf32, #tpu.memory_space<vmem>>, vector<1x16xf32>,
      %get3A_327 = vector.shape_cast %get3A_326 : vector<1x16xf32> to vector<16xf32>
      %eq3A_328 = arith.constant 6 : i32
      %eq3A_329 = vector.broadcast %eq3A_328 : i32 to vector<16xi32>
      %eq3A_330 = arith.cmpi eq, %sub3A_263, %eq3A_329 : vector<16xi32>
      %select_n3A_331 = arith.select %eq3A_330, %get3A_327, %select_n3A_291 : vector<16xi1>, vector<16xf32>
      %add3A_332 = arith.constant 7 : i32
      %add3A_333 = arith.addi %mul3A_261, %add3A_332 : i32
      %get3A_334 = arith.index_cast %add3A_333 : i32 to index
      %get3A_335 = arith.constant 48 : index
      %get3A_336 = tpu.vector_load %arg6[%get3A_334, %get3A_335] {strides = array<i32>} : memref<1000x128xf32, #tpu.memory_space<vmem>>, vector<1x16xf32>,
      %get3A_337 = vector.shape_cast %get3A_336 : vector<1x16xf32> to vector<16xf32>
      %eq3A_338 = arith.constant 7 : i32
      %eq3A_339 = vector.broadcast %eq3A_338 : i32 to vector<16xi32>
      %eq3A_340 = arith.cmpi eq, %sub3A_263, %eq3A_339 : vector<16xi32>
      %select_n3A_341 = arith.select %eq3A_340, %get3A_337, %select_n3A_301 : vector<16xi1>, vector<16xf32>
      scf.yield %select_n3A_311, %select_n3A_321, %select_n3A_331, %select_n3A_341 : vector<16xf32>, vector<16xf32>, vector<16xf32>, vector<16xf32>
    }
    %scan3A_118 = arith.constant 125 : i32
    %add3A_119 = arith.addf %scan3A_117#0, %scan3A_117#1 : vector<16xf32>
    %add3A_120 = arith.addf %scan3A_117#2, %scan3A_117#3 : vector<16xf32>
    %add3A_121 = arith.addf %add3A_119, %add3A_120 : vector<16xf32>
    %sub3A_122 = arith.constant 1.000000e+00 : f32
    %sub3A_123 = vector.broadcast %sub3A_122 : f32 to vector<16xf32>
    %sub3A_124 = arith.subf %add3A_121, %sub3A_123 : vector<16xf32>
    %scan3A_125 = arith.constant 0 : i32
    %scan3A_126 = arith.constant 125 : i32
    %scan3A_127 = arith.addi %scan3A_125, %scan3A_126 : i32
    %scan3A_128 = arith.constant 1 : i32
    %scan3A_129:4 = scf.for %scan3A_255 = %scan3A_125 to %scan3A_127 step %scan3A_128 iter_args(%scan3A_256 = %scan3A_100#0, %scan3A_257 = %scan3A_100#1, %scan3A_258 = %scan3A_100#2, %scan3A_259 = %scan3A_100#3) -> (vector<16xf32>, vector<16xf32>, vector<16xf32>, vector<16xf32>)  : i32 {
      %mul3A_260 = arith.constant 8 : i32
      %mul3A_261 = arith.muli %scan3A_255, %mul3A_260 : i32
      %add3A_262 = arith.constant 0 : i32
      %add3A_263 = arith.addi %mul3A_261, %add3A_262 : i32
      %get3A_264 = arith.index_cast %add3A_263 : i32 to index
      %get3A_265 = arith.constant 48 : index
      %get3A_266 = tpu.vector_load %arg6[%get3A_264, %get3A_265] {strides = array<i32>} : memref<1000x128xf32, #tpu.memory_space<vmem>>, vector<1x16xf32>,
      %get3A_267 = vector.shape_cast %get3A_266 : vector<1x16xf32> to vector<16xf32>
      %sub3A_268 = arith.subf %get3A_267, %sub3A_124 : vector<16xf32>
      %max3A = arith.constant 0.000000e+00 : f32
      %max3A_269 = vector.broadcast %max3A : f32 to vector<16xf32>
      %max3A_270 = arith.maximumf %sub3A_268, %max3A_269 : vector<16xf32>
      %add3A_271 = arith.addf %scan3A_256, %max3A_270 : vector<16xf32>
      %add3A_272 = arith.constant 1 : i32
      %add3A_273 = arith.addi %mul3A_261, %add3A_272 : i32
      %get3A_274 = arith.index_cast %add3A_273 : i32 to index
      %get3A_275 = arith.constant 48 : index
      %get3A_276 = tpu.vector_load %arg6[%get3A_274, %get3A_275] {strides = array<i32>} : memref<1000x128xf32, #tpu.memory_space<vmem>>, vector<1x16xf32>,
      %get3A_277 = vector.shape_cast %get3A_276 : vector<1x16xf32> to vector<16xf32>
      %sub3A_278 = arith.subf %get3A_277, %sub3A_124 : vector<16xf32>
      %max3A_279 = arith.constant 0.000000e+00 : f32
      %max3A_280 = vector.broadcast %max3A_279 : f32 to vector<16xf32>
      %max3A_281 = arith.maximumf %sub3A_278, %max3A_280 : vector<16xf32>
      %add3A_282 = arith.addf %scan3A_257, %max3A_281 : vector<16xf32>
      %add3A_283 = arith.constant 2 : i32
      %add3A_284 = arith.addi %mul3A_261, %add3A_283 : i32
      %get3A_285 = arith.index_cast %add3A_284 : i32 to index
      %get3A_286 = arith.constant 48 : index
      %get3A_287 = tpu.vector_load %arg6[%get3A_285, %get3A_286] {strides = array<i32>} : memref<1000x128xf32, #tpu.memory_space<vmem>>, vector<1x16xf32>,
      %get3A_288 = vector.shape_cast %get3A_287 : vector<1x16xf32> to vector<16xf32>
      %sub3A_289 = arith.subf %get3A_288, %sub3A_124 : vector<16xf32>
      %max3A_290 = arith.constant 0.000000e+00 : f32
      %max3A_291 = vector.broadcast %max3A_290 : f32 to vector<16xf32>
      %max3A_292 = arith.maximumf %sub3A_289, %max3A_291 : vector<16xf32>
      %add3A_293 = arith.addf %scan3A_258, %max3A_292 : vector<16xf32>
      %add3A_294 = arith.constant 3 : i32
      %add3A_295 = arith.addi %mul3A_261, %add3A_294 : i32
      %get3A_296 = arith.index_cast %add3A_295 : i32 to index
      %get3A_297 = arith.constant 48 : index
      %get3A_298 = tpu.vector_load %arg6[%get3A_296, %get3A_297] {strides = array<i32>} : memref<1000x128xf32, #tpu.memory_space<vmem>>, vector<1x16xf32>,
      %get3A_299 = vector.shape_cast %get3A_298 : vector<1x16xf32> to vector<16xf32>
      %sub3A_300 = arith.subf %get3A_299, %sub3A_124 : vector<16xf32>
      %max3A_301 = arith.constant 0.000000e+00 : f32
      %max3A_302 = vector.broadcast %max3A_301 : f32 to vector<16xf32>
      %max3A_303 = arith.maximumf %sub3A_300, %max3A_302 : vector<16xf32>
      %add3A_304 = arith.addf %scan3A_259, %max3A_303 : vector<16xf32>
      %add3A_305 = arith.constant 4 : i32
      %add3A_306 = arith.addi %mul3A_261, %add3A_305 : i32
      %get3A_307 = arith.index_cast %add3A_306 : i32 to index
      %get3A_308 = arith.constant 48 : index
      %get3A_309 = tpu.vector_load %arg6[%get3A_307, %get3A_308] {strides = array<i32>} : memref<1000x128xf32, #tpu.memory_space<vmem>>, vector<1x16xf32>,
      %get3A_310 = vector.shape_cast %get3A_309 : vector<1x16xf32> to vector<16xf32>
      %sub3A_311 = arith.subf %get3A_310, %sub3A_124 : vector<16xf32>
      %max3A_312 = arith.constant 0.000000e+00 : f32
      %max3A_313 = vector.broadcast %max3A_312 : f32 to vector<16xf32>
      %max3A_314 = arith.maximumf %sub3A_311, %max3A_313 : vector<16xf32>
      %add3A_315 = arith.addf %add3A_271, %max3A_314 : vector<16xf32>
      %add3A_316 = arith.constant 5 : i32
      %add3A_317 = arith.addi %mul3A_261, %add3A_316 : i32
      %get3A_318 = arith.index_cast %add3A_317 : i32 to index
      %get3A_319 = arith.constant 48 : index
      %get3A_320 = tpu.vector_load %arg6[%get3A_318, %get3A_319] {strides = array<i32>} : memref<1000x128xf32, #tpu.memory_space<vmem>>, vector<1x16xf32>,
      %get3A_321 = vector.shape_cast %get3A_320 : vector<1x16xf32> to vector<16xf32>
      %sub3A_322 = arith.subf %get3A_321, %sub3A_124 : vector<16xf32>
      %max3A_323 = arith.constant 0.000000e+00 : f32
      %max3A_324 = vector.broadcast %max3A_323 : f32 to vector<16xf32>
      %max3A_325 = arith.maximumf %sub3A_322, %max3A_324 : vector<16xf32>
      %add3A_326 = arith.addf %add3A_282, %max3A_325 : vector<16xf32>
      %add3A_327 = arith.constant 6 : i32
      %add3A_328 = arith.addi %mul3A_261, %add3A_327 : i32
      %get3A_329 = arith.index_cast %add3A_328 : i32 to index
      %get3A_330 = arith.constant 48 : index
      %get3A_331 = tpu.vector_load %arg6[%get3A_329, %get3A_330] {strides = array<i32>} : memref<1000x128xf32, #tpu.memory_space<vmem>>, vector<1x16xf32>,
      %get3A_332 = vector.shape_cast %get3A_331 : vector<1x16xf32> to vector<16xf32>
      %sub3A_333 = arith.subf %get3A_332, %sub3A_124 : vector<16xf32>
      %max3A_334 = arith.constant 0.000000e+00 : f32
      %max3A_335 = vector.broadcast %max3A_334 : f32 to vector<16xf32>
      %max3A_336 = arith.maximumf %sub3A_333, %max3A_335 : vector<16xf32>
      %add3A_337 = arith.addf %add3A_293, %max3A_336 : vector<16xf32>
      %add3A_338 = arith.constant 7 : i32
      %add3A_339 = arith.addi %mul3A_261, %add3A_338 : i32
      %get3A_340 = arith.index_cast %add3A_339 : i32 to index
      %get3A_341 = arith.constant 48 : index
      %get3A_342 = tpu.vector_load %arg6[%get3A_340, %get3A_341] {strides = array<i32>} : memref<1000x128xf32, #tpu.memory_space<vmem>>, vector<1x16xf32>,
      %get3A_343 = vector.shape_cast %get3A_342 : vector<1x16xf32> to vector<16xf32>
      %sub3A_344 = arith.subf %get3A_343, %sub3A_124 : vector<16xf32>
      %max3A_345 = arith.constant 0.000000e+00 : f32
      %max3A_346 = vector.broadcast %max3A_345 : f32 to vector<16xf32>
      %max3A_347 = arith.maximumf %sub3A_344, %max3A_346 : vector<16xf32>
      %add3A_348 = arith.addf %add3A_304, %max3A_347 : vector<16xf32>
      scf.yield %add3A_315, %add3A_326, %add3A_337, %add3A_348 : vector<16xf32>, vector<16xf32>, vector<16xf32>, vector<16xf32>
    }
    %scan3A_130 = arith.constant 125 : i32
    %get3A_131 = arith.constant 64 : index
    %get3A_132 = tpu.vector_load %arg5[%get3A_131] {strides = array<i32>} : memref<128xi32, #tpu.memory_space<vmem>>, vector<16xi32>,
    %get3A_133 = vector.shape_cast %get3A_132 : vector<16xi32> to vector<16xi32>
    %broadcast_in_dim3A_134 = arith.constant 0.000000e+00 : f32
    %broadcast_in_dim3A_135 = vector.broadcast %broadcast_in_dim3A_134 : f32 to vector<16xf32>
    %broadcast_in_dim3A_136 = arith.constant 0.000000e+00 : f32
    %broadcast_in_dim3A_137 = vector.broadcast %broadcast_in_dim3A_136 : f32 to vector<16xf32>
    %broadcast_in_dim3A_138 = arith.constant 0.000000e+00 : f32
    %broadcast_in_dim3A_139 = vector.broadcast %broadcast_in_dim3A_138 : f32 to vector<16xf32>
    %broadcast_in_dim3A_140 = arith.constant 0.000000e+00 : f32
    %broadcast_in_dim3A_141 = vector.broadcast %broadcast_in_dim3A_140 : f32 to vector<16xf32>
    %scan3A_142 = arith.constant 0 : i32
    %scan3A_143 = arith.constant 125 : i32
    %scan3A_144 = arith.addi %scan3A_142, %scan3A_143 : i32
    %scan3A_145 = arith.constant 1 : i32
    %scan3A_146:4 = scf.for %scan3A_255 = %scan3A_142 to %scan3A_144 step %scan3A_145 iter_args(%scan3A_256 = %broadcast_in_dim3A_135, %scan3A_257 = %broadcast_in_dim3A_137, %scan3A_258 = %broadcast_in_dim3A_139, %scan3A_259 = %broadcast_in_dim3A_141) -> (vector<16xf32>, vector<16xf32>, vector<16xf32>, vector<16xf32>)  : i32 {
      %mul3A_260 = arith.constant 8 : i32
      %mul3A_261 = arith.muli %scan3A_255, %mul3A_260 : i32
      %sub3A_262 = vector.broadcast %mul3A_261 : i32 to vector<16xi32>
      %sub3A_263 = arith.subi %get3A_133, %sub3A_262 : vector<16xi32>
      %add3A_264 = arith.constant 0 : i32
      %add3A_265 = arith.addi %mul3A_261, %add3A_264 : i32
      %get3A_266 = arith.index_cast %add3A_265 : i32 to index
      %get3A_267 = arith.constant 64 : index
      %get3A_268 = tpu.vector_load %arg6[%get3A_266, %get3A_267] {strides = array<i32>} : memref<1000x128xf32, #tpu.memory_space<vmem>>, vector<1x16xf32>,
      %get3A_269 = vector.shape_cast %get3A_268 : vector<1x16xf32> to vector<16xf32>
      %eq3A = arith.constant 0 : i32
      %eq3A_270 = vector.broadcast %eq3A : i32 to vector<16xi32>
      %eq3A_271 = arith.cmpi eq, %sub3A_263, %eq3A_270 : vector<16xi32>
      %select_n3A = arith.select %eq3A_271, %get3A_269, %scan3A_256 : vector<16xi1>, vector<16xf32>
      %add3A_272 = arith.constant 1 : i32
      %add3A_273 = arith.addi %mul3A_261, %add3A_272 : i32
      %get3A_274 = arith.index_cast %add3A_273 : i32 to index
      %get3A_275 = arith.constant 64 : index
      %get3A_276 = tpu.vector_load %arg6[%get3A_274, %get3A_275] {strides = array<i32>} : memref<1000x128xf32, #tpu.memory_space<vmem>>, vector<1x16xf32>,
      %get3A_277 = vector.shape_cast %get3A_276 : vector<1x16xf32> to vector<16xf32>
      %eq3A_278 = arith.constant 1 : i32
      %eq3A_279 = vector.broadcast %eq3A_278 : i32 to vector<16xi32>
      %eq3A_280 = arith.cmpi eq, %sub3A_263, %eq3A_279 : vector<16xi32>
      %select_n3A_281 = arith.select %eq3A_280, %get3A_277, %scan3A_257 : vector<16xi1>, vector<16xf32>
      %add3A_282 = arith.constant 2 : i32
      %add3A_283 = arith.addi %mul3A_261, %add3A_282 : i32
      %get3A_284 = arith.index_cast %add3A_283 : i32 to index
      %get3A_285 = arith.constant 64 : index
      %get3A_286 = tpu.vector_load %arg6[%get3A_284, %get3A_285] {strides = array<i32>} : memref<1000x128xf32, #tpu.memory_space<vmem>>, vector<1x16xf32>,
      %get3A_287 = vector.shape_cast %get3A_286 : vector<1x16xf32> to vector<16xf32>
      %eq3A_288 = arith.constant 2 : i32
      %eq3A_289 = vector.broadcast %eq3A_288 : i32 to vector<16xi32>
      %eq3A_290 = arith.cmpi eq, %sub3A_263, %eq3A_289 : vector<16xi32>
      %select_n3A_291 = arith.select %eq3A_290, %get3A_287, %scan3A_258 : vector<16xi1>, vector<16xf32>
      %add3A_292 = arith.constant 3 : i32
      %add3A_293 = arith.addi %mul3A_261, %add3A_292 : i32
      %get3A_294 = arith.index_cast %add3A_293 : i32 to index
      %get3A_295 = arith.constant 64 : index
      %get3A_296 = tpu.vector_load %arg6[%get3A_294, %get3A_295] {strides = array<i32>} : memref<1000x128xf32, #tpu.memory_space<vmem>>, vector<1x16xf32>,
      %get3A_297 = vector.shape_cast %get3A_296 : vector<1x16xf32> to vector<16xf32>
      %eq3A_298 = arith.constant 3 : i32
      %eq3A_299 = vector.broadcast %eq3A_298 : i32 to vector<16xi32>
      %eq3A_300 = arith.cmpi eq, %sub3A_263, %eq3A_299 : vector<16xi32>
      %select_n3A_301 = arith.select %eq3A_300, %get3A_297, %scan3A_259 : vector<16xi1>, vector<16xf32>
      %add3A_302 = arith.constant 4 : i32
      %add3A_303 = arith.addi %mul3A_261, %add3A_302 : i32
      %get3A_304 = arith.index_cast %add3A_303 : i32 to index
      %get3A_305 = arith.constant 64 : index
      %get3A_306 = tpu.vector_load %arg6[%get3A_304, %get3A_305] {strides = array<i32>} : memref<1000x128xf32, #tpu.memory_space<vmem>>, vector<1x16xf32>,
      %get3A_307 = vector.shape_cast %get3A_306 : vector<1x16xf32> to vector<16xf32>
      %eq3A_308 = arith.constant 4 : i32
      %eq3A_309 = vector.broadcast %eq3A_308 : i32 to vector<16xi32>
      %eq3A_310 = arith.cmpi eq, %sub3A_263, %eq3A_309 : vector<16xi32>
      %select_n3A_311 = arith.select %eq3A_310, %get3A_307, %select_n3A : vector<16xi1>, vector<16xf32>
      %add3A_312 = arith.constant 5 : i32
      %add3A_313 = arith.addi %mul3A_261, %add3A_312 : i32
      %get3A_314 = arith.index_cast %add3A_313 : i32 to index
      %get3A_315 = arith.constant 64 : index
      %get3A_316 = tpu.vector_load %arg6[%get3A_314, %get3A_315] {strides = array<i32>} : memref<1000x128xf32, #tpu.memory_space<vmem>>, vector<1x16xf32>,
      %get3A_317 = vector.shape_cast %get3A_316 : vector<1x16xf32> to vector<16xf32>
      %eq3A_318 = arith.constant 5 : i32
      %eq3A_319 = vector.broadcast %eq3A_318 : i32 to vector<16xi32>
      %eq3A_320 = arith.cmpi eq, %sub3A_263, %eq3A_319 : vector<16xi32>
      %select_n3A_321 = arith.select %eq3A_320, %get3A_317, %select_n3A_281 : vector<16xi1>, vector<16xf32>
      %add3A_322 = arith.constant 6 : i32
      %add3A_323 = arith.addi %mul3A_261, %add3A_322 : i32
      %get3A_324 = arith.index_cast %add3A_323 : i32 to index
      %get3A_325 = arith.constant 64 : index
      %get3A_326 = tpu.vector_load %arg6[%get3A_324, %get3A_325] {strides = array<i32>} : memref<1000x128xf32, #tpu.memory_space<vmem>>, vector<1x16xf32>,
      %get3A_327 = vector.shape_cast %get3A_326 : vector<1x16xf32> to vector<16xf32>
      %eq3A_328 = arith.constant 6 : i32
      %eq3A_329 = vector.broadcast %eq3A_328 : i32 to vector<16xi32>
      %eq3A_330 = arith.cmpi eq, %sub3A_263, %eq3A_329 : vector<16xi32>
      %select_n3A_331 = arith.select %eq3A_330, %get3A_327, %select_n3A_291 : vector<16xi1>, vector<16xf32>
      %add3A_332 = arith.constant 7 : i32
      %add3A_333 = arith.addi %mul3A_261, %add3A_332 : i32
      %get3A_334 = arith.index_cast %add3A_333 : i32 to index
      %get3A_335 = arith.constant 64 : index
      %get3A_336 = tpu.vector_load %arg6[%get3A_334, %get3A_335] {strides = array<i32>} : memref<1000x128xf32, #tpu.memory_space<vmem>>, vector<1x16xf32>,
      %get3A_337 = vector.shape_cast %get3A_336 : vector<1x16xf32> to vector<16xf32>
      %eq3A_338 = arith.constant 7 : i32
      %eq3A_339 = vector.broadcast %eq3A_338 : i32 to vector<16xi32>
      %eq3A_340 = arith.cmpi eq, %sub3A_263, %eq3A_339 : vector<16xi32>
      %select_n3A_341 = arith.select %eq3A_340, %get3A_337, %select_n3A_301 : vector<16xi1>, vector<16xf32>
      scf.yield %select_n3A_311, %select_n3A_321, %select_n3A_331, %select_n3A_341 : vector<16xf32>, vector<16xf32>, vector<16xf32>, vector<16xf32>
    }
    %scan3A_147 = arith.constant 125 : i32
    %add3A_148 = arith.addf %scan3A_146#0, %scan3A_146#1 : vector<16xf32>
    %add3A_149 = arith.addf %scan3A_146#2, %scan3A_146#3 : vector<16xf32>
    %add3A_150 = arith.addf %add3A_148, %add3A_149 : vector<16xf32>
    %sub3A_151 = arith.constant 1.000000e+00 : f32
    %sub3A_152 = vector.broadcast %sub3A_151 : f32 to vector<16xf32>
    %sub3A_153 = arith.subf %add3A_150, %sub3A_152 : vector<16xf32>
    %scan3A_154 = arith.constant 0 : i32
    %scan3A_155 = arith.constant 125 : i32
    %scan3A_156 = arith.addi %scan3A_154, %scan3A_155 : i32
    %scan3A_157 = arith.constant 1 : i32
    %scan3A_158:4 = scf.for %scan3A_255 = %scan3A_154 to %scan3A_156 step %scan3A_157 iter_args(%scan3A_256 = %scan3A_129#0, %scan3A_257 = %scan3A_129#1, %scan3A_258 = %scan3A_129#2, %scan3A_259 = %scan3A_129#3) -> (vector<16xf32>, vector<16xf32>, vector<16xf32>, vector<16xf32>)  : i32 {
      %mul3A_260 = arith.constant 8 : i32
      %mul3A_261 = arith.muli %scan3A_255, %mul3A_260 : i32
      %add3A_262 = arith.constant 0 : i32
      %add3A_263 = arith.addi %mul3A_261, %add3A_262 : i32
      %get3A_264 = arith.index_cast %add3A_263 : i32 to index
      %get3A_265 = arith.constant 64 : index
      %get3A_266 = tpu.vector_load %arg6[%get3A_264, %get3A_265] {strides = array<i32>} : memref<1000x128xf32, #tpu.memory_space<vmem>>, vector<1x16xf32>,
      %get3A_267 = vector.shape_cast %get3A_266 : vector<1x16xf32> to vector<16xf32>
      %sub3A_268 = arith.subf %get3A_267, %sub3A_153 : vector<16xf32>
      %max3A = arith.constant 0.000000e+00 : f32
      %max3A_269 = vector.broadcast %max3A : f32 to vector<16xf32>
      %max3A_270 = arith.maximumf %sub3A_268, %max3A_269 : vector<16xf32>
      %add3A_271 = arith.addf %scan3A_256, %max3A_270 : vector<16xf32>
      %add3A_272 = arith.constant 1 : i32
      %add3A_273 = arith.addi %mul3A_261, %add3A_272 : i32
      %get3A_274 = arith.index_cast %add3A_273 : i32 to index
      %get3A_275 = arith.constant 64 : index
      %get3A_276 = tpu.vector_load %arg6[%get3A_274, %get3A_275] {strides = array<i32>} : memref<1000x128xf32, #tpu.memory_space<vmem>>, vector<1x16xf32>,
      %get3A_277 = vector.shape_cast %get3A_276 : vector<1x16xf32> to vector<16xf32>
      %sub3A_278 = arith.subf %get3A_277, %sub3A_153 : vector<16xf32>
      %max3A_279 = arith.constant 0.000000e+00 : f32
      %max3A_280 = vector.broadcast %max3A_279 : f32 to vector<16xf32>
      %max3A_281 = arith.maximumf %sub3A_278, %max3A_280 : vector<16xf32>
      %add3A_282 = arith.addf %scan3A_257, %max3A_281 : vector<16xf32>
      %add3A_283 = arith.constant 2 : i32
      %add3A_284 = arith.addi %mul3A_261, %add3A_283 : i32
      %get3A_285 = arith.index_cast %add3A_284 : i32 to index
      %get3A_286 = arith.constant 64 : index
      %get3A_287 = tpu.vector_load %arg6[%get3A_285, %get3A_286] {strides = array<i32>} : memref<1000x128xf32, #tpu.memory_space<vmem>>, vector<1x16xf32>,
      %get3A_288 = vector.shape_cast %get3A_287 : vector<1x16xf32> to vector<16xf32>
      %sub3A_289 = arith.subf %get3A_288, %sub3A_153 : vector<16xf32>
      %max3A_290 = arith.constant 0.000000e+00 : f32
      %max3A_291 = vector.broadcast %max3A_290 : f32 to vector<16xf32>
      %max3A_292 = arith.maximumf %sub3A_289, %max3A_291 : vector<16xf32>
      %add3A_293 = arith.addf %scan3A_258, %max3A_292 : vector<16xf32>
      %add3A_294 = arith.constant 3 : i32
      %add3A_295 = arith.addi %mul3A_261, %add3A_294 : i32
      %get3A_296 = arith.index_cast %add3A_295 : i32 to index
      %get3A_297 = arith.constant 64 : index
      %get3A_298 = tpu.vector_load %arg6[%get3A_296, %get3A_297] {strides = array<i32>} : memref<1000x128xf32, #tpu.memory_space<vmem>>, vector<1x16xf32>,
      %get3A_299 = vector.shape_cast %get3A_298 : vector<1x16xf32> to vector<16xf32>
      %sub3A_300 = arith.subf %get3A_299, %sub3A_153 : vector<16xf32>
      %max3A_301 = arith.constant 0.000000e+00 : f32
      %max3A_302 = vector.broadcast %max3A_301 : f32 to vector<16xf32>
      %max3A_303 = arith.maximumf %sub3A_300, %max3A_302 : vector<16xf32>
      %add3A_304 = arith.addf %scan3A_259, %max3A_303 : vector<16xf32>
      %add3A_305 = arith.constant 4 : i32
      %add3A_306 = arith.addi %mul3A_261, %add3A_305 : i32
      %get3A_307 = arith.index_cast %add3A_306 : i32 to index
      %get3A_308 = arith.constant 64 : index
      %get3A_309 = tpu.vector_load %arg6[%get3A_307, %get3A_308] {strides = array<i32>} : memref<1000x128xf32, #tpu.memory_space<vmem>>, vector<1x16xf32>,
      %get3A_310 = vector.shape_cast %get3A_309 : vector<1x16xf32> to vector<16xf32>
      %sub3A_311 = arith.subf %get3A_310, %sub3A_153 : vector<16xf32>
      %max3A_312 = arith.constant 0.000000e+00 : f32
      %max3A_313 = vector.broadcast %max3A_312 : f32 to vector<16xf32>
      %max3A_314 = arith.maximumf %sub3A_311, %max3A_313 : vector<16xf32>
      %add3A_315 = arith.addf %add3A_271, %max3A_314 : vector<16xf32>
      %add3A_316 = arith.constant 5 : i32
      %add3A_317 = arith.addi %mul3A_261, %add3A_316 : i32
      %get3A_318 = arith.index_cast %add3A_317 : i32 to index
      %get3A_319 = arith.constant 64 : index
      %get3A_320 = tpu.vector_load %arg6[%get3A_318, %get3A_319] {strides = array<i32>} : memref<1000x128xf32, #tpu.memory_space<vmem>>, vector<1x16xf32>,
      %get3A_321 = vector.shape_cast %get3A_320 : vector<1x16xf32> to vector<16xf32>
      %sub3A_322 = arith.subf %get3A_321, %sub3A_153 : vector<16xf32>
      %max3A_323 = arith.constant 0.000000e+00 : f32
      %max3A_324 = vector.broadcast %max3A_323 : f32 to vector<16xf32>
      %max3A_325 = arith.maximumf %sub3A_322, %max3A_324 : vector<16xf32>
      %add3A_326 = arith.addf %add3A_282, %max3A_325 : vector<16xf32>
      %add3A_327 = arith.constant 6 : i32
      %add3A_328 = arith.addi %mul3A_261, %add3A_327 : i32
      %get3A_329 = arith.index_cast %add3A_328 : i32 to index
      %get3A_330 = arith.constant 64 : index
      %get3A_331 = tpu.vector_load %arg6[%get3A_329, %get3A_330] {strides = array<i32>} : memref<1000x128xf32, #tpu.memory_space<vmem>>, vector<1x16xf32>,
      %get3A_332 = vector.shape_cast %get3A_331 : vector<1x16xf32> to vector<16xf32>
      %sub3A_333 = arith.subf %get3A_332, %sub3A_153 : vector<16xf32>
      %max3A_334 = arith.constant 0.000000e+00 : f32
      %max3A_335 = vector.broadcast %max3A_334 : f32 to vector<16xf32>
      %max3A_336 = arith.maximumf %sub3A_333, %max3A_335 : vector<16xf32>
      %add3A_337 = arith.addf %add3A_293, %max3A_336 : vector<16xf32>
      %add3A_338 = arith.constant 7 : i32
      %add3A_339 = arith.addi %mul3A_261, %add3A_338 : i32
      %get3A_340 = arith.index_cast %add3A_339 : i32 to index
      %get3A_341 = arith.constant 64 : index
      %get3A_342 = tpu.vector_load %arg6[%get3A_340, %get3A_341] {strides = array<i32>} : memref<1000x128xf32, #tpu.memory_space<vmem>>, vector<1x16xf32>,
      %get3A_343 = vector.shape_cast %get3A_342 : vector<1x16xf32> to vector<16xf32>
      %sub3A_344 = arith.subf %get3A_343, %sub3A_153 : vector<16xf32>
      %max3A_345 = arith.constant 0.000000e+00 : f32
      %max3A_346 = vector.broadcast %max3A_345 : f32 to vector<16xf32>
      %max3A_347 = arith.maximumf %sub3A_344, %max3A_346 : vector<16xf32>
      %add3A_348 = arith.addf %add3A_304, %max3A_347 : vector<16xf32>
      scf.yield %add3A_315, %add3A_326, %add3A_337, %add3A_348 : vector<16xf32>, vector<16xf32>, vector<16xf32>, vector<16xf32>
    }
    %scan3A_159 = arith.constant 125 : i32
    %get3A_160 = arith.constant 80 : index
    %get3A_161 = tpu.vector_load %arg5[%get3A_160] {strides = array<i32>} : memref<128xi32, #tpu.memory_space<vmem>>, vector<16xi32>,
    %get3A_162 = vector.shape_cast %get3A_161 : vector<16xi32> to vector<16xi32>
    %broadcast_in_dim3A_163 = arith.constant 0.000000e+00 : f32
    %broadcast_in_dim3A_164 = vector.broadcast %broadcast_in_dim3A_163 : f32 to vector<16xf32>
    %broadcast_in_dim3A_165 = arith.constant 0.000000e+00 : f32
    %broadcast_in_dim3A_166 = vector.broadcast %broadcast_in_dim3A_165 : f32 to vector<16xf32>
    %broadcast_in_dim3A_167 = arith.constant 0.000000e+00 : f32
    %broadcast_in_dim3A_168 = vector.broadcast %broadcast_in_dim3A_167 : f32 to vector<16xf32>
    %broadcast_in_dim3A_169 = arith.constant 0.000000e+00 : f32
    %broadcast_in_dim3A_170 = vector.broadcast %broadcast_in_dim3A_169 : f32 to vector<16xf32>
    %scan3A_171 = arith.constant 0 : i32
    %scan3A_172 = arith.constant 125 : i32
    %scan3A_173 = arith.addi %scan3A_171, %scan3A_172 : i32
    %scan3A_174 = arith.constant 1 : i32
    %scan3A_175:4 = scf.for %scan3A_255 = %scan3A_171 to %scan3A_173 step %scan3A_174 iter_args(%scan3A_256 = %broadcast_in_dim3A_164, %scan3A_257 = %broadcast_in_dim3A_166, %scan3A_258 = %broadcast_in_dim3A_168, %scan3A_259 = %broadcast_in_dim3A_170) -> (vector<16xf32>, vector<16xf32>, vector<16xf32>, vector<16xf32>)  : i32 {
      %mul3A_260 = arith.constant 8 : i32
      %mul3A_261 = arith.muli %scan3A_255, %mul3A_260 : i32
      %sub3A_262 = vector.broadcast %mul3A_261 : i32 to vector<16xi32>
      %sub3A_263 = arith.subi %get3A_162, %sub3A_262 : vector<16xi32>
      %add3A_264 = arith.constant 0 : i32
      %add3A_265 = arith.addi %mul3A_261, %add3A_264 : i32
      %get3A_266 = arith.index_cast %add3A_265 : i32 to index
      %get3A_267 = arith.constant 80 : index
      %get3A_268 = tpu.vector_load %arg6[%get3A_266, %get3A_267] {strides = array<i32>} : memref<1000x128xf32, #tpu.memory_space<vmem>>, vector<1x16xf32>,
      %get3A_269 = vector.shape_cast %get3A_268 : vector<1x16xf32> to vector<16xf32>
      %eq3A = arith.constant 0 : i32
      %eq3A_270 = vector.broadcast %eq3A : i32 to vector<16xi32>
      %eq3A_271 = arith.cmpi eq, %sub3A_263, %eq3A_270 : vector<16xi32>
      %select_n3A = arith.select %eq3A_271, %get3A_269, %scan3A_256 : vector<16xi1>, vector<16xf32>
      %add3A_272 = arith.constant 1 : i32
      %add3A_273 = arith.addi %mul3A_261, %add3A_272 : i32
      %get3A_274 = arith.index_cast %add3A_273 : i32 to index
      %get3A_275 = arith.constant 80 : index
      %get3A_276 = tpu.vector_load %arg6[%get3A_274, %get3A_275] {strides = array<i32>} : memref<1000x128xf32, #tpu.memory_space<vmem>>, vector<1x16xf32>,
      %get3A_277 = vector.shape_cast %get3A_276 : vector<1x16xf32> to vector<16xf32>
      %eq3A_278 = arith.constant 1 : i32
      %eq3A_279 = vector.broadcast %eq3A_278 : i32 to vector<16xi32>
      %eq3A_280 = arith.cmpi eq, %sub3A_263, %eq3A_279 : vector<16xi32>
      %select_n3A_281 = arith.select %eq3A_280, %get3A_277, %scan3A_257 : vector<16xi1>, vector<16xf32>
      %add3A_282 = arith.constant 2 : i32
      %add3A_283 = arith.addi %mul3A_261, %add3A_282 : i32
      %get3A_284 = arith.index_cast %add3A_283 : i32 to index
      %get3A_285 = arith.constant 80 : index
      %get3A_286 = tpu.vector_load %arg6[%get3A_284, %get3A_285] {strides = array<i32>} : memref<1000x128xf32, #tpu.memory_space<vmem>>, vector<1x16xf32>,
      %get3A_287 = vector.shape_cast %get3A_286 : vector<1x16xf32> to vector<16xf32>
      %eq3A_288 = arith.constant 2 : i32
      %eq3A_289 = vector.broadcast %eq3A_288 : i32 to vector<16xi32>
      %eq3A_290 = arith.cmpi eq, %sub3A_263, %eq3A_289 : vector<16xi32>
      %select_n3A_291 = arith.select %eq3A_290, %get3A_287, %scan3A_258 : vector<16xi1>, vector<16xf32>
      %add3A_292 = arith.constant 3 : i32
      %add3A_293 = arith.addi %mul3A_261, %add3A_292 : i32
      %get3A_294 = arith.index_cast %add3A_293 : i32 to index
      %get3A_295 = arith.constant 80 : index
      %get3A_296 = tpu.vector_load %arg6[%get3A_294, %get3A_295] {strides = array<i32>} : memref<1000x128xf32, #tpu.memory_space<vmem>>, vector<1x16xf32>,
      %get3A_297 = vector.shape_cast %get3A_296 : vector<1x16xf32> to vector<16xf32>
      %eq3A_298 = arith.constant 3 : i32
      %eq3A_299 = vector.broadcast %eq3A_298 : i32 to vector<16xi32>
      %eq3A_300 = arith.cmpi eq, %sub3A_263, %eq3A_299 : vector<16xi32>
      %select_n3A_301 = arith.select %eq3A_300, %get3A_297, %scan3A_259 : vector<16xi1>, vector<16xf32>
      %add3A_302 = arith.constant 4 : i32
      %add3A_303 = arith.addi %mul3A_261, %add3A_302 : i32
      %get3A_304 = arith.index_cast %add3A_303 : i32 to index
      %get3A_305 = arith.constant 80 : index
      %get3A_306 = tpu.vector_load %arg6[%get3A_304, %get3A_305] {strides = array<i32>} : memref<1000x128xf32, #tpu.memory_space<vmem>>, vector<1x16xf32>,
      %get3A_307 = vector.shape_cast %get3A_306 : vector<1x16xf32> to vector<16xf32>
      %eq3A_308 = arith.constant 4 : i32
      %eq3A_309 = vector.broadcast %eq3A_308 : i32 to vector<16xi32>
      %eq3A_310 = arith.cmpi eq, %sub3A_263, %eq3A_309 : vector<16xi32>
      %select_n3A_311 = arith.select %eq3A_310, %get3A_307, %select_n3A : vector<16xi1>, vector<16xf32>
      %add3A_312 = arith.constant 5 : i32
      %add3A_313 = arith.addi %mul3A_261, %add3A_312 : i32
      %get3A_314 = arith.index_cast %add3A_313 : i32 to index
      %get3A_315 = arith.constant 80 : index
      %get3A_316 = tpu.vector_load %arg6[%get3A_314, %get3A_315] {strides = array<i32>} : memref<1000x128xf32, #tpu.memory_space<vmem>>, vector<1x16xf32>,
      %get3A_317 = vector.shape_cast %get3A_316 : vector<1x16xf32> to vector<16xf32>
      %eq3A_318 = arith.constant 5 : i32
      %eq3A_319 = vector.broadcast %eq3A_318 : i32 to vector<16xi32>
      %eq3A_320 = arith.cmpi eq, %sub3A_263, %eq3A_319 : vector<16xi32>
      %select_n3A_321 = arith.select %eq3A_320, %get3A_317, %select_n3A_281 : vector<16xi1>, vector<16xf32>
      %add3A_322 = arith.constant 6 : i32
      %add3A_323 = arith.addi %mul3A_261, %add3A_322 : i32
      %get3A_324 = arith.index_cast %add3A_323 : i32 to index
      %get3A_325 = arith.constant 80 : index
      %get3A_326 = tpu.vector_load %arg6[%get3A_324, %get3A_325] {strides = array<i32>} : memref<1000x128xf32, #tpu.memory_space<vmem>>, vector<1x16xf32>,
      %get3A_327 = vector.shape_cast %get3A_326 : vector<1x16xf32> to vector<16xf32>
      %eq3A_328 = arith.constant 6 : i32
      %eq3A_329 = vector.broadcast %eq3A_328 : i32 to vector<16xi32>
      %eq3A_330 = arith.cmpi eq, %sub3A_263, %eq3A_329 : vector<16xi32>
      %select_n3A_331 = arith.select %eq3A_330, %get3A_327, %select_n3A_291 : vector<16xi1>, vector<16xf32>
      %add3A_332 = arith.constant 7 : i32
      %add3A_333 = arith.addi %mul3A_261, %add3A_332 : i32
      %get3A_334 = arith.index_cast %add3A_333 : i32 to index
      %get3A_335 = arith.constant 80 : index
      %get3A_336 = tpu.vector_load %arg6[%get3A_334, %get3A_335] {strides = array<i32>} : memref<1000x128xf32, #tpu.memory_space<vmem>>, vector<1x16xf32>,
      %get3A_337 = vector.shape_cast %get3A_336 : vector<1x16xf32> to vector<16xf32>
      %eq3A_338 = arith.constant 7 : i32
      %eq3A_339 = vector.broadcast %eq3A_338 : i32 to vector<16xi32>
      %eq3A_340 = arith.cmpi eq, %sub3A_263, %eq3A_339 : vector<16xi32>
      %select_n3A_341 = arith.select %eq3A_340, %get3A_337, %select_n3A_301 : vector<16xi1>, vector<16xf32>
      scf.yield %select_n3A_311, %select_n3A_321, %select_n3A_331, %select_n3A_341 : vector<16xf32>, vector<16xf32>, vector<16xf32>, vector<16xf32>
    }
    %scan3A_176 = arith.constant 125 : i32
    %add3A_177 = arith.addf %scan3A_175#0, %scan3A_175#1 : vector<16xf32>
    %add3A_178 = arith.addf %scan3A_175#2, %scan3A_175#3 : vector<16xf32>
    %add3A_179 = arith.addf %add3A_177, %add3A_178 : vector<16xf32>
    %sub3A_180 = arith.constant 1.000000e+00 : f32
    %sub3A_181 = vector.broadcast %sub3A_180 : f32 to vector<16xf32>
    %sub3A_182 = arith.subf %add3A_179, %sub3A_181 : vector<16xf32>
    %scan3A_183 = arith.constant 0 : i32
    %scan3A_184 = arith.constant 125 : i32
    %scan3A_185 = arith.addi %scan3A_183, %scan3A_184 : i32
    %scan3A_186 = arith.constant 1 : i32
    %scan3A_187:4 = scf.for %scan3A_255 = %scan3A_183 to %scan3A_185 step %scan3A_186 iter_args(%scan3A_256 = %scan3A_158#0, %scan3A_257 = %scan3A_158#1, %scan3A_258 = %scan3A_158#2, %scan3A_259 = %scan3A_158#3) -> (vector<16xf32>, vector<16xf32>, vector<16xf32>, vector<16xf32>)  : i32 {
      %mul3A_260 = arith.constant 8 : i32
      %mul3A_261 = arith.muli %scan3A_255, %mul3A_260 : i32
      %add3A_262 = arith.constant 0 : i32
      %add3A_263 = arith.addi %mul3A_261, %add3A_262 : i32
      %get3A_264 = arith.index_cast %add3A_263 : i32 to index
      %get3A_265 = arith.constant 80 : index
      %get3A_266 = tpu.vector_load %arg6[%get3A_264, %get3A_265] {strides = array<i32>} : memref<1000x128xf32, #tpu.memory_space<vmem>>, vector<1x16xf32>,
      %get3A_267 = vector.shape_cast %get3A_266 : vector<1x16xf32> to vector<16xf32>
      %sub3A_268 = arith.subf %get3A_267, %sub3A_182 : vector<16xf32>
      %max3A = arith.constant 0.000000e+00 : f32
      %max3A_269 = vector.broadcast %max3A : f32 to vector<16xf32>
      %max3A_270 = arith.maximumf %sub3A_268, %max3A_269 : vector<16xf32>
      %add3A_271 = arith.addf %scan3A_256, %max3A_270 : vector<16xf32>
      %add3A_272 = arith.constant 1 : i32
      %add3A_273 = arith.addi %mul3A_261, %add3A_272 : i32
      %get3A_274 = arith.index_cast %add3A_273 : i32 to index
      %get3A_275 = arith.constant 80 : index
      %get3A_276 = tpu.vector_load %arg6[%get3A_274, %get3A_275] {strides = array<i32>} : memref<1000x128xf32, #tpu.memory_space<vmem>>, vector<1x16xf32>,
      %get3A_277 = vector.shape_cast %get3A_276 : vector<1x16xf32> to vector<16xf32>
      %sub3A_278 = arith.subf %get3A_277, %sub3A_182 : vector<16xf32>
      %max3A_279 = arith.constant 0.000000e+00 : f32
      %max3A_280 = vector.broadcast %max3A_279 : f32 to vector<16xf32>
      %max3A_281 = arith.maximumf %sub3A_278, %max3A_280 : vector<16xf32>
      %add3A_282 = arith.addf %scan3A_257, %max3A_281 : vector<16xf32>
      %add3A_283 = arith.constant 2 : i32
      %add3A_284 = arith.addi %mul3A_261, %add3A_283 : i32
      %get3A_285 = arith.index_cast %add3A_284 : i32 to index
      %get3A_286 = arith.constant 80 : index
      %get3A_287 = tpu.vector_load %arg6[%get3A_285, %get3A_286] {strides = array<i32>} : memref<1000x128xf32, #tpu.memory_space<vmem>>, vector<1x16xf32>,
      %get3A_288 = vector.shape_cast %get3A_287 : vector<1x16xf32> to vector<16xf32>
      %sub3A_289 = arith.subf %get3A_288, %sub3A_182 : vector<16xf32>
      %max3A_290 = arith.constant 0.000000e+00 : f32
      %max3A_291 = vector.broadcast %max3A_290 : f32 to vector<16xf32>
      %max3A_292 = arith.maximumf %sub3A_289, %max3A_291 : vector<16xf32>
      %add3A_293 = arith.addf %scan3A_258, %max3A_292 : vector<16xf32>
      %add3A_294 = arith.constant 3 : i32
      %add3A_295 = arith.addi %mul3A_261, %add3A_294 : i32
      %get3A_296 = arith.index_cast %add3A_295 : i32 to index
      %get3A_297 = arith.constant 80 : index
      %get3A_298 = tpu.vector_load %arg6[%get3A_296, %get3A_297] {strides = array<i32>} : memref<1000x128xf32, #tpu.memory_space<vmem>>, vector<1x16xf32>,
      %get3A_299 = vector.shape_cast %get3A_298 : vector<1x16xf32> to vector<16xf32>
      %sub3A_300 = arith.subf %get3A_299, %sub3A_182 : vector<16xf32>
      %max3A_301 = arith.constant 0.000000e+00 : f32
      %max3A_302 = vector.broadcast %max3A_301 : f32 to vector<16xf32>
      %max3A_303 = arith.maximumf %sub3A_300, %max3A_302 : vector<16xf32>
      %add3A_304 = arith.addf %scan3A_259, %max3A_303 : vector<16xf32>
      %add3A_305 = arith.constant 4 : i32
      %add3A_306 = arith.addi %mul3A_261, %add3A_305 : i32
      %get3A_307 = arith.index_cast %add3A_306 : i32 to index
      %get3A_308 = arith.constant 80 : index
      %get3A_309 = tpu.vector_load %arg6[%get3A_307, %get3A_308] {strides = array<i32>} : memref<1000x128xf32, #tpu.memory_space<vmem>>, vector<1x16xf32>,
      %get3A_310 = vector.shape_cast %get3A_309 : vector<1x16xf32> to vector<16xf32>
      %sub3A_311 = arith.subf %get3A_310, %sub3A_182 : vector<16xf32>
      %max3A_312 = arith.constant 0.000000e+00 : f32
      %max3A_313 = vector.broadcast %max3A_312 : f32 to vector<16xf32>
      %max3A_314 = arith.maximumf %sub3A_311, %max3A_313 : vector<16xf32>
      %add3A_315 = arith.addf %add3A_271, %max3A_314 : vector<16xf32>
      %add3A_316 = arith.constant 5 : i32
      %add3A_317 = arith.addi %mul3A_261, %add3A_316 : i32
      %get3A_318 = arith.index_cast %add3A_317 : i32 to index
      %get3A_319 = arith.constant 80 : index
      %get3A_320 = tpu.vector_load %arg6[%get3A_318, %get3A_319] {strides = array<i32>} : memref<1000x128xf32, #tpu.memory_space<vmem>>, vector<1x16xf32>,
      %get3A_321 = vector.shape_cast %get3A_320 : vector<1x16xf32> to vector<16xf32>
      %sub3A_322 = arith.subf %get3A_321, %sub3A_182 : vector<16xf32>
      %max3A_323 = arith.constant 0.000000e+00 : f32
      %max3A_324 = vector.broadcast %max3A_323 : f32 to vector<16xf32>
      %max3A_325 = arith.maximumf %sub3A_322, %max3A_324 : vector<16xf32>
      %add3A_326 = arith.addf %add3A_282, %max3A_325 : vector<16xf32>
      %add3A_327 = arith.constant 6 : i32
      %add3A_328 = arith.addi %mul3A_261, %add3A_327 : i32
      %get3A_329 = arith.index_cast %add3A_328 : i32 to index
      %get3A_330 = arith.constant 80 : index
      %get3A_331 = tpu.vector_load %arg6[%get3A_329, %get3A_330] {strides = array<i32>} : memref<1000x128xf32, #tpu.memory_space<vmem>>, vector<1x16xf32>,
      %get3A_332 = vector.shape_cast %get3A_331 : vector<1x16xf32> to vector<16xf32>
      %sub3A_333 = arith.subf %get3A_332, %sub3A_182 : vector<16xf32>
      %max3A_334 = arith.constant 0.000000e+00 : f32
      %max3A_335 = vector.broadcast %max3A_334 : f32 to vector<16xf32>
      %max3A_336 = arith.maximumf %sub3A_333, %max3A_335 : vector<16xf32>
      %add3A_337 = arith.addf %add3A_293, %max3A_336 : vector<16xf32>
      %add3A_338 = arith.constant 7 : i32
      %add3A_339 = arith.addi %mul3A_261, %add3A_338 : i32
      %get3A_340 = arith.index_cast %add3A_339 : i32 to index
      %get3A_341 = arith.constant 80 : index
      %get3A_342 = tpu.vector_load %arg6[%get3A_340, %get3A_341] {strides = array<i32>} : memref<1000x128xf32, #tpu.memory_space<vmem>>, vector<1x16xf32>,
      %get3A_343 = vector.shape_cast %get3A_342 : vector<1x16xf32> to vector<16xf32>
      %sub3A_344 = arith.subf %get3A_343, %sub3A_182 : vector<16xf32>
      %max3A_345 = arith.constant 0.000000e+00 : f32
      %max3A_346 = vector.broadcast %max3A_345 : f32 to vector<16xf32>
      %max3A_347 = arith.maximumf %sub3A_344, %max3A_346 : vector<16xf32>
      %add3A_348 = arith.addf %add3A_304, %max3A_347 : vector<16xf32>
      scf.yield %add3A_315, %add3A_326, %add3A_337, %add3A_348 : vector<16xf32>, vector<16xf32>, vector<16xf32>, vector<16xf32>
    }
    %scan3A_188 = arith.constant 125 : i32
    %get3A_189 = arith.constant 96 : index
    %get3A_190 = tpu.vector_load %arg5[%get3A_189] {strides = array<i32>} : memref<128xi32, #tpu.memory_space<vmem>>, vector<16xi32>,
    %get3A_191 = vector.shape_cast %get3A_190 : vector<16xi32> to vector<16xi32>
    %broadcast_in_dim3A_192 = arith.constant 0.000000e+00 : f32
    %broadcast_in_dim3A_193 = vector.broadcast %broadcast_in_dim3A_192 : f32 to vector<16xf32>
    %broadcast_in_dim3A_194 = arith.constant 0.000000e+00 : f32
    %broadcast_in_dim3A_195 = vector.broadcast %broadcast_in_dim3A_194 : f32 to vector<16xf32>
    %broadcast_in_dim3A_196 = arith.constant 0.000000e+00 : f32
    %broadcast_in_dim3A_197 = vector.broadcast %broadcast_in_dim3A_196 : f32 to vector<16xf32>
    %broadcast_in_dim3A_198 = arith.constant 0.000000e+00 : f32
    %broadcast_in_dim3A_199 = vector.broadcast %broadcast_in_dim3A_198 : f32 to vector<16xf32>
    %scan3A_200 = arith.constant 0 : i32
    %scan3A_201 = arith.constant 125 : i32
    %scan3A_202 = arith.addi %scan3A_200, %scan3A_201 : i32
    %scan3A_203 = arith.constant 1 : i32
    %scan3A_204:4 = scf.for %scan3A_255 = %scan3A_200 to %scan3A_202 step %scan3A_203 iter_args(%scan3A_256 = %broadcast_in_dim3A_193, %scan3A_257 = %broadcast_in_dim3A_195, %scan3A_258 = %broadcast_in_dim3A_197, %scan3A_259 = %broadcast_in_dim3A_199) -> (vector<16xf32>, vector<16xf32>, vector<16xf32>, vector<16xf32>)  : i32 {
      %mul3A_260 = arith.constant 8 : i32
      %mul3A_261 = arith.muli %scan3A_255, %mul3A_260 : i32
      %sub3A_262 = vector.broadcast %mul3A_261 : i32 to vector<16xi32>
      %sub3A_263 = arith.subi %get3A_191, %sub3A_262 : vector<16xi32>
      %add3A_264 = arith.constant 0 : i32
      %add3A_265 = arith.addi %mul3A_261, %add3A_264 : i32
      %get3A_266 = arith.index_cast %add3A_265 : i32 to index
      %get3A_267 = arith.constant 96 : index
      %get3A_268 = tpu.vector_load %arg6[%get3A_266, %get3A_267] {strides = array<i32>} : memref<1000x128xf32, #tpu.memory_space<vmem>>, vector<1x16xf32>,
      %get3A_269 = vector.shape_cast %get3A_268 : vector<1x16xf32> to vector<16xf32>
      %eq3A = arith.constant 0 : i32
      %eq3A_270 = vector.broadcast %eq3A : i32 to vector<16xi32>
      %eq3A_271 = arith.cmpi eq, %sub3A_263, %eq3A_270 : vector<16xi32>
      %select_n3A = arith.select %eq3A_271, %get3A_269, %scan3A_256 : vector<16xi1>, vector<16xf32>
      %add3A_272 = arith.constant 1 : i32
      %add3A_273 = arith.addi %mul3A_261, %add3A_272 : i32
      %get3A_274 = arith.index_cast %add3A_273 : i32 to index
      %get3A_275 = arith.constant 96 : index
      %get3A_276 = tpu.vector_load %arg6[%get3A_274, %get3A_275] {strides = array<i32>} : memref<1000x128xf32, #tpu.memory_space<vmem>>, vector<1x16xf32>,
      %get3A_277 = vector.shape_cast %get3A_276 : vector<1x16xf32> to vector<16xf32>
      %eq3A_278 = arith.constant 1 : i32
      %eq3A_279 = vector.broadcast %eq3A_278 : i32 to vector<16xi32>
      %eq3A_280 = arith.cmpi eq, %sub3A_263, %eq3A_279 : vector<16xi32>
      %select_n3A_281 = arith.select %eq3A_280, %get3A_277, %scan3A_257 : vector<16xi1>, vector<16xf32>
      %add3A_282 = arith.constant 2 : i32
      %add3A_283 = arith.addi %mul3A_261, %add3A_282 : i32
      %get3A_284 = arith.index_cast %add3A_283 : i32 to index
      %get3A_285 = arith.constant 96 : index
      %get3A_286 = tpu.vector_load %arg6[%get3A_284, %get3A_285] {strides = array<i32>} : memref<1000x128xf32, #tpu.memory_space<vmem>>, vector<1x16xf32>,
      %get3A_287 = vector.shape_cast %get3A_286 : vector<1x16xf32> to vector<16xf32>
      %eq3A_288 = arith.constant 2 : i32
      %eq3A_289 = vector.broadcast %eq3A_288 : i32 to vector<16xi32>
      %eq3A_290 = arith.cmpi eq, %sub3A_263, %eq3A_289 : vector<16xi32>
      %select_n3A_291 = arith.select %eq3A_290, %get3A_287, %scan3A_258 : vector<16xi1>, vector<16xf32>
      %add3A_292 = arith.constant 3 : i32
      %add3A_293 = arith.addi %mul3A_261, %add3A_292 : i32
      %get3A_294 = arith.index_cast %add3A_293 : i32 to index
      %get3A_295 = arith.constant 96 : index
      %get3A_296 = tpu.vector_load %arg6[%get3A_294, %get3A_295] {strides = array<i32>} : memref<1000x128xf32, #tpu.memory_space<vmem>>, vector<1x16xf32>,
      %get3A_297 = vector.shape_cast %get3A_296 : vector<1x16xf32> to vector<16xf32>
      %eq3A_298 = arith.constant 3 : i32
      %eq3A_299 = vector.broadcast %eq3A_298 : i32 to vector<16xi32>
      %eq3A_300 = arith.cmpi eq, %sub3A_263, %eq3A_299 : vector<16xi32>
      %select_n3A_301 = arith.select %eq3A_300, %get3A_297, %scan3A_259 : vector<16xi1>, vector<16xf32>
      %add3A_302 = arith.constant 4 : i32
      %add3A_303 = arith.addi %mul3A_261, %add3A_302 : i32
      %get3A_304 = arith.index_cast %add3A_303 : i32 to index
      %get3A_305 = arith.constant 96 : index
      %get3A_306 = tpu.vector_load %arg6[%get3A_304, %get3A_305] {strides = array<i32>} : memref<1000x128xf32, #tpu.memory_space<vmem>>, vector<1x16xf32>,
      %get3A_307 = vector.shape_cast %get3A_306 : vector<1x16xf32> to vector<16xf32>
      %eq3A_308 = arith.constant 4 : i32
      %eq3A_309 = vector.broadcast %eq3A_308 : i32 to vector<16xi32>
      %eq3A_310 = arith.cmpi eq, %sub3A_263, %eq3A_309 : vector<16xi32>
      %select_n3A_311 = arith.select %eq3A_310, %get3A_307, %select_n3A : vector<16xi1>, vector<16xf32>
      %add3A_312 = arith.constant 5 : i32
      %add3A_313 = arith.addi %mul3A_261, %add3A_312 : i32
      %get3A_314 = arith.index_cast %add3A_313 : i32 to index
      %get3A_315 = arith.constant 96 : index
      %get3A_316 = tpu.vector_load %arg6[%get3A_314, %get3A_315] {strides = array<i32>} : memref<1000x128xf32, #tpu.memory_space<vmem>>, vector<1x16xf32>,
      %get3A_317 = vector.shape_cast %get3A_316 : vector<1x16xf32> to vector<16xf32>
      %eq3A_318 = arith.constant 5 : i32
      %eq3A_319 = vector.broadcast %eq3A_318 : i32 to vector<16xi32>
      %eq3A_320 = arith.cmpi eq, %sub3A_263, %eq3A_319 : vector<16xi32>
      %select_n3A_321 = arith.select %eq3A_320, %get3A_317, %select_n3A_281 : vector<16xi1>, vector<16xf32>
      %add3A_322 = arith.constant 6 : i32
      %add3A_323 = arith.addi %mul3A_261, %add3A_322 : i32
      %get3A_324 = arith.index_cast %add3A_323 : i32 to index
      %get3A_325 = arith.constant 96 : index
      %get3A_326 = tpu.vector_load %arg6[%get3A_324, %get3A_325] {strides = array<i32>} : memref<1000x128xf32, #tpu.memory_space<vmem>>, vector<1x16xf32>,
      %get3A_327 = vector.shape_cast %get3A_326 : vector<1x16xf32> to vector<16xf32>
      %eq3A_328 = arith.constant 6 : i32
      %eq3A_329 = vector.broadcast %eq3A_328 : i32 to vector<16xi32>
      %eq3A_330 = arith.cmpi eq, %sub3A_263, %eq3A_329 : vector<16xi32>
      %select_n3A_331 = arith.select %eq3A_330, %get3A_327, %select_n3A_291 : vector<16xi1>, vector<16xf32>
      %add3A_332 = arith.constant 7 : i32
      %add3A_333 = arith.addi %mul3A_261, %add3A_332 : i32
      %get3A_334 = arith.index_cast %add3A_333 : i32 to index
      %get3A_335 = arith.constant 96 : index
      %get3A_336 = tpu.vector_load %arg6[%get3A_334, %get3A_335] {strides = array<i32>} : memref<1000x128xf32, #tpu.memory_space<vmem>>, vector<1x16xf32>,
      %get3A_337 = vector.shape_cast %get3A_336 : vector<1x16xf32> to vector<16xf32>
      %eq3A_338 = arith.constant 7 : i32
      %eq3A_339 = vector.broadcast %eq3A_338 : i32 to vector<16xi32>
      %eq3A_340 = arith.cmpi eq, %sub3A_263, %eq3A_339 : vector<16xi32>
      %select_n3A_341 = arith.select %eq3A_340, %get3A_337, %select_n3A_301 : vector<16xi1>, vector<16xf32>
      scf.yield %select_n3A_311, %select_n3A_321, %select_n3A_331, %select_n3A_341 : vector<16xf32>, vector<16xf32>, vector<16xf32>, vector<16xf32>
    }
    %scan3A_205 = arith.constant 125 : i32
    %add3A_206 = arith.addf %scan3A_204#0, %scan3A_204#1 : vector<16xf32>
    %add3A_207 = arith.addf %scan3A_204#2, %scan3A_204#3 : vector<16xf32>
    %add3A_208 = arith.addf %add3A_206, %add3A_207 : vector<16xf32>
    %sub3A_209 = arith.constant 1.000000e+00 : f32
    %sub3A_210 = vector.broadcast %sub3A_209 : f32 to vector<16xf32>
    %sub3A_211 = arith.subf %add3A_208, %sub3A_210 : vector<16xf32>
    %scan3A_212 = arith.constant 0 : i32
    %scan3A_213 = arith.constant 125 : i32
    %scan3A_214 = arith.addi %scan3A_212, %scan3A_213 : i32
    %scan3A_215 = arith.constant 1 : i32
    %scan3A_216:4 = scf.for %scan3A_255 = %scan3A_212 to %scan3A_214 step %scan3A_215 iter_args(%scan3A_256 = %scan3A_187#0, %scan3A_257 = %scan3A_187#1, %scan3A_258 = %scan3A_187#2, %scan3A_259 = %scan3A_187#3) -> (vector<16xf32>, vector<16xf32>, vector<16xf32>, vector<16xf32>)  : i32 {
      %mul3A_260 = arith.constant 8 : i32
      %mul3A_261 = arith.muli %scan3A_255, %mul3A_260 : i32
      %add3A_262 = arith.constant 0 : i32
      %add3A_263 = arith.addi %mul3A_261, %add3A_262 : i32
      %get3A_264 = arith.index_cast %add3A_263 : i32 to index
      %get3A_265 = arith.constant 96 : index
      %get3A_266 = tpu.vector_load %arg6[%get3A_264, %get3A_265] {strides = array<i32>} : memref<1000x128xf32, #tpu.memory_space<vmem>>, vector<1x16xf32>,
      %get3A_267 = vector.shape_cast %get3A_266 : vector<1x16xf32> to vector<16xf32>
      %sub3A_268 = arith.subf %get3A_267, %sub3A_211 : vector<16xf32>
      %max3A = arith.constant 0.000000e+00 : f32
      %max3A_269 = vector.broadcast %max3A : f32 to vector<16xf32>
      %max3A_270 = arith.maximumf %sub3A_268, %max3A_269 : vector<16xf32>
      %add3A_271 = arith.addf %scan3A_256, %max3A_270 : vector<16xf32>
      %add3A_272 = arith.constant 1 : i32
      %add3A_273 = arith.addi %mul3A_261, %add3A_272 : i32
      %get3A_274 = arith.index_cast %add3A_273 : i32 to index
      %get3A_275 = arith.constant 96 : index
      %get3A_276 = tpu.vector_load %arg6[%get3A_274, %get3A_275] {strides = array<i32>} : memref<1000x128xf32, #tpu.memory_space<vmem>>, vector<1x16xf32>,
      %get3A_277 = vector.shape_cast %get3A_276 : vector<1x16xf32> to vector<16xf32>
      %sub3A_278 = arith.subf %get3A_277, %sub3A_211 : vector<16xf32>
      %max3A_279 = arith.constant 0.000000e+00 : f32
      %max3A_280 = vector.broadcast %max3A_279 : f32 to vector<16xf32>
      %max3A_281 = arith.maximumf %sub3A_278, %max3A_280 : vector<16xf32>
      %add3A_282 = arith.addf %scan3A_257, %max3A_281 : vector<16xf32>
      %add3A_283 = arith.constant 2 : i32
      %add3A_284 = arith.addi %mul3A_261, %add3A_283 : i32
      %get3A_285 = arith.index_cast %add3A_284 : i32 to index
      %get3A_286 = arith.constant 96 : index
      %get3A_287 = tpu.vector_load %arg6[%get3A_285, %get3A_286] {strides = array<i32>} : memref<1000x128xf32, #tpu.memory_space<vmem>>, vector<1x16xf32>,
      %get3A_288 = vector.shape_cast %get3A_287 : vector<1x16xf32> to vector<16xf32>
      %sub3A_289 = arith.subf %get3A_288, %sub3A_211 : vector<16xf32>
      %max3A_290 = arith.constant 0.000000e+00 : f32
      %max3A_291 = vector.broadcast %max3A_290 : f32 to vector<16xf32>
      %max3A_292 = arith.maximumf %sub3A_289, %max3A_291 : vector<16xf32>
      %add3A_293 = arith.addf %scan3A_258, %max3A_292 : vector<16xf32>
      %add3A_294 = arith.constant 3 : i32
      %add3A_295 = arith.addi %mul3A_261, %add3A_294 : i32
      %get3A_296 = arith.index_cast %add3A_295 : i32 to index
      %get3A_297 = arith.constant 96 : index
      %get3A_298 = tpu.vector_load %arg6[%get3A_296, %get3A_297] {strides = array<i32>} : memref<1000x128xf32, #tpu.memory_space<vmem>>, vector<1x16xf32>,
      %get3A_299 = vector.shape_cast %get3A_298 : vector<1x16xf32> to vector<16xf32>
      %sub3A_300 = arith.subf %get3A_299, %sub3A_211 : vector<16xf32>
      %max3A_301 = arith.constant 0.000000e+00 : f32
      %max3A_302 = vector.broadcast %max3A_301 : f32 to vector<16xf32>
      %max3A_303 = arith.maximumf %sub3A_300, %max3A_302 : vector<16xf32>
      %add3A_304 = arith.addf %scan3A_259, %max3A_303 : vector<16xf32>
      %add3A_305 = arith.constant 4 : i32
      %add3A_306 = arith.addi %mul3A_261, %add3A_305 : i32
      %get3A_307 = arith.index_cast %add3A_306 : i32 to index
      %get3A_308 = arith.constant 96 : index
      %get3A_309 = tpu.vector_load %arg6[%get3A_307, %get3A_308] {strides = array<i32>} : memref<1000x128xf32, #tpu.memory_space<vmem>>, vector<1x16xf32>,
      %get3A_310 = vector.shape_cast %get3A_309 : vector<1x16xf32> to vector<16xf32>
      %sub3A_311 = arith.subf %get3A_310, %sub3A_211 : vector<16xf32>
      %max3A_312 = arith.constant 0.000000e+00 : f32
      %max3A_313 = vector.broadcast %max3A_312 : f32 to vector<16xf32>
      %max3A_314 = arith.maximumf %sub3A_311, %max3A_313 : vector<16xf32>
      %add3A_315 = arith.addf %add3A_271, %max3A_314 : vector<16xf32>
      %add3A_316 = arith.constant 5 : i32
      %add3A_317 = arith.addi %mul3A_261, %add3A_316 : i32
      %get3A_318 = arith.index_cast %add3A_317 : i32 to index
      %get3A_319 = arith.constant 96 : index
      %get3A_320 = tpu.vector_load %arg6[%get3A_318, %get3A_319] {strides = array<i32>} : memref<1000x128xf32, #tpu.memory_space<vmem>>, vector<1x16xf32>,
      %get3A_321 = vector.shape_cast %get3A_320 : vector<1x16xf32> to vector<16xf32>
      %sub3A_322 = arith.subf %get3A_321, %sub3A_211 : vector<16xf32>
      %max3A_323 = arith.constant 0.000000e+00 : f32
      %max3A_324 = vector.broadcast %max3A_323 : f32 to vector<16xf32>
      %max3A_325 = arith.maximumf %sub3A_322, %max3A_324 : vector<16xf32>
      %add3A_326 = arith.addf %add3A_282, %max3A_325 : vector<16xf32>
      %add3A_327 = arith.constant 6 : i32
      %add3A_328 = arith.addi %mul3A_261, %add3A_327 : i32
      %get3A_329 = arith.index_cast %add3A_328 : i32 to index
      %get3A_330 = arith.constant 96 : index
      %get3A_331 = tpu.vector_load %arg6[%get3A_329, %get3A_330] {strides = array<i32>} : memref<1000x128xf32, #tpu.memory_space<vmem>>, vector<1x16xf32>,
      %get3A_332 = vector.shape_cast %get3A_331 : vector<1x16xf32> to vector<16xf32>
      %sub3A_333 = arith.subf %get3A_332, %sub3A_211 : vector<16xf32>
      %max3A_334 = arith.constant 0.000000e+00 : f32
      %max3A_335 = vector.broadcast %max3A_334 : f32 to vector<16xf32>
      %max3A_336 = arith.maximumf %sub3A_333, %max3A_335 : vector<16xf32>
      %add3A_337 = arith.addf %add3A_293, %max3A_336 : vector<16xf32>
      %add3A_338 = arith.constant 7 : i32
      %add3A_339 = arith.addi %mul3A_261, %add3A_338 : i32
      %get3A_340 = arith.index_cast %add3A_339 : i32 to index
      %get3A_341 = arith.constant 96 : index
      %get3A_342 = tpu.vector_load %arg6[%get3A_340, %get3A_341] {strides = array<i32>} : memref<1000x128xf32, #tpu.memory_space<vmem>>, vector<1x16xf32>,
      %get3A_343 = vector.shape_cast %get3A_342 : vector<1x16xf32> to vector<16xf32>
      %sub3A_344 = arith.subf %get3A_343, %sub3A_211 : vector<16xf32>
      %max3A_345 = arith.constant 0.000000e+00 : f32
      %max3A_346 = vector.broadcast %max3A_345 : f32 to vector<16xf32>
      %max3A_347 = arith.maximumf %sub3A_344, %max3A_346 : vector<16xf32>
      %add3A_348 = arith.addf %add3A_304, %max3A_347 : vector<16xf32>
      scf.yield %add3A_315, %add3A_326, %add3A_337, %add3A_348 : vector<16xf32>, vector<16xf32>, vector<16xf32>, vector<16xf32>
    }
    %scan3A_217 = arith.constant 125 : i32
    %get3A_218 = arith.constant 112 : index
    %get3A_219 = tpu.vector_load %arg5[%get3A_218] {strides = array<i32>} : memref<128xi32, #tpu.memory_space<vmem>>, vector<16xi32>,
    %get3A_220 = vector.shape_cast %get3A_219 : vector<16xi32> to vector<16xi32>
    %broadcast_in_dim3A_221 = arith.constant 0.000000e+00 : f32
    %broadcast_in_dim3A_222 = vector.broadcast %broadcast_in_dim3A_221 : f32 to vector<16xf32>
    %broadcast_in_dim3A_223 = arith.constant 0.000000e+00 : f32
    %broadcast_in_dim3A_224 = vector.broadcast %broadcast_in_dim3A_223 : f32 to vector<16xf32>
    %broadcast_in_dim3A_225 = arith.constant 0.000000e+00 : f32
    %broadcast_in_dim3A_226 = vector.broadcast %broadcast_in_dim3A_225 : f32 to vector<16xf32>
    %broadcast_in_dim3A_227 = arith.constant 0.000000e+00 : f32
    %broadcast_in_dim3A_228 = vector.broadcast %broadcast_in_dim3A_227 : f32 to vector<16xf32>
    %scan3A_229 = arith.constant 0 : i32
    %scan3A_230 = arith.constant 125 : i32
    %scan3A_231 = arith.addi %scan3A_229, %scan3A_230 : i32
    %scan3A_232 = arith.constant 1 : i32
    %scan3A_233:4 = scf.for %scan3A_255 = %scan3A_229 to %scan3A_231 step %scan3A_232 iter_args(%scan3A_256 = %broadcast_in_dim3A_222, %scan3A_257 = %broadcast_in_dim3A_224, %scan3A_258 = %broadcast_in_dim3A_226, %scan3A_259 = %broadcast_in_dim3A_228) -> (vector<16xf32>, vector<16xf32>, vector<16xf32>, vector<16xf32>)  : i32 {
      %mul3A_260 = arith.constant 8 : i32
      %mul3A_261 = arith.muli %scan3A_255, %mul3A_260 : i32
      %sub3A_262 = vector.broadcast %mul3A_261 : i32 to vector<16xi32>
      %sub3A_263 = arith.subi %get3A_220, %sub3A_262 : vector<16xi32>
      %add3A_264 = arith.constant 0 : i32
      %add3A_265 = arith.addi %mul3A_261, %add3A_264 : i32
      %get3A_266 = arith.index_cast %add3A_265 : i32 to index
      %get3A_267 = arith.constant 112 : index
      %get3A_268 = tpu.vector_load %arg6[%get3A_266, %get3A_267] {strides = array<i32>} : memref<1000x128xf32, #tpu.memory_space<vmem>>, vector<1x16xf32>,
      %get3A_269 = vector.shape_cast %get3A_268 : vector<1x16xf32> to vector<16xf32>
      %eq3A = arith.constant 0 : i32
      %eq3A_270 = vector.broadcast %eq3A : i32 to vector<16xi32>
      %eq3A_271 = arith.cmpi eq, %sub3A_263, %eq3A_270 : vector<16xi32>
      %select_n3A = arith.select %eq3A_271, %get3A_269, %scan3A_256 : vector<16xi1>, vector<16xf32>
      %add3A_272 = arith.constant 1 : i32
      %add3A_273 = arith.addi %mul3A_261, %add3A_272 : i32
      %get3A_274 = arith.index_cast %add3A_273 : i32 to index
      %get3A_275 = arith.constant 112 : index
      %get3A_276 = tpu.vector_load %arg6[%get3A_274, %get3A_275] {strides = array<i32>} : memref<1000x128xf32, #tpu.memory_space<vmem>>, vector<1x16xf32>,
      %get3A_277 = vector.shape_cast %get3A_276 : vector<1x16xf32> to vector<16xf32>
      %eq3A_278 = arith.constant 1 : i32
      %eq3A_279 = vector.broadcast %eq3A_278 : i32 to vector<16xi32>
      %eq3A_280 = arith.cmpi eq, %sub3A_263, %eq3A_279 : vector<16xi32>
      %select_n3A_281 = arith.select %eq3A_280, %get3A_277, %scan3A_257 : vector<16xi1>, vector<16xf32>
      %add3A_282 = arith.constant 2 : i32
      %add3A_283 = arith.addi %mul3A_261, %add3A_282 : i32
      %get3A_284 = arith.index_cast %add3A_283 : i32 to index
      %get3A_285 = arith.constant 112 : index
      %get3A_286 = tpu.vector_load %arg6[%get3A_284, %get3A_285] {strides = array<i32>} : memref<1000x128xf32, #tpu.memory_space<vmem>>, vector<1x16xf32>,
      %get3A_287 = vector.shape_cast %get3A_286 : vector<1x16xf32> to vector<16xf32>
      %eq3A_288 = arith.constant 2 : i32
      %eq3A_289 = vector.broadcast %eq3A_288 : i32 to vector<16xi32>
      %eq3A_290 = arith.cmpi eq, %sub3A_263, %eq3A_289 : vector<16xi32>
      %select_n3A_291 = arith.select %eq3A_290, %get3A_287, %scan3A_258 : vector<16xi1>, vector<16xf32>
      %add3A_292 = arith.constant 3 : i32
      %add3A_293 = arith.addi %mul3A_261, %add3A_292 : i32
      %get3A_294 = arith.index_cast %add3A_293 : i32 to index
      %get3A_295 = arith.constant 112 : index
      %get3A_296 = tpu.vector_load %arg6[%get3A_294, %get3A_295] {strides = array<i32>} : memref<1000x128xf32, #tpu.memory_space<vmem>>, vector<1x16xf32>,
      %get3A_297 = vector.shape_cast %get3A_296 : vector<1x16xf32> to vector<16xf32>
      %eq3A_298 = arith.constant 3 : i32
      %eq3A_299 = vector.broadcast %eq3A_298 : i32 to vector<16xi32>
      %eq3A_300 = arith.cmpi eq, %sub3A_263, %eq3A_299 : vector<16xi32>
      %select_n3A_301 = arith.select %eq3A_300, %get3A_297, %scan3A_259 : vector<16xi1>, vector<16xf32>
      %add3A_302 = arith.constant 4 : i32
      %add3A_303 = arith.addi %mul3A_261, %add3A_302 : i32
      %get3A_304 = arith.index_cast %add3A_303 : i32 to index
      %get3A_305 = arith.constant 112 : index
      %get3A_306 = tpu.vector_load %arg6[%get3A_304, %get3A_305] {strides = array<i32>} : memref<1000x128xf32, #tpu.memory_space<vmem>>, vector<1x16xf32>,
      %get3A_307 = vector.shape_cast %get3A_306 : vector<1x16xf32> to vector<16xf32>
      %eq3A_308 = arith.constant 4 : i32
      %eq3A_309 = vector.broadcast %eq3A_308 : i32 to vector<16xi32>
      %eq3A_310 = arith.cmpi eq, %sub3A_263, %eq3A_309 : vector<16xi32>
      %select_n3A_311 = arith.select %eq3A_310, %get3A_307, %select_n3A : vector<16xi1>, vector<16xf32>
      %add3A_312 = arith.constant 5 : i32
      %add3A_313 = arith.addi %mul3A_261, %add3A_312 : i32
      %get3A_314 = arith.index_cast %add3A_313 : i32 to index
      %get3A_315 = arith.constant 112 : index
      %get3A_316 = tpu.vector_load %arg6[%get3A_314, %get3A_315] {strides = array<i32>} : memref<1000x128xf32, #tpu.memory_space<vmem>>, vector<1x16xf32>,
      %get3A_317 = vector.shape_cast %get3A_316 : vector<1x16xf32> to vector<16xf32>
      %eq3A_318 = arith.constant 5 : i32
      %eq3A_319 = vector.broadcast %eq3A_318 : i32 to vector<16xi32>
      %eq3A_320 = arith.cmpi eq, %sub3A_263, %eq3A_319 : vector<16xi32>
      %select_n3A_321 = arith.select %eq3A_320, %get3A_317, %select_n3A_281 : vector<16xi1>, vector<16xf32>
      %add3A_322 = arith.constant 6 : i32
      %add3A_323 = arith.addi %mul3A_261, %add3A_322 : i32
      %get3A_324 = arith.index_cast %add3A_323 : i32 to index
      %get3A_325 = arith.constant 112 : index
      %get3A_326 = tpu.vector_load %arg6[%get3A_324, %get3A_325] {strides = array<i32>} : memref<1000x128xf32, #tpu.memory_space<vmem>>, vector<1x16xf32>,
      %get3A_327 = vector.shape_cast %get3A_326 : vector<1x16xf32> to vector<16xf32>
      %eq3A_328 = arith.constant 6 : i32
      %eq3A_329 = vector.broadcast %eq3A_328 : i32 to vector<16xi32>
      %eq3A_330 = arith.cmpi eq, %sub3A_263, %eq3A_329 : vector<16xi32>
      %select_n3A_331 = arith.select %eq3A_330, %get3A_327, %select_n3A_291 : vector<16xi1>, vector<16xf32>
      %add3A_332 = arith.constant 7 : i32
      %add3A_333 = arith.addi %mul3A_261, %add3A_332 : i32
      %get3A_334 = arith.index_cast %add3A_333 : i32 to index
      %get3A_335 = arith.constant 112 : index
      %get3A_336 = tpu.vector_load %arg6[%get3A_334, %get3A_335] {strides = array<i32>} : memref<1000x128xf32, #tpu.memory_space<vmem>>, vector<1x16xf32>,
      %get3A_337 = vector.shape_cast %get3A_336 : vector<1x16xf32> to vector<16xf32>
      %eq3A_338 = arith.constant 7 : i32
      %eq3A_339 = vector.broadcast %eq3A_338 : i32 to vector<16xi32>
      %eq3A_340 = arith.cmpi eq, %sub3A_263, %eq3A_339 : vector<16xi32>
      %select_n3A_341 = arith.select %eq3A_340, %get3A_337, %select_n3A_301 : vector<16xi1>, vector<16xf32>
      scf.yield %select_n3A_311, %select_n3A_321, %select_n3A_331, %select_n3A_341 : vector<16xf32>, vector<16xf32>, vector<16xf32>, vector<16xf32>
    }
    %scan3A_234 = arith.constant 125 : i32
    %add3A_235 = arith.addf %scan3A_233#0, %scan3A_233#1 : vector<16xf32>
    %add3A_236 = arith.addf %scan3A_233#2, %scan3A_233#3 : vector<16xf32>
    %add3A_237 = arith.addf %add3A_235, %add3A_236 : vector<16xf32>
    %sub3A_238 = arith.constant 1.000000e+00 : f32
    %sub3A_239 = vector.broadcast %sub3A_238 : f32 to vector<16xf32>
    %sub3A_240 = arith.subf %add3A_237, %sub3A_239 : vector<16xf32>
    %scan3A_241 = arith.constant 0 : i32
    %scan3A_242 = arith.constant 125 : i32
    %scan3A_243 = arith.addi %scan3A_241, %scan3A_242 : i32
    %scan3A_244 = arith.constant 1 : i32
    %scan3A_245:4 = scf.for %scan3A_255 = %scan3A_241 to %scan3A_243 step %scan3A_244 iter_args(%scan3A_256 = %scan3A_216#0, %scan3A_257 = %scan3A_216#1, %scan3A_258 = %scan3A_216#2, %scan3A_259 = %scan3A_216#3) -> (vector<16xf32>, vector<16xf32>, vector<16xf32>, vector<16xf32>)  : i32 {
      %mul3A_260 = arith.constant 8 : i32
      %mul3A_261 = arith.muli %scan3A_255, %mul3A_260 : i32
      %add3A_262 = arith.constant 0 : i32
      %add3A_263 = arith.addi %mul3A_261, %add3A_262 : i32
      %get3A_264 = arith.index_cast %add3A_263 : i32 to index
      %get3A_265 = arith.constant 112 : index
      %get3A_266 = tpu.vector_load %arg6[%get3A_264, %get3A_265] {strides = array<i32>} : memref<1000x128xf32, #tpu.memory_space<vmem>>, vector<1x16xf32>,
      %get3A_267 = vector.shape_cast %get3A_266 : vector<1x16xf32> to vector<16xf32>
      %sub3A_268 = arith.subf %get3A_267, %sub3A_240 : vector<16xf32>
      %max3A = arith.constant 0.000000e+00 : f32
      %max3A_269 = vector.broadcast %max3A : f32 to vector<16xf32>
      %max3A_270 = arith.maximumf %sub3A_268, %max3A_269 : vector<16xf32>
      %add3A_271 = arith.addf %scan3A_256, %max3A_270 : vector<16xf32>
      %add3A_272 = arith.constant 1 : i32
      %add3A_273 = arith.addi %mul3A_261, %add3A_272 : i32
      %get3A_274 = arith.index_cast %add3A_273 : i32 to index
      %get3A_275 = arith.constant 112 : index
      %get3A_276 = tpu.vector_load %arg6[%get3A_274, %get3A_275] {strides = array<i32>} : memref<1000x128xf32, #tpu.memory_space<vmem>>, vector<1x16xf32>,
      %get3A_277 = vector.shape_cast %get3A_276 : vector<1x16xf32> to vector<16xf32>
      %sub3A_278 = arith.subf %get3A_277, %sub3A_240 : vector<16xf32>
      %max3A_279 = arith.constant 0.000000e+00 : f32
      %max3A_280 = vector.broadcast %max3A_279 : f32 to vector<16xf32>
      %max3A_281 = arith.maximumf %sub3A_278, %max3A_280 : vector<16xf32>
      %add3A_282 = arith.addf %scan3A_257, %max3A_281 : vector<16xf32>
      %add3A_283 = arith.constant 2 : i32
      %add3A_284 = arith.addi %mul3A_261, %add3A_283 : i32
      %get3A_285 = arith.index_cast %add3A_284 : i32 to index
      %get3A_286 = arith.constant 112 : index
      %get3A_287 = tpu.vector_load %arg6[%get3A_285, %get3A_286] {strides = array<i32>} : memref<1000x128xf32, #tpu.memory_space<vmem>>, vector<1x16xf32>,
      %get3A_288 = vector.shape_cast %get3A_287 : vector<1x16xf32> to vector<16xf32>
      %sub3A_289 = arith.subf %get3A_288, %sub3A_240 : vector<16xf32>
      %max3A_290 = arith.constant 0.000000e+00 : f32
      %max3A_291 = vector.broadcast %max3A_290 : f32 to vector<16xf32>
      %max3A_292 = arith.maximumf %sub3A_289, %max3A_291 : vector<16xf32>
      %add3A_293 = arith.addf %scan3A_258, %max3A_292 : vector<16xf32>
      %add3A_294 = arith.constant 3 : i32
      %add3A_295 = arith.addi %mul3A_261, %add3A_294 : i32
      %get3A_296 = arith.index_cast %add3A_295 : i32 to index
      %get3A_297 = arith.constant 112 : index
      %get3A_298 = tpu.vector_load %arg6[%get3A_296, %get3A_297] {strides = array<i32>} : memref<1000x128xf32, #tpu.memory_space<vmem>>, vector<1x16xf32>,
      %get3A_299 = vector.shape_cast %get3A_298 : vector<1x16xf32> to vector<16xf32>
      %sub3A_300 = arith.subf %get3A_299, %sub3A_240 : vector<16xf32>
      %max3A_301 = arith.constant 0.000000e+00 : f32
      %max3A_302 = vector.broadcast %max3A_301 : f32 to vector<16xf32>
      %max3A_303 = arith.maximumf %sub3A_300, %max3A_302 : vector<16xf32>
      %add3A_304 = arith.addf %scan3A_259, %max3A_303 : vector<16xf32>
      %add3A_305 = arith.constant 4 : i32
      %add3A_306 = arith.addi %mul3A_261, %add3A_305 : i32
      %get3A_307 = arith.index_cast %add3A_306 : i32 to index
      %get3A_308 = arith.constant 112 : index
      %get3A_309 = tpu.vector_load %arg6[%get3A_307, %get3A_308] {strides = array<i32>} : memref<1000x128xf32, #tpu.memory_space<vmem>>, vector<1x16xf32>,
      %get3A_310 = vector.shape_cast %get3A_309 : vector<1x16xf32> to vector<16xf32>
      %sub3A_311 = arith.subf %get3A_310, %sub3A_240 : vector<16xf32>
      %max3A_312 = arith.constant 0.000000e+00 : f32
      %max3A_313 = vector.broadcast %max3A_312 : f32 to vector<16xf32>
      %max3A_314 = arith.maximumf %sub3A_311, %max3A_313 : vector<16xf32>
      %add3A_315 = arith.addf %add3A_271, %max3A_314 : vector<16xf32>
      %add3A_316 = arith.constant 5 : i32
      %add3A_317 = arith.addi %mul3A_261, %add3A_316 : i32
      %get3A_318 = arith.index_cast %add3A_317 : i32 to index
      %get3A_319 = arith.constant 112 : index
      %get3A_320 = tpu.vector_load %arg6[%get3A_318, %get3A_319] {strides = array<i32>} : memref<1000x128xf32, #tpu.memory_space<vmem>>, vector<1x16xf32>,
      %get3A_321 = vector.shape_cast %get3A_320 : vector<1x16xf32> to vector<16xf32>
      %sub3A_322 = arith.subf %get3A_321, %sub3A_240 : vector<16xf32>
      %max3A_323 = arith.constant 0.000000e+00 : f32
      %max3A_324 = vector.broadcast %max3A_323 : f32 to vector<16xf32>
      %max3A_325 = arith.maximumf %sub3A_322, %max3A_324 : vector<16xf32>
      %add3A_326 = arith.addf %add3A_282, %max3A_325 : vector<16xf32>
      %add3A_327 = arith.constant 6 : i32
      %add3A_328 = arith.addi %mul3A_261, %add3A_327 : i32
      %get3A_329 = arith.index_cast %add3A_328 : i32 to index
      %get3A_330 = arith.constant 112 : index
      %get3A_331 = tpu.vector_load %arg6[%get3A_329, %get3A_330] {strides = array<i32>} : memref<1000x128xf32, #tpu.memory_space<vmem>>, vector<1x16xf32>,
      %get3A_332 = vector.shape_cast %get3A_331 : vector<1x16xf32> to vector<16xf32>
      %sub3A_333 = arith.subf %get3A_332, %sub3A_240 : vector<16xf32>
      %max3A_334 = arith.constant 0.000000e+00 : f32
      %max3A_335 = vector.broadcast %max3A_334 : f32 to vector<16xf32>
      %max3A_336 = arith.maximumf %sub3A_333, %max3A_335 : vector<16xf32>
      %add3A_337 = arith.addf %add3A_293, %max3A_336 : vector<16xf32>
      %add3A_338 = arith.constant 7 : i32
      %add3A_339 = arith.addi %mul3A_261, %add3A_338 : i32
      %get3A_340 = arith.index_cast %add3A_339 : i32 to index
      %get3A_341 = arith.constant 112 : index
      %get3A_342 = tpu.vector_load %arg6[%get3A_340, %get3A_341] {strides = array<i32>} : memref<1000x128xf32, #tpu.memory_space<vmem>>, vector<1x16xf32>,
      %get3A_343 = vector.shape_cast %get3A_342 : vector<1x16xf32> to vector<16xf32>
      %sub3A_344 = arith.subf %get3A_343, %sub3A_240 : vector<16xf32>
      %max3A_345 = arith.constant 0.000000e+00 : f32
      %max3A_346 = vector.broadcast %max3A_345 : f32 to vector<16xf32>
      %max3A_347 = arith.maximumf %sub3A_344, %max3A_346 : vector<16xf32>
      %add3A_348 = arith.addf %add3A_304, %max3A_347 : vector<16xf32>
      scf.yield %add3A_315, %add3A_326, %add3A_337, %add3A_348 : vector<16xf32>, vector<16xf32>, vector<16xf32>, vector<16xf32>
    }
    %scan3A_246 = arith.constant 125 : i32
    %add3A_247 = arith.addf %scan3A_245#0, %scan3A_245#1 : vector<16xf32>
    %add3A_248 = arith.addf %scan3A_245#2, %scan3A_245#3 : vector<16xf32>
    %add3A_249 = arith.addf %add3A_247, %add3A_248 : vector<16xf32>
    %swap3A = arith.constant 0 : index
    %swap3A_250 = tpu.vector_load %arg7[%swap3A] {strides = array<i32>} : memref<16xf32, #tpu.memory_space<vmem>>, vector<16xf32>,
    %swap3A_251 = vector.shape_cast %swap3A_250 : vector<16xf32> to vector<16xf32>
    %swap3A_252 = vector.shape_cast %add3A_249 : vector<16xf32> to vector<16xf32>
    tpu.vector_store %arg7[%swap3A], %swap3A_252 {strides = array<i32>} : memref<16xf32, #tpu.memory_space<vmem>>, vector<16xf32>,
    %mul3A_253 = arith.constant 16 : i32
    %mul3A_254 = arith.muli %add3A, %mul3A_253 : i32
    "tpu.region"() ({
      %run_scoped3A = tpu.sem_alloc : memref<!tpu.dma_semaphore, #tpu.memory_space<semaphore_mem>>
      %dma_start3A_255 = tpu.memref_slice %arg4[%mul3A_254] : memref<512xf32, #tpu.memory_space<hbm>> -> memref<16xf32, #tpu.memory_space<hbm>>
      %dma_start3A_256 = tpu.memref_slice %arg4[%mul3A_254] : memref<512xf32, #tpu.memory_space<hbm>> -> memref<16xf32, #tpu.memory_space<hbm>>
      tpu.enqueue_dma source(%arg7 : memref<16xf32, #tpu.memory_space<vmem>>) target(%dma_start3A_256 : memref<16xf32, #tpu.memory_space<hbm>>) target_semaphore(%run_scoped3A : memref<!tpu.dma_semaphore, #tpu.memory_space<semaphore_mem>>)
      %dma_wait3A_257 = tpu.memref_slice %arg4[%mul3A_254] : memref<512xf32, #tpu.memory_space<hbm>> -> memref<16xf32, #tpu.memory_space<hbm>>
      %dma_wait3A_258 = tpu.memref_slice %arg4[%mul3A_254] : memref<512xf32, #tpu.memory_space<hbm>> -> memref<16xf32, #tpu.memory_space<hbm>>
      tpu.wait_dma2 semaphore(%run_scoped3A : memref<!tpu.dma_semaphore, #tpu.memory_space<semaphore_mem>>) src(%arg7 : memref<16xf32, #tpu.memory_space<vmem>>) dst(%dma_wait3A_258 : memref<16xf32, #tpu.memory_space<hbm>>)
      tpu.yield
    }) : () -> ()
    return
  }
}

module attributes {stable_mosaic.version = 14 : i64} {
  func.func @_tc_hinge_body(%arg0: i32, %arg1: memref<1000x2048xf32, #tpu.memory_space<vmem>>, %arg2: memref<1x1x2048xi32, #tpu.memory_space<vmem>>, %arg3: memref<1x1xf32, #tpu.memory_space<smem>>) attributes {dimension_semantics = [#tpu.dimension_semantics<arbitrary>], iteration_bounds = array<i64: 6>, scalar_prefetch = 0 : i64, scratch_operands = 0 : i64, tpu.core_type = #tpu.core_type<tc>, window_params = [{transform_indices = @transform_0, window_bounds = array<i64: 1000, 2048>}, {transform_indices = @transform_1, window_bounds = array<i64: 1, 1, 2048>}, {transform_indices = @transform_2, window_bounds = array<i64: 1, 1>}]} {
    %get3A = arith.constant 0 : index
    %get3A_0 = arith.constant 0 : index
    %get3A_1 = vector.load %arg1[%get3A, %get3A_0] : memref<1000x2048xf32, #tpu.memory_space<vmem>>, vector<1000x2048xf32>
    %get3A_2 = arith.constant 0 : index
    %get3A_3 = arith.constant 0 : index
    %get3A_4 = arith.constant 0 : index
    %get3A_5 = vector.load %arg2[%get3A_2, %get3A_3, %get3A_4] : memref<1x1x2048xi32, #tpu.memory_space<vmem>>, vector<1x1x2048xi32>
    %get3A_6 = vector.shape_cast %get3A_5 : vector<1x1x2048xi32> to vector<2048xi32>
    %reshape3A = vector.shape_cast %get3A_6 : vector<2048xi32> to vector<1x2048xi32>
    %iota3A = tpu.iota {dimensions = array<i32: 0>} : vector<1000x2048xi32>
    %eq3A = vector.broadcast %reshape3A : vector<1x2048xi32> to vector<1000x2048xi32>
    %eq3A_7 = arith.cmpi eq, %iota3A, %eq3A : vector<1000x2048xi32>
    %jit3A = arith.constant 0.000000e+00 : f32
    %broadcast_in_dim3A = vector.broadcast %jit3A : f32 to vector<1000x2048xf32>
    %select_n3A = arith.select %eq3A_7, %get3A_1, %broadcast_in_dim3A : vector<1000x2048xi1>, vector<1000x2048xf32>
    %reduce_sum3A = arith.constant dense<0.000000e+00> : vector<2048xf32>
    %reduce_sum3A_8 = vector.multi_reduction <add>, %select_n3A, %reduce_sum3A [0] : vector<1000x2048xf32> to vector<2048xf32>
    %broadcast_in_dim3A_9 = vector.shape_cast %reduce_sum3A_8 : vector<2048xf32> to vector<1x2048xf32>
    %sub3A = vector.broadcast %broadcast_in_dim3A_9 : vector<1x2048xf32> to vector<1000x2048xf32>
    %sub3A_10 = arith.subf %get3A_1, %sub3A : vector<1000x2048xf32>
    %add3A = arith.constant 1.000000e+00 : f32
    %add3A_11 = vector.broadcast %add3A : f32 to vector<1000x2048xf32>
    %add3A_12 = arith.addf %sub3A_10, %add3A_11 : vector<1000x2048xf32>
    %max3A = arith.constant 0.000000e+00 : f32
    %max3A_13 = vector.broadcast %max3A : f32 to vector<1000x2048xf32>
    %max3A_14 = arith.maximumf %add3A_12, %max3A_13 : vector<1000x2048xf32>
    %reduce_sum3A_15 = vector.shape_cast %max3A_14 : vector<1000x2048xf32> to vector<1x1000x2048xf32>
    %reduce_sum3A_16 = arith.constant dense<0.000000e+00> : vector<1xf32>
    %reduce_sum3A_17 = vector.multi_reduction <add>, %reduce_sum3A_15, %reduce_sum3A_16 [1, 2] : vector<1x1000x2048xf32> to vector<1xf32>
    %reduce_sum3A_18 = vector.shape_cast %reduce_sum3A_17 : vector<1xf32> to vector<1x1x1xf32>
    %reduce_sum3A_19 = vector.extract %reduce_sum3A_18[0, 0, 0] : f32 from vector<1x1x1xf32>
    %eq3A_20 = arith.constant 0 : i32
    %eq3A_21 = arith.cmpi eq, %arg0, %eq3A_20 : i32
    %convert_element_type3A = arith.extui %eq3A_21 : i1 to i32
    %cond3A = arith.constant 0 : i32
    %cond3A_22 = arith.cmpi ne, %convert_element_type3A, %cond3A : i32
    scf.if %cond3A_22 {
      %swap3A_29 = arith.constant 0.000000e+00 : f32
      %swap3A_30 = arith.constant 0 : index
      %swap3A_31 = arith.constant 0 : index
      %swap3A_32 = memref.load %arg3[%swap3A_30, %swap3A_31] : memref<1x1xf32, #tpu.memory_space<smem>>
      memref.store %swap3A_29, %arg3[%swap3A_30, %swap3A_31] : memref<1x1xf32, #tpu.memory_space<smem>>
    } else {
    }
    %get3A_23 = arith.constant 0 : index
    %get3A_24 = arith.constant 0 : index
    %get3A_25 = memref.load %arg3[%get3A_23, %get3A_24] : memref<1x1xf32, #tpu.memory_space<smem>>
    %add3A_26 = arith.addf %get3A_25, %reduce_sum3A_19 : f32
    %swap3A = arith.constant 0 : index
    %swap3A_27 = arith.constant 0 : index
    %swap3A_28 = memref.load %arg3[%swap3A, %swap3A_27] : memref<1x1xf32, #tpu.memory_space<smem>>
    memref.store %add3A_26, %arg3[%swap3A, %swap3A_27] : memref<1x1xf32, #tpu.memory_space<smem>>
    return
  }
  func.func @transform_0(%arg0: i32) -> (i32, i32) {
    %c0_i32 = arith.constant 0 : i32
    %c0_i32_0 = arith.constant 0 : i32
    return %c0_i32, %arg0 : i32, i32
  }
  func.func @transform_1(%arg0: i32) -> (i32, i32, i32) {
    %c0_i32 = arith.constant 0 : i32
    %c0_i32_0 = arith.constant 0 : i32
    %c0_i32_1 = arith.constant 0 : i32
    return %arg0, %c0_i32, %c0_i32_0 : i32, i32, i32
  }
  func.func @transform_2(%arg0: i32) -> (i32, i32) {
    %c0_i32 = arith.constant 0 : i32
    %c0_i32_0 = arith.constant 0 : i32
    %c0_i32_1 = arith.constant 0 : i32
    return %c0_i32, %c0_i32_0 : i32, i32
  }
}

</mosaic_0001>

<sc_bundles>
// kernel: kernel.4.cloned.1.call-start
scs
__scs_entry_jumppad:
0x0: {  	(pc) =	sbr.rel $0x88, $3  }
0x1: {  	(tag) =	ssettag $0x0;
	lr =	simm.s32 $0x1  }
0x2: {  	[smem:$0x3F9F] =	sst lr;
	_ =	strace $0xD0000000  }
0x3: {  	_ = 	snop  }
0x4: {  	_ = 	snop  }
0x5: {  	_ = 	snop  }
0x6: {  	_ = 	snop  }
0x7: {  	_ = 	snop  }
__scs_overlays_trampoline_lowered:
0x8: {  	[smem:$0x3FAE] =	sst s0  }
0x9: {  	[smem:$0x3FAF] =	sst s1  }
0xa: {  	[smem:$0x3FB0] =	sst s2  }
0xb: {  	[smem:$0x3FB1] =	sst s3  }
0xc: {  	[smem:$0x3FB2] =	sst s4  }
0xd: {  	[smem:$0x3FB3] =	sst s5  }
0xe: {  	[smem:$0x3FB4] =	sst s6  }
0xf: {  	[smem:$0x3FB5] =	sst s7  }
0x10: {  	[smem:$0x3FB6] =	sst s8  }
0x11: {  	[smem:$0x3FB7] =	sst s9;
	s0 =	simm.s32 @!p0 $0x0  }
0x12: {  	s1 =	sld [smem:$0x3F9D];
	s0 =	simm.s32 @p0 $0x1  }
0x13: {  	[smem:$0x3FB8] =	sst s0;
	s0 =	simm.s32 @!p1 $0x0  }
0x14: {  	s2 =	sld [smem:$0x3F9C];
	s0 =	simm.s32 @p1 $0x1  }
0x15: {  	[smem:$0x3FB9] =	sst s0;
	s0 =	simm.s32 @!p2 $0x0  }
0x16: {  	s3 =	sld [smem:$0x3FDB];
	s0 =	simm.s32 @p2 $0x1  }
0x17: {  	s4 =	simm.s32 $0x1BF5;
	[smem:$0x3FBB] =	sst s0  }
0x18: {  	s0 =	sld [smem:$0x3F9E];
	_ =	swait.ge [sflag:s4], $0x0  }
0x19: {  	s7 =	sld [smem:$0x3F9F]  }
0x1a: {  	s8 =	sadd.s32 $0xFFFFE003, lr  }
0x1b: {  	s9 =	sadd.s32 $0xFFFFFEF7, lr;
	s5 =	simm.s32 $0xFFFFFFFF;
	p2 =	slt.u32 s8, $0xFFFFF086  }
0x1c: {  	p1 =	slt.u32 s9, $0xF7A;
	s5 =	simm.s32 @!p2 $0x0  }
0x1d: {  	s5 =	simm.s32 @p1 $0x1;
	p0 =	seq.s32 s7, s2  }
0x1e: {  	s7 =	smul.u32 @!p0 $0xF7A, s2;
	p2 =	seq.s32 @!p0 s5, $0x0  }
0x1f: {  	s9 =	smul.u32 $0xF7A, s1;
	s8 =	simm.s32 @!p0 $0x1BF5;
	p2 =	por !p2, p0  }
0x20: {  	[sflag:s8] =	ssyncset.s32 @!p0 $0xFFFFF086;
	s6 =	sadd.s32 @!p0 s3, s7;
	s7 =	simm.s32 @!p0 $0x108  }
0x21: {  	s3 =	sadd.s32 s3, s9;
	s6 =	sadd.s32 @!p0 $0x88, s6;
	s7 =	simm.s32 @p2 $0x1082  }
0x22: {  	[simem:s7], [sflag:s8] =	dma.local @!p0 [hbm:s6], $0xF7A  }
0x23: {  	s9 =	sor.u32 $0xD0000000, s2;
	s6 =	simm.s32 $0x108;
	_ =	swait.ge @!p0 [sflag:s8], $0x0  }
0x24: {  	s3 =	sadd.s32 $0x88, s3;
	s6 =	simm.s32 @!p1 $0x1082;
	[sflag:s4] =	ssyncset.s32 $0xFFFFF086  }
0x25: {  	[simem:s6], [sflag:s4] =	dma.local [hbm:s3], $0xF7A  }
0x26: {  	[smem:$0x3F9F] =	sst s1;
	(tag) =	ssettag s2;
	_ =	strace s9  }
0x27: {  	s1 =	sld [smem:$0x3FAF]  }
0x28: {  	s2 =	sld [smem:$0x3FB0]  }
0x29: {  	s4 =	sld [smem:$0x3FB2]  }
0x2a: {  	p0 =	seq.s32 s5, $0x0;
	s5 =	sld [smem:$0x3FB3]  }
0x2b: {  	s6 =	sld [smem:$0x3FB4]  }
0x2c: {  	s7 =	sld [smem:$0x3FB5]  }
0x2d: {  	s3 =	simm.s32 $0x108;
	s8 =	sld [smem:$0x3FB6]  }
0x2e: {  	s3 =	simm.s32 @!p0 $0x1082;
	s9 =	sld [smem:$0x3FB7]  }
0x2f: {  	lr =	sadd.s32 s0, s3;
	s0 =	sld [smem:$0x3FAE]  }
0x30: {  	s3 =	sld [smem:$0x3FB1]  }
0x31: {  	[smem:$0x3FBA] =	sst s10  }
0x32: {  	s10 =	sld [smem:$0x3FB8];
	_ =	sdelay $0x3  }
0x33: {  	p0 =	seq.s32 s10, $0x1;
	s10 =	sld [smem:$0x3FBA];
	_ =	sdelay $0x3  }
0x34: {  	[smem:$0x3FBA] =	sst s10  }
0x35: {  	s10 =	sld [smem:$0x3FB9];
	_ =	sdelay $0x3  }
0x36: {  	p1 =	seq.s32 s10, $0x1;
	s10 =	sld [smem:$0x3FBA];
	_ =	sdelay $0x3  }
0x37: {  	[smem:$0x3FBA] =	sst s10  }
0x38: {  	s10 =	sld [smem:$0x3FBB]  }
0x39: {  	_ = 	snop;
	(pc) =	sbr.ind lr, $3  }
0x3a: {  	_ = 	snop  }
0x3b: {  	_ = 	snop  }
0x3c: {  	p2 =	seq.s32 s10, $0x1;
	s10 =	sld [smem:$0x3FBA]  }
0x3d: {  	_ =	shalt  }
0x3e: {  	_ =	shalt  }
0x3f: {  	_ =	shalt  }
0x40: {  	_ =	shalt  }
0x41: {  	_ =	shalt  }
0x42: {  	_ =	shalt  }
0x43: {  	_ =	shalt  }
0x44: {  	_ =	shalt  }
0x45: {  	_ =	shalt  }
0x46: {  	_ =	shalt  }
0x47: {  	_ =	shalt  }
0x48: {  	_ =	shalt  }
0x49: {  	_ =	shalt  }
0x4a: {  	_ =	shalt  }
0x4b: {  	_ =	shalt  }
0x4c: {  	_ =	shalt  }
0x4d: {  	_ =	shalt  }
0x4e: {  	_ =	shalt  }
0x4f: {  	_ =	shalt  }
0x50: {  	_ =	shalt  }
0x51: {  	_ =	shalt  }
0x52: {  	_ =	shalt  }
0x53: {  	_ =	shalt  }
0x54: {  	_ =	shalt  }
0x55: {  	_ =	shalt  }
0x56: {  	_ =	shalt  }
0x57: {  	_ =	shalt  }
0x58: {  	_ =	shalt  }
0x59: {  	_ =	shalt  }
0x5a: {  	_ =	shalt  }
0x5b: {  	_ =	shalt  }
0x5c: {  	_ =	shalt  }
0x5d: {  	_ =	shalt  }
0x5e: {  	_ =	shalt  }
0x5f: {  	_ =	shalt  }
0x60: {  	_ =	shalt  }
0x61: {  	_ =	shalt  }
0x62: {  	_ =	shalt  }
0x63: {  	_ =	shalt  }
0x64: {  	_ =	shalt  }
0x65: {  	_ =	shalt  }
0x66: {  	_ =	shalt  }
0x67: {  	_ =	shalt  }
0x68: {  	_ =	shalt  }
0x69: {  	_ =	shalt  }
0x6a: {  	_ =	shalt  }
0x6b: {  	_ =	shalt  }
0x6c: {  	_ =	shalt  }
0x6d: {  	_ =	shalt  }
0x6e: {  	_ =	shalt  }
0x6f: {  	_ =	shalt  }
0x70: {  	_ =	shalt  }
0x71: {  	_ =	shalt  }
0x72: {  	_ =	shalt  }
0x73: {  	_ =	shalt  }
0x74: {  	_ =	shalt  }
0x75: {  	_ =	shalt  }
0x76: {  	_ =	shalt  }
0x77: {  	_ =	shalt  }
0x78: {  	_ =	shalt  }
0x79: {  	_ =	shalt  }
0x7a: {  	_ =	shalt  }
0x7b: {  	_ =	shalt  }
0x7c: {  	_ =	shalt  }
0x7d: {  	_ =	shalt  }
0x7e: {  	_ =	shalt  }
0x7f: {  	_ =	shalt  }
0x80: {  	_ =	shalt  }
0x81: {  	_ =	shalt  }
0x82: {  	_ =	shalt  }
0x83: {  	_ =	shalt  }
0x84: {  	_ =	shalt  }
0x85: {  	_ =	shalt  }
0x86: {  	_ =	shalt  }
0x87: {  	_ =	shalt  }
.Lfunc_end0:
.L_simem_size_0:
called_computation_lowered:
.L_overlay_start_0:
0x88: {  	s2 =	sld [smem:$0x3FD9]  }
0x89: {  	s3 =	sld [smem:$0x3FFE];
	_ =	sdelay $0x1  }
0x8a: {  	s1 =	srdreg.scid  }
0x8b: {  	s0 =	sand.u32 $0x1, s1  }
0x8c: {  	s17 =	sshll.u32 s0, $0xA;
	s2 =	sadd.s32 s3, s2  }
0x8d: {  	s2 =	sadd.s32 s2, s17  }
0x8e: {  	[smem:$0x3FC6] =	sst s2  }
0x8f: {  	_ = 	snop  }
0x90: {  	s2 =	sld [smem:$0x3FC9]  }
0x91: {  	s18 =	sld [smem:$0x3FC8];
	(tm) =	ssettm $0x1  }
0x92: {  	s4 =	sld [smem:$0x3FFB];
	_ =	sdelay $0x3  }
0x93: {  	_ =	strace s4  }
0x94: {  	s4 =	sld [smem:$0x3FFC];
	_ =	sdelay $0x3  }
0x95: {  	_ =	strace s4  }
0x96: {  	s4 =	sld [smem:$0x3FFD];
	_ =	sdelay $0x3  }
0x97: {  	_ =	strace s4  }
0x98: {  	_ =	strace $0x8FFFFFFF  }
0x99: {  	s19 =	sld [smem:$0x3FDB];
	_ =	sdelay $0x1  }
0x9a: {  	s5 =	simm.s32 $_scs_section_size  }
0x9b: {  	s6 =	simm.s32 $_size__tile_overlayer_lowered;
	s7 =	simm.s32 $_tile_overlayer_lowered  }
0x9c: {  	s22 =	simm.s32 $0x1BFF;
	s21 =	sshll.u32 s7, $0x1;
	s4 =	sadd.s32 s5, s19  }
0x9d: {  	s8 =	simm.s32 $0x0;
	s20 =	sshll.u32 s6, $0x1;
	s6 =	sadd.s32 s21, s4  }
0x9e: {  	[timem:s8], [sflag:s22] =	dma.local [hbm:s6], s20  }
0x9f: {  	_ =	swait.ge [sflag:s22], s20  }
0xa0: {  	s5 =	ssub.s32 $0x0, s20;
	[sflag:s22] =	ssyncset.done $0x0  }
0xa1: {  	[sflag:s22] =	ssyncadd.s32 s5;
	_ =	sdelay $0x1  }
0xa2: {  	s23 =	simm.s32 $0x1B8B  }
0xa3: {  	_ =	swait.ge [sflag:s23], $0x1  }
0xa4: {  	[sflag:s23] =	ssyncset.done $0x0  }
0xa5: {  	s25 =	simm.s32 $0x1B8E;
	s24 =	sld [smem:$0x3FFE];
	[sflag:s23] =	ssyncadd.s32 $0xFFFFFFFF  }
0xa6: {  	s26 =	simm.s32 $execute0_lowered;
	[smem:$0x3FD2] =	sst s25  }
0xa7: {  	s6 =	sshll.u32 s26, $0x1;
	_ =	strace $0x80000046;
	[dreg:$0x1] =	wrdreg $0xFFFFFFFF  }
0xa8: {  	s28 =	simm.s32 $_size_execute0_lowered;
	s4 =	sadd.s32 s4, s6;
	[dreg:$0x0] =	wrdreg $0x0  }
0xa9: {  	s6 =	sshll.u32 s28, $0x1;
	[dreg:$0x2] =	wrdreg s4  }
0xaa: {  	[dreg:$0x3] =	wrdreg s6  }
0xab: {  	[dreg:$0x4] =	wrdreg $0xC0  }
0xac: {  	_ =	task [dreg:s8], $0x5FFFF  }
0xad: {  	[dreg:$0x1] =	wrdreg $0xFFFFFFFF  }
0xae: {  	[dreg:$0x0] =	wrdreg $0x60  }
0xaf: {  	[dreg:$0x2] =	wrdreg s2  }
0xb0: {  	[dreg:$0x3] =	wrdreg s18  }
0xb1: {  	[dreg:$0x4] =	wrdreg s24  }
0xb2: {  	[dreg:$0x5] =	wrdreg $0x9  }
0xb3: {  	_ =	task.clear_ibuf [dreg:s8], $0x6FFFF;
	_ =	strace $0x90000046  }
0xb4: {  	s29 =	simm.s32 $0x9;
	_ =	strace $0x80000048  }
0xb5: {  	_ =	swait.ge [sflag:s29], $0x1  }
0xb6: {  	[sflag:s29] =	ssyncadd.s32 $0xFFFFFFFF  }
0xb7: {  	_ =	strace $0x90000048  }
0xb8: {  	_ =	sfence  }
0xb9: {  	s30 =	sld [smem:$0x0];
	_ =	sdelay $0x2  }
0xba: {  	s31 =	sshll.u32 s1, $0xD;
	s1 =	sshrl.u32 s1, $0x2  }
0xbb: {  	s3 =	sand.u32 $0x4000, s31;
	s1 =	sadd.s32 s1, s30  }
0xbc: {  	s0 =	sor.u32 s3, s0;
	s1 =	sshll.u32 s1, $0x11  }
0xbd: {  	s0 =	sor.u32 s1, s0  }
0xbe: {  	s0 =	sadd.s32 $0x8F2B, s0  }
0xbf: {  	[sflag:s0] =	ssyncadd.remote.s32 $0x1  }
0xc0: {  	_ =	sfence.sel $0xFFFF  }
0xc1: {  	[dreg:$0x0] =	wrdreg $0xFFFFFFFF;
	(pc) =	sbr.abs _section_cstart, $3  }
0xc2: {  	[dreg:$0x1] =	wrdreg $0xFFFFFFFF  }
0xc3: {  	_ =	task.clear_ibuf [dreg:s8], $0x2FFFF;
	_ =	strace $0x9FFFFFFF  }
0xc4: {  	(tm) =	ssettm $0x7FFFFFFF  }
0xc5: {  	_ =	shalt  }
tec
execute0_lowered:
.L_overlay_start_1:
0x0: {  	(tag) =	ssettag $0x1  }
0x1: {  	s4 =	rddreg [dreg:$0x0]  }
0x2: {  	s3 =	rddreg [dreg:$0x1]  }
0x3: {  	s5 =	rddreg [dreg:$0x2]  }
0x4: {  	s0 =	rddreg [dreg:$0x3]  }
0x5: {  	s6 =	srdreg.scid;
	s1 =	stileid.u32;
	s2 =	simm.s32 $0x0  }
0x6: {  	s10 =	simm.s32 $0x80;
	s11 =	simm.s32 $0x1;
	s12 =	simm.s32 $0x1F480  }
0x7: {  	s6 =	sand.u32 $0x1, s6;
	s7 =	sshll.u32 s1, $0x1;
	[smem:$0x7FF] =	sst s2  }
0x8: {  	s13 =	simm.s32 $0x0;
	s7 =	sor.u32 s6, s7;
	_ =	strace $0x80000047  }
0x9: {  	s6 =	ssub.s32 $0x2, s6;
	s8 =	sshll.u32 s7, $0x1;
	s7 =	sor.u32 $0x60, s7  }
0xa: {  	s31 =	sshrl.u32 s6, $0x1;
	s5 =	sadd.s32 s8, s5;
	s9 =	sshll.u32 s7, $0x4  }
0xb: {  	s7 =	sshll.u32 s7, $0x7;
	s6 =	ssub.s32 s6, s31;
	s8 =	simm.s32 $0x400  }
0xc: {  	s3 =	sadd.s32 s3, s9;
	s4 =	sadd.s32 s4, s7;
	s5 =	sadd.s32 $0x200, s5  }
0xd: {  	s6 =	smax.u32 s6, $0x1;
	s7 =	simm.s32 $0x2;
	s9 =	simm.s32 $0x20000  }
.LBB2_1:
0xe: {  	[tilespmem:s2], [sflag:$0x2] =	stream.linear.gather [hbm4b:s3+s2], $0x80, $0x38;
	[tilespmem:$0x1F500] =	vst v63  }
0xf: {  	_ =	swait.ge [sflag:s7], $0x80  }
0x10: {  	[sflag:s7] =	ssyncset.done $0x0  }
0x11: {  	[sflag:s7] =	ssyncadd.s32 $0xFFFFFF80  }
0x12: {  	[tilespmem:s10], [sflag:$0x1] =	stream.strided.gather [hbm4b:s4+s8], $0x1F400, s9, s8, $0x38;
	[tilespmem:$0x1F500] =	vst v63  }
0x13: {  	_ =	swait.ge [sflag:s11], $0x1F400  }
0x14: {  	[sflag:s11] =	ssyncset.done $0x0  }
0x15: {  	[sflag:s11] =	ssyncadd.s32 $0xFFFE0C00  }
0x16: {  	s14 =	simm.s32 $0x280;
	v3 =	vld [tilespmem:$0x0]  }
0x17: {  	v5 =	vld [tilespmem:s14+$0x0]  }
0x18: {  	v0 =	vld [tilespmem:s14+$0x80]  }
0x19: {  	v2 =	vld [tilespmem:s14+$0x100]  }
0x1a: {  	v10 =	vld [tilespmem:s14+$0xFFFFFE00]  }
0x1b: {  	v1 =	vld [tilespmem:s14+$0xFFFFFE80]  }
0x1c: {  	v11 =	vimm.f32 $0.0e+00;
	v12 =	vmov s2;
	v4 =	vld [tilespmem:s14+$0xFFFFFF00]  }
0x1d: {  	s15 =	simm.s32 $0x8;
	s16 =	simm.s32 $0x0;
	v6 =	vimm.f32 $0.0e+00;
	v7 =	vimm.f32 $0.0e+00;
	v8 =	vimm.f32 $0.0e+00;
	v9 =	vld [tilespmem:s14+$0xFFFFFF80]  }
.LBB2_2:
0x1e: {  	p0 =	sne.s32 s15, $0x3E0;
	v12 =	vsub.s32 v3, v12;
	vm0 =	veq.s32 v3, s16;
	v13 =	vld [tilespmem:s14+$0x180];
	s14 =	sadd.s32 $0x400, s14;
	v14 =	vmov v2;
	s16 =	smov.u32 s15  }
0x1f: {  	v15 =	vld [tilespmem:s14+$0x0];
	vm1 =	veq.s32 v12, $0x4;
	vm2 =	veq.s32 v12, $0x5;
	vm3 =	veq.s32 v12, $0x6  }
0x20: {  	v10 =	vsel vm0, v10, v11;
	vm0 =	veq.s32 v12, $0x1;
	vm4 =	veq.s32 v12, $0x7;
	v16 =	vld [tilespmem:s14+$0x80]  }
.Ltmp0:
0x21: {  	vm5 =	veq.s32 v12, $0x2;
	vm6 =	veq.s32 v12, $0x3;
	v11 =	vsel vm1, v5, v10;
	v2 =	vld [tilespmem:s14+$0x100];
	(pc) =	sbr.rel @p0 .LBB2_2-.Ltmp0, $4  }
0x22: {  	v12 =	vsel vm0, v1, v6;
	v4 =	vsel vm5, v4, v7;
	v10 =	vld [tilespmem:s14+$0xFFFFFE00];
	v8 =	vsel vm6, v9, v8  }
0x23: {  	v6 =	vsel vm2, v0, v12;
	v7 =	vsel vm3, v14, v4;
	v1 =	vld [tilespmem:s14+$0xFFFFFE80];
	v8 =	vsel vm4, v13, v8  }
0x24: {  	v4 =	vld [tilespmem:s14+$0xFFFFFF00];
	v5 =	vmov v15  }
0x25: {  	s15 =	sadd.s32 $0x8, s15;
	v12 =	vmov s16;
	v9 =	vld [tilespmem:s14+$0xFFFFFF80];
	v0 =	vmov v16  }
0x26: {  	v13 =	vld [tilespmem:s14+$0x180];
	s30 =	simm.s32 $0x0;
	v12 =	vsub.s32 v3, v12;
	vm0 =	veq.s32 v3, s16  }
0x27: {  	v3 =	vld [tilespmem:s30+$0x180];
	vm1 =	veq.s32 v12, $0x4;
	vm2 =	veq.s32 v12, $0x5;
	vm3 =	veq.s32 v12, $0x6  }
0x28: {  	v14 =	vld [tilespmem:s30+$0x280];
	v10 =	vsel vm0, v10, v11;
	vm15 =	veq.s32 v12, $0x1;
	vm4 =	veq.s32 v12, $0x7  }
0x29: {  	s15 =	simm.s32 $0x400;
	v11 =	vld [tilespmem:s30+$0x200];
	vm5 =	veq.s32 v12, $0x2;
	vm6 =	veq.s32 v12, $0x3;
	v5 =	vsel vm1, v5, v10  }
0x2a: {  	v12 =	vld [tilespmem:s15+$0x400];
	v1 =	vsel vm15, v1, v6;
	v4 =	vsel vm5, v4, v7;
	v6 =	vsel vm6, v9, v8  }
0x2b: {  	v15 =	vld [tilespmem:s15+$0x380];
	v0 =	vsel vm2, v0, v1;
	v1 =	vsel vm3, v2, v4;
	v2 =	vsel vm4, v13, v6  }
0x2c: {  	v10 =	vld [tilespmem:s30+$0x400];
	v0 =	vadd.f32 v0, v5;
	v1 =	vadd.f32 v2, v1  }
0x2d: {  	v7 =	vld [tilespmem:s30+$0x100]  }
0x2e: {  	v2 =	vld [tilespmem:s30+$0x380];
	v0 =	vadd.f32 v1, v0  }
0x2f: {  	v8 =	vld [tilespmem:s15+$0x280]  }
0x30: {  	v6 =	vld [tilespmem:s15+$0x180];
	v0 =	vadd.f32 $-1.000000000e+00, v0  }
0x31: {  	s31 =	simm.s32 $0x800;
	v5 =	vld [tilespmem:s30+$0x80]  }
0x32: {  	v19 =	vld [tilespmem:s31+$0x180];
	v1 =	vsub.f32 v3, v0;
	v3 =	vsub.f32 v11, v0  }
0x33: {  	v24 =	vld [tilespmem:s31+$0x380];
	v14 =	vsub.f32 v14, v0;
	v2 =	vsub.f32 v2, v0  }
0x34: {  	v4 =	vld [tilespmem:s30+$0x300];
	v7 =	vsub.f32 v7, v0;
	v8 =	vsub.f32 v8, v0  }
0x35: {  	v18 =	vld [tilespmem:s15+$0x80];
	v6 =	vsub.f32 v6, v0;
	v10 =	vsub.f32 v10, v0  }
0x36: {  	v9 =	vld [tilespmem:s15+$0x200];
	v15 =	vsub.f32 v15, v0;
	v5 =	vsub.f32 v5, v0  }
0x37: {  	v17 =	vimm.f32 $0.0e+00;
	v11 =	vld [tilespmem:s15+$0x300];
	v27 =	vsub.f32 v12, v0;
	v19 =	vsub.f32 v19, v0  }
0x38: {  	v23 =	vld [tilespmem:s31+$0x100];
	v24 =	vsub.f32 v24, v0;
	v1 =	vmax.f32 v1, $0.0e+00;
	v16 =	vmax.f32 v3, $0.0e+00  }
0x39: {  	v13 =	vld [tilespmem:s15+$0x100];
	v3 =	vsub.f32 v4, v0;
	v2 =	vmax.f32 v2, $0.0e+00;
	v4 =	vadd.f32 v1, v17  }
0x3a: {  	v22 =	vld [tilespmem:s31+$0x300];
	v7 =	vmax.f32 v7, $0.0e+00;
	v6 =	vmax.f32 v6, $0.0e+00;
	v16 =	vadd.f32 v16, v17  }
0x3b: {  	v1 =	vmax.f32 v14, $0.0e+00;
	v14 =	vld [tilespmem:s31+$0x280];
	v4 =	vadd.f32 v2, v4;
	v2 =	vsub.f32 v9, v0  }
0x3c: {  	s14 =	simm.s32 $0xC00;
	v7 =	vadd.f32 v7, v17;
	v20 =	vmax.f32 v3, $0.0e+00;
	v9 =	vld [tilespmem:s31+$0x200];
	v11 =	vsub.f32 v11, v0  }
0x3d: {  	v12 =	vld [tilespmem:s14+$0x100];
	v21 =	vmax.f32 v2, $0.0e+00;
	v2 =	vmax.f32 v8, $0.0e+00;
	v6 =	vadd.f32 v6, v4  }
0x3e: {  	v3 =	vld [tilespmem:s31+$0x400];
	v4 =	vmax.f32 v10, $0.0e+00;
	v8 =	vsub.f32 v13, v0;
	v10 =	vmax.f32 v15, $0.0e+00  }
0x3f: {  	v13 =	vld [tilespmem:s14+$0x180];
	v15 =	vadd.f32 v20, v7;
	v20 =	vmax.f32 v19, $0.0e+00;
	v19 =	vsub.f32 v18, v0  }
0x40: {  	v16 =	vadd.f32 v4, v16;
	v4 =	vld [tilespmem:s31+$0x80];
	v25 =	vadd.f32 v10, v6  }
0x41: {  	v26 =	vmax.f32 v5, $0.0e+00;
	v10 =	vsub.f32 v14, v0;
	v14 =	vld [tilespmem:s14+$0x200];
	v5 =	vsub.f32 v9, v0  }
0x42: {  	v6 =	vmax.f32 v11, $0.0e+00;
	v11 =	vmax.f32 v8, $0.0e+00;
	v9 =	vld [tilespmem:s14+$0x280];
	v28 =	vadd.f32 v21, v16  }
0x43: {  	v7 =	vmax.f32 v10, $0.0e+00;
	v10 =	vsub.f32 v22, v0;
	v8 =	vmax.f32 v5, $0.0e+00;
	v5 =	vld [tilespmem:s14+$0x400]  }
0x44: {  	v18 =	vmax.f32 v27, $0.0e+00;
	v16 =	vld [tilespmem:s14+$0x300];
	v21 =	vadd.f32 v20, v25;
	v22 =	vadd.f32 v26, v17  }
0x45: {  	s15 =	simm.s32 $0x4000;
	v17 =	vld [tilespmem:s14+$0x380];
	v20 =	vsub.f32 v23, v0;
	v23 =	vmax.f32 v24, $0.0e+00;
	v18 =	vadd.f32 v18, v28  }
.LBB2_4:
0x46: {  	p0 =	sne.s32 s15, $0x7C000;
	v24 =	vld [tilespmem:s14+$0x80];
	s14 =	sshra.s32 s15, $0x2;
	s15 =	sadd.s32 $0x1000, s15;
	v21 =	vadd.f32 v23, v21;
	v23 =	vmax.f32 v19, $0.0e+00;
	v22 =	vadd.f32 v1, v22;
	v1 =	vmovc v2;
	v2 =	vmovc v7  }
0x47: {  	v7 =	vsub.f32 v14, v0;
	v10 =	vmax.f32 v10, $0.0e+00;
	v15 =	vadd.f32 v11, v15;
	v25 =	vld [tilespmem:s14+$0x180]  }
0x48: {  	v19 =	vsub.f32 v9, v0;
	v11 =	vmax.f32 v20, $0.0e+00;
	v20 =	vsub.f32 v3, v0;
	v3 =	vmovc v5;
	v9 =	vld [tilespmem:s14+$0x280];
	v26 =	vmovc v12  }
.Ltmp1:
0x49: {  	v29 =	vsub.f32 v13, v0;
	v12 =	vmax.f32 v7, $0.0e+00;
	v15 =	vadd.f32 v6, v15;
	v6 =	vmovc v10;
	v14 =	vld [tilespmem:s14+$0x200];
	(pc) =	sbr.rel @p0 .LBB2_4-.Ltmp1, $4  }
0x4a: {  	v18 =	vadd.f32 v8, v18;
	v7 =	vmax.f32 v19, $0.0e+00;
	v10 =	vsub.f32 v16, v0;
	v8 =	vmovc v12;
	v5 =	vld [tilespmem:s14+$0x400]  }
0x4b: {  	v28 =	vmax.f32 v29, $0.0e+00;
	v19 =	vsub.f32 v4, v0;
	v27 =	vsub.f32 v17, v0;
	v12 =	vld [tilespmem:s14+$0x100];
	v4 =	vmovc v24  }
0x4c: {  	v22 =	vadd.f32 v23, v22;
	v21 =	vadd.f32 v28, v21;
	v24 =	vmax.f32 v20, $0.0e+00;
	v16 =	vld [tilespmem:s14+$0x300];
	v13 =	vmovc v25  }
0x4d: {  	v20 =	vsub.f32 v26, v0;
	v23 =	vmax.f32 v27, $0.0e+00;
	v18 =	vadd.f32 v24, v18;
	v17 =	vld [tilespmem:s14+$0x380]  }
0x4e: {  	v21 =	vadd.f32 v23, v21;
	v1 =	vadd.f32 v1, v22  }
0x4f: {  	v14 =	vsub.f32 v14, v0;
	v11 =	vadd.f32 v11, v15  }
0x50: {  	v9 =	vsub.f32 v9, v0;
	v3 =	vsub.f32 v3, v0  }
0x51: {  	v15 =	vmax.f32 v19, $0.0e+00;
	v13 =	vsub.f32 v13, v0;
	v4 =	vsub.f32 v4, v0  }
0x52: {  	v10 =	vmax.f32 v10, $0.0e+00;
	v8 =	vadd.f32 v8, v18;
	v6 =	vadd.f32 v6, v11  }
0x53: {  	v18 =	vld [tilespmem:s14+$0x80];
	v11 =	vmax.f32 v20, $0.0e+00;
	v13 =	vmax.f32 v13, $0.0e+00;
	v1 =	vadd.f32 v15, v1  }
0x54: {  	v3 =	vmax.f32 v3, $0.0e+00;
	v12 =	vsub.f32 v12, v0;
	v16 =	vsub.f32 v16, v0  }
0x55: {  	v4 =	vmax.f32 v4, $0.0e+00;
	v17 =	vsub.f32 v17, v0;
	v1 =	vadd.f32 v2, v1  }
0x56: {  	v9 =	vmax.f32 v9, $0.0e+00;
	v2 =	vadd.f32 v3, v8;
	v8 =	vadd.f32 v11, v6  }
0x57: {  	s14 =	simm.s32 $0x290;
	v13 =	vadd.f32 v13, v21;
	v6 =	vld [tilespmem:$0x10];
	v12 =	vmax.f32 v12, $0.0e+00;
	v1 =	vadd.f32 v4, v1  }
0x58: {  	v15 =	vmax.f32 v17, $0.0e+00;
	v10 =	vadd.f32 v10, v8;
	v11 =	vsub.f32 v18, v0;
	v8 =	vld [tilespmem:s14+$0x0]  }
0x59: {  	v4 =	vmax.f32 v14, $0.0e+00;
	v14 =	vld [tilespmem:s14+$0xFFFFFF80];
	v3 =	vadd.f32 v15, v13;
	v13 =	vsub.f32 v5, v0  }
0x5a: {  	v2 =	vadd.f32 v4, v2;
	v5 =	vld [tilespmem:s14+$0x100];
	v15 =	vimm.f32 $0.0e+00;
	v1 =	vadd.f32 v7, v1  }
0x5b: {  	s15 =	simm.s32 $0x0;
	v0 =	vld [tilespmem:s14+$0x80];
	v4 =	vmax.f32 v11, $0.0e+00;
	v7 =	vadd.f32 v12, v10;
	v11 =	vmax.f32 v16, $0.0e+00  }
0x5c: {  	v10 =	vld [tilespmem:s14+$0xFFFFFE00];
	v16 =	vmov s15;
	v12 =	vmax.f32 v13, $0.0e+00;
	v1 =	vadd.f32 v4, v1  }
0x5d: {  	v13 =	vimm.f32 $0.0e+00;
	v4 =	vadd.f32 v12, v2;
	v2 =	vadd.f32 v11, v7;
	v7 =	vld [tilespmem:s14+$0xFFFFFE80]  }
0x5e: {  	s16 =	simm.s32 $0x8;
	v11 =	vimm.f32 $0.0e+00;
	v12 =	vimm.f32 $0.0e+00;
	v1 =	vadd.f32 v9, v1;
	v9 =	vld [tilespmem:s14+$0xFFFFFF00]  }
.LBB2_6:
0x5f: {  	p0 =	sne.s32 s16, $0x3E0;
	v16 =	vsub.s32 v6, v16;
	vm0 =	veq.s32 v6, s15;
	v17 =	vld [tilespmem:s14+$0x180];
	s14 =	sadd.s32 $0x400, s14;
	v18 =	vmov v5;
	s15 =	smov.u32 s16  }
0x60: {  	v19 =	vld [tilespmem:s14+$0x0];
	vm1 =	veq.s32 v16, $0x4;
	vm2 =	veq.s32 v16, $0x5;
	vm3 =	veq.s32 v16, $0x6  }
0x61: {  	v10 =	vsel vm0, v10, v15;
	vm0 =	veq.s32 v16, $0x1;
	vm4 =	veq.s32 v16, $0x7;
	v20 =	vld [tilespmem:s14+$0x80]  }
.Ltmp2:
0x62: {  	vm5 =	veq.s32 v16, $0x2;
	vm6 =	veq.s32 v16, $0x3;
	v15 =	vsel vm1, v8, v10;
	v5 =	vld [tilespmem:s14+$0x100];
	(pc) =	sbr.rel @p0 .LBB2_6-.Ltmp2, $4  }
0x63: {  	v16 =	vsel vm0, v7, v11;
	v9 =	vsel vm5, v9, v12;
	v10 =	vld [tilespmem:s14+$0xFFFFFE00];
	v13 =	vsel vm6, v14, v13  }
0x64: {  	v11 =	vsel vm2, v0, v16;
	v12 =	vsel vm3, v18, v9;
	v7 =	vld [tilespmem:s14+$0xFFFFFE80];
	v13 =	vsel vm4, v17, v13  }
0x65: {  	v9 =	vld [tilespmem:s14+$0xFFFFFF00];
	v8 =	vmov v19  }
0x66: {  	s16 =	sadd.s32 $0x8, s16;
	v16 =	vmov s15;
	v14 =	vld [tilespmem:s14+$0xFFFFFF80];
	v0 =	vmov v20  }
0x67: {  	v17 =	vld [tilespmem:s14+$0x180];
	s30 =	simm.s32 $0x0;
	v16 =	vsub.s32 v6, v16;
	vm0 =	veq.s32 v6, s15  }
0x68: {  	v6 =	vld [tilespmem:s30+$0x190];
	vm1 =	veq.s32 v16, $0x4;
	vm2 =	veq.s32 v16, $0x5;
	vm3 =	veq.s32 v16, $0x6  }
0x69: {  	v18 =	vld [tilespmem:s30+$0x290];
	v10 =	vsel vm0, v10, v15;
	vm15 =	veq.s32 v16, $0x1;
	vm4 =	veq.s32 v16, $0x7  }
0x6a: {  	s31 =	simm.s32 $0x400;
	v15 =	vld [tilespmem:s30+$0x210];
	vm5 =	veq.s32 v16, $0x2;
	vm6 =	veq.s32 v16, $0x3;
	v8 =	vsel vm1, v8, v10  }
0x6b: {  	v16 =	vld [tilespmem:s31+$0x410];
	v7 =	vsel vm15, v7, v11;
	v9 =	vsel vm5, v9, v12;
	v11 =	vsel vm6, v14, v13  }
0x6c: {  	v19 =	vld [tilespmem:s31+$0x390];
	v0 =	vsel vm2, v0, v7;
	v5 =	vsel vm3, v5, v9;
	v7 =	vsel vm4, v17, v11  }
0x6d: {  	v10 =	vld [tilespmem:s30+$0x410];
	v0 =	vadd.f32 v0, v8;
	v5 =	vadd.f32 v7, v5  }
0x6e: {  	v12 =	vld [tilespmem:s30+$0x110]  }
0x6f: {  	v9 =	vld [tilespmem:s30+$0x310];
	v0 =	vadd.f32 v5, v0  }
0x70: {  	v7 =	vld [tilespmem:s30+$0x390]  }
0x71: {  	v11 =	vld [tilespmem:s31+$0x290];
	v0 =	vadd.f32 $-1.000000000e+00, v0  }
0x72: {  	v8 =	vld [tilespmem:s30+$0x90]  }
0x73: {  	v14 =	vld [tilespmem:s31+$0x110];
	v6 =	vsub.f32 v6, v0  }
0x74: {  	v5 =	vld [tilespmem:s31+$0x190];
	v15 =	vsub.f32 v15, v0;
	v18 =	vsub.f32 v18, v0  }
0x75: {  	s16 =	simm.s32 $0x800;
	v20 =	vld [tilespmem:s31+$0x90];
	v7 =	vsub.f32 v7, v0;
	v9 =	vsub.f32 v9, v0  }
0x76: {  	v21 =	vld [tilespmem:s16+$0x210];
	v12 =	vsub.f32 v12, v0;
	v11 =	vsub.f32 v11, v0  }
0x77: {  	v24 =	vld [tilespmem:s16+$0x110];
	v10 =	vsub.f32 v10, v0;
	v19 =	vsub.f32 v19, v0  }
0x78: {  	v13 =	vld [tilespmem:s31+$0x210];
	v8 =	vsub.f32 v8, v0;
	v25 =	vsub.f32 v14, v0  }
0x79: {  	s14 =	simm.s32 $0xC00;
	v17 =	vld [tilespmem:s31+$0x310];
	v63 =	vsub.f32 v16, v0;
	v22 =	vsub.f32 v5, v0;
	v6 =	vmax.f32 v6, $0.0e+00  }
0x7a: {  	v14 =	vld [tilespmem:s14+$0x190];
	v15 =	vmax.f32 v15, $0.0e+00;
	v7 =	vmax.f32 v7, $0.0e+00;
	v12 =	vmax.f32 v12, $0.0e+00  }
0x7b: {  	v27 =	vmax.f32 v8, $0.0e+00;
	v6 =	vadd.f32 v6, v3;
	v3 =	vmax.f32 v18, $0.0e+00;
	v18 =	vld [tilespmem:s16+$0x190]  }
0x7c: {  	v15 =	vadd.f32 v15, v4;
	v4 =	vmax.f32 v11, $0.0e+00;
	v11 =	vld [tilespmem:s16+$0x310];
	v2 =	vadd.f32 v12, v2  }
0x7d: {  	v6 =	vadd.f32 v7, v6;
	v7 =	vsub.f32 v13, v0;
	v13 =	vmax.f32 v9, $0.0e+00;
	v9 =	vld [tilespmem:s16+$0x290]  }
0x7e: {  	v5 =	vld [tilespmem:s16+$0x410];
	v8 =	vsub.f32 v21, v0;
	v12 =	vmax.f32 v25, $0.0e+00;
	v16 =	vadd.f32 v13, v2  }
0x7f: {  	v23 =	vmax.f32 v7, $0.0e+00;
	v7 =	vsub.f32 v17, v0;
	v17 =	vmax.f32 v22, $0.0e+00;
	v22 =	vld [tilespmem:s16+$0x390]  }
0x80: {  	v2 =	vld [tilespmem:s14+$0x410];
	v17 =	vadd.f32 v17, v6;
	v6 =	vmax.f32 v10, $0.0e+00;
	v18 =	vsub.f32 v18, v0  }
0x81: {  	v13 =	vld [tilespmem:s14+$0x110];
	v10 =	vmax.f32 v19, $0.0e+00;
	v11 =	vsub.f32 v11, v0;
	v19 =	vadd.f32 v6, v15  }
0x82: {  	v6 =	vld [tilespmem:s16+$0x90];
	v7 =	vmax.f32 v7, $0.0e+00;
	v26 =	vadd.f32 v10, v17;
	v17 =	vsub.f32 v9, v0  }
0x83: {  	v15 =	vld [tilespmem:s14+$0x210];
	v9 =	vmax.f32 v8, $0.0e+00;
	v18 =	vmax.f32 v18, $0.0e+00;
	v28 =	vadd.f32 v23, v19  }
0x84: {  	v10 =	vld [tilespmem:s14+$0x290];
	v19 =	vsub.f32 v20, v0;
	v8 =	vmax.f32 v17, $0.0e+00;
	v23 =	vsub.f32 v22, v0  }
0x85: {  	v17 =	vld [tilespmem:s14+$0x310];
	v21 =	vadd.f32 v18, v26;
	v18 =	vmax.f32 v63, $0.0e+00;
	v22 =	vadd.f32 v27, v1  }
0x86: {  	s15 =	simm.s32 $0x4000;
	v20 =	vsub.f32 v24, v0;
	v1 =	vld [tilespmem:s14+$0x390];
	v18 =	vadd.f32 v18, v28;
	v23 =	vmax.f32 v23, $0.0e+00  }
.LBB2_8:
0x87: {  	p0 =	sne.s32 s15, $0x7C000;
	v24 =	vld [tilespmem:s14+$0x90];
	s14 =	sshra.s32 s15, $0x2;
	s15 =	sadd.s32 $0x1000, s15;
	v21 =	vadd.f32 v23, v21;
	v23 =	vmax.f32 v19, $0.0e+00;
	v22 =	vadd.f32 v3, v22;
	v3 =	vmovc v4;
	v4 =	vmovc v8  }
0x88: {  	v8 =	vsub.f32 v15, v0;
	v11 =	vmax.f32 v11, $0.0e+00;
	v16 =	vadd.f32 v12, v16;
	v25 =	vld [tilespmem:s14+$0x190]  }
0x89: {  	v19 =	vsub.f32 v10, v0;
	v12 =	vmax.f32 v20, $0.0e+00;
	v20 =	vsub.f32 v5, v0;
	v5 =	vmovc v2;
	v10 =	vld [tilespmem:s14+$0x290];
	v26 =	vmovc v13  }
.Ltmp3:
0x8a: {  	v29 =	vsub.f32 v14, v0;
	v13 =	vmax.f32 v8, $0.0e+00;
	v16 =	vadd.f32 v7, v16;
	v7 =	vmovc v11;
	v15 =	vld [tilespmem:s14+$0x210];
	(pc) =	sbr.rel @p0 .LBB2_8-.Ltmp3, $4  }
0x8b: {  	v18 =	vadd.f32 v9, v18;
	v8 =	vmax.f32 v19, $0.0e+00;
	v11 =	vsub.f32 v17, v0;
	v9 =	vmovc v13;
	v2 =	vld [tilespmem:s14+$0x410]  }
0x8c: {  	v28 =	vmax.f32 v29, $0.0e+00;
	v19 =	vsub.f32 v6, v0;
	v27 =	vsub.f32 v1, v0;
	v13 =	vld [tilespmem:s14+$0x110];
	v6 =	vmovc v24  }
0x8d: {  	v22 =	vadd.f32 v23, v22;
	v21 =	vadd.f32 v28, v21;
	v24 =	vmax.f32 v20, $0.0e+00;
	v17 =	vld [tilespmem:s14+$0x310];
	v14 =	vmovc v25  }
0x8e: {  	v20 =	vsub.f32 v26, v0;
	v23 =	vmax.f32 v27, $0.0e+00;
	v18 =	vadd.f32 v24, v18;
	v1 =	vld [tilespmem:s14+$0x390]  }
0x8f: {  	v21 =	vadd.f32 v23, v21  }
0x90: {  	v3 =	vadd.f32 v3, v22;
	v15 =	vsub.f32 v15, v0  }
0x91: {  	v12 =	vadd.f32 v12, v16;
	v16 =	vsub.f32 v10, v0  }
0x92: {  	v5 =	vsub.f32 v5, v0;
	v14 =	vsub.f32 v14, v0  }
0x93: {  	v6 =	vsub.f32 v6, v0;
	v9 =	vadd.f32 v9, v18  }
0x94: {  	v10 =	vmax.f32 v19, $0.0e+00;
	v2 =	vsub.f32 v2, v0;
	v7 =	vadd.f32 v7, v12  }
0x95: {  	v12 =	vmax.f32 v20, $0.0e+00;
	v3 =	vadd.f32 v10, v3;
	v5 =	vmax.f32 v5, $0.0e+00  }
0x96: {  	v18 =	vld [tilespmem:s14+$0x90];
	v14 =	vmax.f32 v14, $0.0e+00;
	v13 =	vsub.f32 v13, v0;
	v9 =	vadd.f32 v5, v9  }
0x97: {  	v5 =	vmax.f32 v6, $0.0e+00;
	v1 =	vsub.f32 v1, v0;
	v6 =	vadd.f32 v12, v7  }
0x98: {  	s14 =	simm.s32 $0x2A0;
	v10 =	vadd.f32 v14, v21;
	v4 =	vadd.f32 v4, v3;
	v7 =	vmax.f32 v11, $0.0e+00  }
0x99: {  	v17 =	vsub.f32 v17, v0;
	v14 =	vld [tilespmem:s14+$0xFFFFFF80];
	v1 =	vmax.f32 v1, $0.0e+00;
	v7 =	vadd.f32 v7, v6  }
0x9a: {  	v6 =	vld [tilespmem:s14+$0x0];
	v3 =	vadd.f32 v1, v10;
	v1 =	vadd.f32 v5, v4;
	v4 =	vmax.f32 v15, $0.0e+00  }
0x9b: {  	v11 =	vmax.f32 v13, $0.0e+00;
	v5 =	vld [tilespmem:$0x20];
	v10 =	vsub.f32 v18, v0;
	v4 =	vadd.f32 v4, v9  }
0x9c: {  	s15 =	simm.s32 $0x0;
	v2 =	vmax.f32 v2, $0.0e+00;
	v9 =	vadd.f32 v11, v7;
	v7 =	vld [tilespmem:s14+$0x100];
	v1 =	vadd.f32 v8, v1  }
0x9d: {  	v12 =	vmax.f32 v16, $0.0e+00;
	v16 =	vmov s15;
	v0 =	vld [tilespmem:s14+$0x80];
	v8 =	vmax.f32 v10, $0.0e+00  }
0x9e: {  	v13 =	vimm.f32 $0.0e+00;
	v11 =	vmax.f32 v17, $0.0e+00;
	v10 =	vld [tilespmem:s14+$0xFFFFFE00];
	v1 =	vadd.f32 v8, v1  }
0x9f: {  	v15 =	vimm.f32 $0.0e+00;
	v4 =	vadd.f32 v2, v4;
	v2 =	vadd.f32 v11, v9;
	v9 =	vld [tilespmem:s14+$0xFFFFFF00]  }
0xa0: {  	s16 =	simm.s32 $0x8;
	v11 =	vimm.f32 $0.0e+00;
	v8 =	vld [tilespmem:s14+$0xFFFFFE80];
	v1 =	vadd.f32 v12, v1;
	v12 =	vimm.f32 $0.0e+00  }
.LBB2_10:
0xa1: {  	p0 =	sne.s32 s16, $0x3E0;
	v16 =	vsub.s32 v5, v16;
	vm0 =	veq.s32 v5, s15;
	v17 =	vld [tilespmem:s14+$0x180];
	s14 =	sadd.s32 $0x400, s14;
	v18 =	vmov v7;
	s15 =	smov.u32 s16  }
0xa2: {  	v19 =	vld [tilespmem:s14+$0x0];
	vm1 =	veq.s32 v16, $0x4;
	vm2 =	veq.s32 v16, $0x5;
	vm3 =	veq.s32 v16, $0x6  }
0xa3: {  	v10 =	vsel vm0, v10, v15;
	vm0 =	veq.s32 v16, $0x1;
	vm4 =	veq.s32 v16, $0x7;
	v20 =	vld [tilespmem:s14+$0x80]  }
.Ltmp4:
0xa4: {  	vm5 =	veq.s32 v16, $0x2;
	vm6 =	veq.s32 v16, $0x3;
	v15 =	vsel vm1, v6, v10;
	v7 =	vld [tilespmem:s14+$0x100];
	(pc) =	sbr.rel @p0 .LBB2_10-.Ltmp4, $4  }
0xa5: {  	v16 =	vsel vm0, v8, v11;
	v9 =	vsel vm5, v9, v12;
	v10 =	vld [tilespmem:s14+$0xFFFFFE00];
	v13 =	vsel vm6, v14, v13  }
0xa6: {  	v11 =	vsel vm2, v0, v16;
	v12 =	vsel vm3, v18, v9;
	v8 =	vld [tilespmem:s14+$0xFFFFFE80];
	v13 =	vsel vm4, v17, v13  }
0xa7: {  	v9 =	vld [tilespmem:s14+$0xFFFFFF00];
	v6 =	vmov v19  }
0xa8: {  	s16 =	sadd.s32 $0x8, s16;
	v16 =	vmov s15;
	v14 =	vld [tilespmem:s14+$0xFFFFFF80];
	v0 =	vmov v20  }
0xa9: {  	v17 =	vld [tilespmem:s14+$0x180];
	s30 =	simm.s32 $0x0  }
0xaa: {  	v16 =	vsub.s32 v5, v16;
	vm0 =	veq.s32 v5, s15;
	v5 =	vld [tilespmem:s30+$0x1A0]  }
0xab: {  	vm1 =	veq.s32 v16, $0x4;
	vm2 =	veq.s32 v16, $0x5;
	vm3 =	veq.s32 v16, $0x6;
	v18 =	vld [tilespmem:s30+$0x2A0]  }
0xac: {  	s31 =	simm.s32 $0x400;
	v10 =	vsel vm0, v10, v15;
	vm15 =	veq.s32 v16, $0x1;
	vm4 =	veq.s32 v16, $0x7;
	v15 =	vld [tilespmem:s30+$0x220]  }
0xad: {  	vm5 =	veq.s32 v16, $0x2;
	vm6 =	veq.s32 v16, $0x3;
	v16 =	vld [tilespmem:s31+$0x420];
	v6 =	vsel vm1, v6, v10  }
0xae: {  	v19 =	vld [tilespmem:s31+$0x3A0];
	v8 =	vsel vm15, v8, v11;
	v9 =	vsel vm5, v9, v12;
	v11 =	vsel vm6, v14, v13  }
0xaf: {  	v10 =	vld [tilespmem:s30+$0x420];
	v0 =	vsel vm2, v0, v8;
	v7 =	vsel vm3, v7, v9;
	v8 =	vsel vm4, v17, v11  }
0xb0: {  	v12 =	vld [tilespmem:s30+$0x120];
	v0 =	vadd.f32 v0, v6;
	v6 =	vadd.f32 v8, v7  }
0xb1: {  	v9 =	vld [tilespmem:s30+$0x320]  }
0xb2: {  	v7 =	vld [tilespmem:s30+$0x3A0];
	v0 =	vadd.f32 v6, v0  }
0xb3: {  	v14 =	vld [tilespmem:s31+$0x120]  }
0xb4: {  	v11 =	vld [tilespmem:s31+$0x2A0];
	v0 =	vadd.f32 $-1.000000000e+00, v0  }
0xb5: {  	v17 =	vld [tilespmem:s31+$0x320]  }
0xb6: {  	s16 =	simm.s32 $0x800;
	v8 =	vld [tilespmem:s30+$0xA0];
	v5 =	vsub.f32 v5, v0;
	v15 =	vsub.f32 v15, v0  }
0xb7: {  	v24 =	vld [tilespmem:s16+$0x3A0];
	v18 =	vsub.f32 v18, v0;
	v7 =	vsub.f32 v7, v0  }
0xb8: {  	v6 =	vld [tilespmem:s31+$0x1A0];
	v9 =	vsub.f32 v9, v0;
	v12 =	vsub.f32 v12, v0  }
0xb9: {  	v11 =	vsub.f32 v11, v0;
	v10 =	vsub.f32 v10, v0  }
0xba: {  	v21 =	vld [tilespmem:s16+$0x220];
	v17 =	vsub.f32 v17, v0;
	v19 =	vsub.f32 v19, v0  }
0xbb: {  	v20 =	vld [tilespmem:s31+$0xA0];
	v8 =	vsub.f32 v8, v0;
	v25 =	vsub.f32 v14, v0  }
0xbc: {  	v13 =	vld [tilespmem:s31+$0x220];
	v63 =	vsub.f32 v16, v0;
	v24 =	vsub.f32 v24, v0  }
0xbd: {  	s14 =	simm.s32 $0xC00;
	v23 =	vld [tilespmem:s16+$0x120];
	v6 =	vsub.f32 v6, v0;
	v5 =	vmax.f32 v5, $0.0e+00;
	v15 =	vmax.f32 v15, $0.0e+00  }
0xbe: {  	v14 =	vld [tilespmem:s14+$0x1A0];
	v7 =	vmax.f32 v7, $0.0e+00;
	v12 =	vmax.f32 v12, $0.0e+00;
	v27 =	vmax.f32 v8, $0.0e+00  }
0xbf: {  	v8 =	vsub.f32 v21, v0;
	v5 =	vadd.f32 v5, v3;
	v3 =	vmax.f32 v18, $0.0e+00;
	v18 =	vld [tilespmem:s16+$0x1A0]  }
0xc0: {  	v15 =	vadd.f32 v15, v4;
	v4 =	vmax.f32 v11, $0.0e+00;
	v11 =	vld [tilespmem:s16+$0x320];
	v2 =	vadd.f32 v12, v2  }
0xc1: {  	v7 =	vadd.f32 v7, v5;
	v5 =	vsub.f32 v13, v0;
	v13 =	vmax.f32 v9, $0.0e+00;
	v9 =	vld [tilespmem:s16+$0x2A0]  }
0xc2: {  	v6 =	vmax.f32 v6, $0.0e+00;
	v12 =	vmax.f32 v25, $0.0e+00;
	v16 =	vadd.f32 v13, v2;
	v2 =	vld [tilespmem:s14+$0x420]  }
0xc3: {  	v13 =	vld [tilespmem:s14+$0x120];
	v22 =	vmax.f32 v5, $0.0e+00;
	v7 =	vadd.f32 v6, v7;
	v6 =	vmax.f32 v10, $0.0e+00  }
0xc4: {  	v5 =	vld [tilespmem:s16+$0x420];
	v10 =	vmax.f32 v19, $0.0e+00;
	v19 =	vadd.f32 v6, v15;
	v18 =	vsub.f32 v18, v0  }
0xc5: {  	v6 =	vld [tilespmem:s16+$0xA0];
	v11 =	vsub.f32 v11, v0;
	v26 =	vadd.f32 v10, v7;
	v7 =	vmax.f32 v17, $0.0e+00  }
0xc6: {  	v15 =	vld [tilespmem:s14+$0x220];
	v17 =	vsub.f32 v9, v0;
	v9 =	vmax.f32 v8, $0.0e+00;
	v28 =	vadd.f32 v22, v19  }
0xc7: {  	v10 =	vld [tilespmem:s14+$0x2A0];
	v18 =	vmax.f32 v18, $0.0e+00;
	v19 =	vsub.f32 v20, v0;
	v22 =	vadd.f32 v27, v1  }
0xc8: {  	v1 =	vld [tilespmem:s14+$0x3A0];
	v20 =	vsub.f32 v23, v0;
	v21 =	vadd.f32 v18, v26;
	v18 =	vmax.f32 v63, $0.0e+00  }
0xc9: {  	s15 =	simm.s32 $0x4000;
	v23 =	vmax.f32 v24, $0.0e+00;
	v8 =	vmax.f32 v17, $0.0e+00;
	v17 =	vld [tilespmem:s14+$0x320];
	v18 =	vadd.f32 v18, v28  }
.LBB2_12:
0xca: {  	p0 =	sne.s32 s15, $0x7C000;
	v24 =	vld [tilespmem:s14+$0xA0];
	s14 =	sshra.s32 s15, $0x2;
	s15 =	sadd.s32 $0x1000, s15;
	v21 =	vadd.f32 v23, v21;
	v23 =	vmax.f32 v19, $0.0e+00;
	v22 =	vadd.f32 v3, v22;
	v3 =	vmovc v4;
	v4 =	vmovc v8  }
0xcb: {  	v8 =	vsub.f32 v15, v0;
	v11 =	vmax.f32 v11, $0.0e+00;
	v16 =	vadd.f32 v12, v16;
	v25 =	vld [tilespmem:s14+$0x1A0]  }
0xcc: {  	v19 =	vsub.f32 v10, v0;
	v12 =	vmax.f32 v20, $0.0e+00;
	v20 =	vsub.f32 v5, v0;
	v5 =	vmovc v2;
	v10 =	vld [tilespmem:s14+$0x2A0];
	v26 =	vmovc v13  }
.Ltmp5:
0xcd: {  	v29 =	vsub.f32 v14, v0;
	v13 =	vmax.f32 v8, $0.0e+00;
	v16 =	vadd.f32 v7, v16;
	v7 =	vmovc v11;
	v15 =	vld [tilespmem:s14+$0x220];
	(pc) =	sbr.rel @p0 .LBB2_12-.Ltmp5, $4  }
0xce: {  	v18 =	vadd.f32 v9, v18;
	v8 =	vmax.f32 v19, $0.0e+00;
	v11 =	vsub.f32 v17, v0;
	v9 =	vmovc v13;
	v2 =	vld [tilespmem:s14+$0x420]  }
0xcf: {  	v28 =	vmax.f32 v29, $0.0e+00;
	v19 =	vsub.f32 v6, v0;
	v27 =	vsub.f32 v1, v0;
	v13 =	vld [tilespmem:s14+$0x120];
	v6 =	vmovc v24  }
0xd0: {  	v22 =	vadd.f32 v23, v22;
	v21 =	vadd.f32 v28, v21;
	v24 =	vmax.f32 v20, $0.0e+00;
	v17 =	vld [tilespmem:s14+$0x320];
	v14 =	vmovc v25  }
0xd1: {  	v20 =	vsub.f32 v26, v0;
	v23 =	vmax.f32 v27, $0.0e+00;
	v18 =	vadd.f32 v24, v18;
	v1 =	vld [tilespmem:s14+$0x3A0]  }
0xd2: {  	v21 =	vadd.f32 v23, v21  }
0xd3: {  	v3 =	vadd.f32 v3, v22;
	v15 =	vsub.f32 v15, v0  }
0xd4: {  	v12 =	vadd.f32 v12, v16;
	v16 =	vsub.f32 v10, v0  }
0xd5: {  	v5 =	vsub.f32 v5, v0;
	v14 =	vsub.f32 v14, v0  }
0xd6: {  	v6 =	vsub.f32 v6, v0;
	v9 =	vadd.f32 v9, v18  }
0xd7: {  	v10 =	vmax.f32 v19, $0.0e+00;
	v2 =	vsub.f32 v2, v0;
	v7 =	vadd.f32 v7, v12  }
0xd8: {  	v12 =	vmax.f32 v20, $0.0e+00;
	v3 =	vadd.f32 v10, v3;
	v5 =	vmax.f32 v5, $0.0e+00  }
0xd9: {  	v18 =	vld [tilespmem:s14+$0xA0];
	v14 =	vmax.f32 v14, $0.0e+00;
	v13 =	vsub.f32 v13, v0;
	v9 =	vadd.f32 v5, v9  }
0xda: {  	v5 =	vmax.f32 v6, $0.0e+00;
	v1 =	vsub.f32 v1, v0;
	v6 =	vadd.f32 v12, v7  }
0xdb: {  	s14 =	simm.s32 $0x2B0;
	v10 =	vadd.f32 v14, v21;
	v4 =	vadd.f32 v4, v3;
	v7 =	vmax.f32 v11, $0.0e+00  }
0xdc: {  	v17 =	vsub.f32 v17, v0;
	v14 =	vld [tilespmem:s14+$0xFFFFFF80];
	v1 =	vmax.f32 v1, $0.0e+00;
	v7 =	vadd.f32 v7, v6  }
0xdd: {  	v6 =	vld [tilespmem:s14+$0x0];
	v3 =	vadd.f32 v1, v10;
	v1 =	vadd.f32 v5, v4;
	v4 =	vmax.f32 v15, $0.0e+00  }
0xde: {  	v11 =	vmax.f32 v13, $0.0e+00;
	v5 =	vld [tilespmem:$0x30];
	v10 =	vsub.f32 v18, v0;
	v4 =	vadd.f32 v4, v9  }
0xdf: {  	s15 =	simm.s32 $0x0;
	v2 =	vmax.f32 v2, $0.0e+00;
	v9 =	vadd.f32 v11, v7;
	v7 =	vld [tilespmem:s14+$0x100];
	v1 =	vadd.f32 v8, v1  }
0xe0: {  	v12 =	vmax.f32 v16, $0.0e+00;
	v16 =	vmov s15;
	v0 =	vld [tilespmem:s14+$0x80];
	v8 =	vmax.f32 v10, $0.0e+00  }
0xe1: {  	v13 =	vimm.f32 $0.0e+00;
	v11 =	vmax.f32 v17, $0.0e+00;
	v10 =	vld [tilespmem:s14+$0xFFFFFE00];
	v1 =	vadd.f32 v8, v1  }
0xe2: {  	v15 =	vimm.f32 $0.0e+00;
	v4 =	vadd.f32 v2, v4;
	v2 =	vadd.f32 v11, v9;
	v9 =	vld [tilespmem:s14+$0xFFFFFF00]  }
0xe3: {  	s16 =	simm.s32 $0x8;
	v11 =	vimm.f32 $0.0e+00;
	v8 =	vld [tilespmem:s14+$0xFFFFFE80];
	v1 =	vadd.f32 v12, v1;
	v12 =	vimm.f32 $0.0e+00  }
.LBB2_14:
0xe4: {  	p0 =	sne.s32 s16, $0x3E0;
	v16 =	vsub.s32 v5, v16;
	vm0 =	veq.s32 v5, s15;
	v17 =	vld [tilespmem:s14+$0x180];
	s14 =	sadd.s32 $0x400, s14;
	v18 =	vmov v7;
	s15 =	smov.u32 s16  }
0xe5: {  	v19 =	vld [tilespmem:s14+$0x0];
	vm1 =	veq.s32 v16, $0x4;
	vm2 =	veq.s32 v16, $0x5;
	vm3 =	veq.s32 v16, $0x6  }
0xe6: {  	v10 =	vsel vm0, v10, v15;
	vm0 =	veq.s32 v16, $0x1;
	vm4 =	veq.s32 v16, $0x7;
	v20 =	vld [tilespmem:s14+$0x80]  }
.Ltmp6:
0xe7: {  	vm5 =	veq.s32 v16, $0x2;
	vm6 =	veq.s32 v16, $0x3;
	v15 =	vsel vm1, v6, v10;
	v7 =	vld [tilespmem:s14+$0x100];
	(pc) =	sbr.rel @p0 .LBB2_14-.Ltmp6, $4  }
0xe8: {  	v16 =	vsel vm0, v8, v11;
	v9 =	vsel vm5, v9, v12;
	v10 =	vld [tilespmem:s14+$0xFFFFFE00];
	v13 =	vsel vm6, v14, v13  }
0xe9: {  	v11 =	vsel vm2, v0, v16;
	v12 =	vsel vm3, v18, v9;
	v8 =	vld [tilespmem:s14+$0xFFFFFE80];
	v13 =	vsel vm4, v17, v13  }
0xea: {  	v9 =	vld [tilespmem:s14+$0xFFFFFF00];
	v6 =	vmov v19  }
0xeb: {  	s16 =	sadd.s32 $0x8, s16;
	v16 =	vmov s15;
	v14 =	vld [tilespmem:s14+$0xFFFFFF80];
	v0 =	vmov v20  }
0xec: {  	v17 =	vld [tilespmem:s14+$0x180];
	s30 =	simm.s32 $0x0  }
0xed: {  	v16 =	vsub.s32 v5, v16;
	vm0 =	veq.s32 v5, s15;
	v5 =	vld [tilespmem:s30+$0x1B0]  }
0xee: {  	vm1 =	veq.s32 v16, $0x4;
	vm2 =	veq.s32 v16, $0x5;
	vm3 =	veq.s32 v16, $0x6;
	v18 =	vld [tilespmem:s30+$0x2B0]  }
0xef: {  	s31 =	simm.s32 $0x400;
	v10 =	vsel vm0, v10, v15;
	vm15 =	veq.s32 v16, $0x1;
	vm4 =	veq.s32 v16, $0x7;
	v15 =	vld [tilespmem:s30+$0x230]  }
0xf0: {  	vm5 =	veq.s32 v16, $0x2;
	vm6 =	veq.s32 v16, $0x3;
	v16 =	vld [tilespmem:s31+$0x430];
	v6 =	vsel vm1, v6, v10  }
0xf1: {  	v19 =	vld [tilespmem:s31+$0x3B0];
	v8 =	vsel vm15, v8, v11;
	v9 =	vsel vm5, v9, v12;
	v11 =	vsel vm6, v14, v13  }
0xf2: {  	v10 =	vld [tilespmem:s30+$0x430];
	v0 =	vsel vm2, v0, v8;
	v7 =	vsel vm3, v7, v9;
	v8 =	vsel vm4, v17, v11  }
0xf3: {  	v12 =	vld [tilespmem:s30+$0x130];
	v0 =	vadd.f32 v0, v6;
	v6 =	vadd.f32 v8, v7  }
0xf4: {  	v9 =	vld [tilespmem:s30+$0x330]  }
0xf5: {  	v7 =	vld [tilespmem:s30+$0x3B0];
	v0 =	vadd.f32 v6, v0  }
0xf6: {  	v14 =	vld [tilespmem:s31+$0x130]  }
0xf7: {  	v11 =	vld [tilespmem:s31+$0x2B0];
	v0 =	vadd.f32 $-1.000000000e+00, v0  }
0xf8: {  	v17 =	vld [tilespmem:s31+$0x330]  }
0xf9: {  	s16 =	simm.s32 $0x800;
	v8 =	vld [tilespmem:s30+$0xB0];
	v5 =	vsub.f32 v5, v0;
	v15 =	vsub.f32 v15, v0  }
0xfa: {  	v24 =	vld [tilespmem:s16+$0x3B0];
	v18 =	vsub.f32 v18, v0;
	v7 =	vsub.f32 v7, v0  }
0xfb: {  	v6 =	vld [tilespmem:s31+$0x1B0];
	v9 =	vsub.f32 v9, v0;
	v12 =	vsub.f32 v12, v0  }
0xfc: {  	v11 =	vsub.f32 v11, v0;
	v10 =	vsub.f32 v10, v0  }
0xfd: {  	v21 =	vld [tilespmem:s16+$0x230];
	v17 =	vsub.f32 v17, v0;
	v19 =	vsub.f32 v19, v0  }
0xfe: {  	v20 =	vld [tilespmem:s31+$0xB0];
	v8 =	vsub.f32 v8, v0;
	v25 =	vsub.f32 v14, v0  }
0xff: {  	v13 =	vld [tilespmem:s31+$0x230];
	v63 =	vsub.f32 v16, v0;
	v24 =	vsub.f32 v24, v0  }
0x100: {  	s14 =	simm.s32 $0xC00;
	v23 =	vld [tilespmem:s16+$0x130];
	v6 =	vsub.f32 v6, v0;
	v5 =	vmax.f32 v5, $0.0e+00;
	v15 =	vmax.f32 v15, $0.0e+00  }
0x101: {  	v14 =	vld [tilespmem:s14+$0x1B0];
	v7 =	vmax.f32 v7, $0.0e+00;
	v12 =	vmax.f32 v12, $0.0e+00;
	v27 =	vmax.f32 v8, $0.0e+00  }
0x102: {  	v8 =	vsub.f32 v21, v0;
	v5 =	vadd.f32 v5, v3;
	v3 =	vmax.f32 v18, $0.0e+00;
	v18 =	vld [tilespmem:s16+$0x1B0]  }
0x103: {  	v15 =	vadd.f32 v15, v4;
	v4 =	vmax.f32 v11, $0.0e+00;
	v11 =	vld [tilespmem:s16+$0x330];
	v2 =	vadd.f32 v12, v2  }
0x104: {  	v7 =	vadd.f32 v7, v5;
	v5 =	vsub.f32 v13, v0;
	v13 =	vmax.f32 v9, $0.0e+00;
	v9 =	vld [tilespmem:s16+$0x2B0]  }
0x105: {  	v6 =	vmax.f32 v6, $0.0e+00;
	v12 =	vmax.f32 v25, $0.0e+00;
	v16 =	vadd.f32 v13, v2;
	v2 =	vld [tilespmem:s14+$0x430]  }
0x106: {  	v13 =	vld [tilespmem:s14+$0x130];
	v22 =	vmax.f32 v5, $0.0e+00;
	v7 =	vadd.f32 v6, v7;
	v6 =	vmax.f32 v10, $0.0e+00  }
0x107: {  	v5 =	vld [tilespmem:s16+$0x430];
	v10 =	vmax.f32 v19, $0.0e+00;
	v19 =	vadd.f32 v6, v15;
	v18 =	vsub.f32 v18, v0  }
0x108: {  	v6 =	vld [tilespmem:s16+$0xB0];
	v11 =	vsub.f32 v11, v0;
	v26 =	vadd.f32 v10, v7;
	v7 =	vmax.f32 v17, $0.0e+00  }
0x109: {  	v15 =	vld [tilespmem:s14+$0x230];
	v17 =	vsub.f32 v9, v0;
	v9 =	vmax.f32 v8, $0.0e+00;
	v28 =	vadd.f32 v22, v19  }
0x10a: {  	v10 =	vld [tilespmem:s14+$0x2B0];
	v18 =	vmax.f32 v18, $0.0e+00;
	v19 =	vsub.f32 v20, v0;
	v22 =	vadd.f32 v27, v1  }
0x10b: {  	v1 =	vld [tilespmem:s14+$0x3B0];
	v20 =	vsub.f32 v23, v0;
	v21 =	vadd.f32 v18, v26;
	v18 =	vmax.f32 v63, $0.0e+00  }
0x10c: {  	s15 =	simm.s32 $0x4000;
	v23 =	vmax.f32 v24, $0.0e+00;
	v8 =	vmax.f32 v17, $0.0e+00;
	v17 =	vld [tilespmem:s14+$0x330];
	v18 =	vadd.f32 v18, v28  }
.LBB2_16:
0x10d: {  	p0 =	sne.s32 s15, $0x7C000;
	v24 =	vld [tilespmem:s14+$0xB0];
	s14 =	sshra.s32 s15, $0x2;
	s15 =	sadd.s32 $0x1000, s15;
	v21 =	vadd.f32 v23, v21;
	v23 =	vmax.f32 v19, $0.0e+00;
	v22 =	vadd.f32 v3, v22;
	v3 =	vmovc v4;
	v4 =	vmovc v8  }
0x10e: {  	v8 =	vsub.f32 v15, v0;
	v11 =	vmax.f32 v11, $0.0e+00;
	v16 =	vadd.f32 v12, v16;
	v25 =	vld [tilespmem:s14+$0x1B0]  }
0x10f: {  	v19 =	vsub.f32 v10, v0;
	v12 =	vmax.f32 v20, $0.0e+00;
	v20 =	vsub.f32 v5, v0;
	v5 =	vmovc v2;
	v10 =	vld [tilespmem:s14+$0x2B0];
	v26 =	vmovc v13  }
.Ltmp7:
0x110: {  	v29 =	vsub.f32 v14, v0;
	v13 =	vmax.f32 v8, $0.0e+00;
	v16 =	vadd.f32 v7, v16;
	v7 =	vmovc v11;
	v15 =	vld [tilespmem:s14+$0x230];
	(pc) =	sbr.rel @p0 .LBB2_16-.Ltmp7, $4  }
0x111: {  	v18 =	vadd.f32 v9, v18;
	v8 =	vmax.f32 v19, $0.0e+00;
	v11 =	vsub.f32 v17, v0;
	v9 =	vmovc v13;
	v2 =	vld [tilespmem:s14+$0x430]  }
0x112: {  	v28 =	vmax.f32 v29, $0.0e+00;
	v19 =	vsub.f32 v6, v0;
	v27 =	vsub.f32 v1, v0;
	v13 =	vld [tilespmem:s14+$0x130];
	v6 =	vmovc v24  }
0x113: {  	v22 =	vadd.f32 v23, v22;
	v21 =	vadd.f32 v28, v21;
	v24 =	vmax.f32 v20, $0.0e+00;
	v17 =	vld [tilespmem:s14+$0x330];
	v14 =	vmovc v25  }
0x114: {  	v20 =	vsub.f32 v26, v0;
	v23 =	vmax.f32 v27, $0.0e+00;
	v18 =	vadd.f32 v24, v18;
	v1 =	vld [tilespmem:s14+$0x3B0]  }
0x115: {  	v21 =	vadd.f32 v23, v21  }
0x116: {  	v3 =	vadd.f32 v3, v22;
	v15 =	vsub.f32 v15, v0  }
0x117: {  	v12 =	vadd.f32 v12, v16;
	v16 =	vsub.f32 v10, v0  }
0x118: {  	v5 =	vsub.f32 v5, v0;
	v14 =	vsub.f32 v14, v0  }
0x119: {  	v6 =	vsub.f32 v6, v0;
	v9 =	vadd.f32 v9, v18  }
0x11a: {  	v10 =	vmax.f32 v19, $0.0e+00;
	v2 =	vsub.f32 v2, v0;
	v7 =	vadd.f32 v7, v12  }
0x11b: {  	v12 =	vmax.f32 v20, $0.0e+00;
	v3 =	vadd.f32 v10, v3;
	v5 =	vmax.f32 v5, $0.0e+00  }
0x11c: {  	v18 =	vld [tilespmem:s14+$0xB0];
	v14 =	vmax.f32 v14, $0.0e+00;
	v13 =	vsub.f32 v13, v0;
	v9 =	vadd.f32 v5, v9  }
0x11d: {  	v5 =	vmax.f32 v6, $0.0e+00;
	v1 =	vsub.f32 v1, v0;
	v6 =	vadd.f32 v12, v7  }
0x11e: {  	s14 =	simm.s32 $0x2C0;
	v10 =	vadd.f32 v14, v21;
	v4 =	vadd.f32 v4, v3;
	v7 =	vmax.f32 v11, $0.0e+00  }
0x11f: {  	v17 =	vsub.f32 v17, v0;
	v14 =	vld [tilespmem:s14+$0xFFFFFF80];
	v1 =	vmax.f32 v1, $0.0e+00;
	v7 =	vadd.f32 v7, v6  }
0x120: {  	v6 =	vld [tilespmem:s14+$0x0];
	v3 =	vadd.f32 v1, v10;
	v1 =	vadd.f32 v5, v4;
	v4 =	vmax.f32 v15, $0.0e+00  }
0x121: {  	v11 =	vmax.f32 v13, $0.0e+00;
	v5 =	vld [tilespmem:$0x40];
	v10 =	vsub.f32 v18, v0;
	v4 =	vadd.f32 v4, v9  }
0x122: {  	s15 =	simm.s32 $0x0;
	v2 =	vmax.f32 v2, $0.0e+00;
	v9 =	vadd.f32 v11, v7;
	v7 =	vld [tilespmem:s14+$0x100];
	v1 =	vadd.f32 v8, v1  }
0x123: {  	v12 =	vmax.f32 v16, $0.0e+00;
	v16 =	vmov s15;
	v0 =	vld [tilespmem:s14+$0x80];
	v8 =	vmax.f32 v10, $0.0e+00  }
0x124: {  	v13 =	vimm.f32 $0.0e+00;
	v11 =	vmax.f32 v17, $0.0e+00;
	v10 =	vld [tilespmem:s14+$0xFFFFFE00];
	v1 =	vadd.f32 v8, v1  }
0x125: {  	v15 =	vimm.f32 $0.0e+00;
	v4 =	vadd.f32 v2, v4;
	v2 =	vadd.f32 v11, v9;
	v9 =	vld [tilespmem:s14+$0xFFFFFF00]  }
0x126: {  	s16 =	simm.s32 $0x8;
	v11 =	vimm.f32 $0.0e+00;
	v8 =	vld [tilespmem:s14+$0xFFFFFE80];
	v1 =	vadd.f32 v12, v1;
	v12 =	vimm.f32 $0.0e+00  }
.LBB2_18:
0x127: {  	p0 =	sne.s32 s16, $0x3E0;
	v16 =	vsub.s32 v5, v16;
	vm0 =	veq.s32 v5, s15;
	v17 =	vld [tilespmem:s14+$0x180];
	s14 =	sadd.s32 $0x400, s14;
	v18 =	vmov v7;
	s15 =	smov.u32 s16  }
0x128: {  	v19 =	vld [tilespmem:s14+$0x0];
	vm1 =	veq.s32 v16, $0x4;
	vm2 =	veq.s32 v16, $0x5;
	vm3 =	veq.s32 v16, $0x6  }
0x129: {  	v10 =	vsel vm0, v10, v15;
	vm0 =	veq.s32 v16, $0x1;
	vm4 =	veq.s32 v16, $0x7;
	v20 =	vld [tilespmem:s14+$0x80]  }
.Ltmp8:
0x12a: {  	vm5 =	veq.s32 v16, $0x2;
	vm6 =	veq.s32 v16, $0x3;
	v15 =	vsel vm1, v6, v10;
	v7 =	vld [tilespmem:s14+$0x100];
	(pc) =	sbr.rel @p0 .LBB2_18-.Ltmp8, $4  }
0x12b: {  	v16 =	vsel vm0, v8, v11;
	v9 =	vsel vm5, v9, v12;
	v10 =	vld [tilespmem:s14+$0xFFFFFE00];
	v13 =	vsel vm6, v14, v13  }
0x12c: {  	v11 =	vsel vm2, v0, v16;
	v12 =	vsel vm3, v18, v9;
	v8 =	vld [tilespmem:s14+$0xFFFFFE80];
	v13 =	vsel vm4, v17, v13  }
0x12d: {  	v9 =	vld [tilespmem:s14+$0xFFFFFF00];
	v6 =	vmov v19  }
0x12e: {  	s16 =	sadd.s32 $0x8, s16;
	v16 =	vmov s15;
	v14 =	vld [tilespmem:s14+$0xFFFFFF80];
	v0 =	vmov v20  }
0x12f: {  	v17 =	vld [tilespmem:s14+$0x180];
	s30 =	simm.s32 $0x0  }
0x130: {  	v16 =	vsub.s32 v5, v16;
	vm0 =	veq.s32 v5, s15;
	v5 =	vld [tilespmem:s30+$0x1C0]  }
0x131: {  	vm1 =	veq.s32 v16, $0x4;
	vm2 =	veq.s32 v16, $0x5;
	vm3 =	veq.s32 v16, $0x6;
	v18 =	vld [tilespmem:s30+$0x2C0]  }
0x132: {  	s31 =	simm.s32 $0x400;
	v10 =	vsel vm0, v10, v15;
	vm15 =	veq.s32 v16, $0x1;
	vm4 =	veq.s32 v16, $0x7;
	v15 =	vld [tilespmem:s30+$0x240]  }
0x133: {  	vm5 =	veq.s32 v16, $0x2;
	vm6 =	veq.s32 v16, $0x3;
	v16 =	vld [tilespmem:s31+$0x440];
	v6 =	vsel vm1, v6, v10  }
0x134: {  	v19 =	vld [tilespmem:s31+$0x3C0];
	v8 =	vsel vm15, v8, v11;
	v9 =	vsel vm5, v9, v12;
	v11 =	vsel vm6, v14, v13  }
0x135: {  	v10 =	vld [tilespmem:s30+$0x440];
	v0 =	vsel vm2, v0, v8;
	v7 =	vsel vm3, v7, v9;
	v8 =	vsel vm4, v17, v11  }
0x136: {  	v12 =	vld [tilespmem:s30+$0x140];
	v0 =	vadd.f32 v0, v6;
	v6 =	vadd.f32 v8, v7  }
0x137: {  	v9 =	vld [tilespmem:s30+$0x340]  }
0x138: {  	v7 =	vld [tilespmem:s30+$0x3C0];
	v0 =	vadd.f32 v6, v0  }
0x139: {  	v14 =	vld [tilespmem:s31+$0x140]  }
0x13a: {  	v11 =	vld [tilespmem:s31+$0x2C0];
	v0 =	vadd.f32 $-1.000000000e+00, v0  }
0x13b: {  	v17 =	vld [tilespmem:s31+$0x340]  }
0x13c: {  	s16 =	simm.s32 $0x800;
	v8 =	vld [tilespmem:s30+$0xC0];
	v5 =	vsub.f32 v5, v0;
	v15 =	vsub.f32 v15, v0  }
0x13d: {  	v24 =	vld [tilespmem:s16+$0x3C0];
	v18 =	vsub.f32 v18, v0;
	v7 =	vsub.f32 v7, v0  }
0x13e: {  	v6 =	vld [tilespmem:s31+$0x1C0];
	v9 =	vsub.f32 v9, v0;
	v12 =	vsub.f32 v12, v0  }
0x13f: {  	v11 =	vsub.f32 v11, v0;
	v10 =	vsub.f32 v10, v0  }
0x140: {  	v21 =	vld [tilespmem:s16+$0x240];
	v17 =	vsub.f32 v17, v0;
	v19 =	vsub.f32 v19, v0  }
0x141: {  	v20 =	vld [tilespmem:s31+$0xC0];
	v8 =	vsub.f32 v8, v0;
	v25 =	vsub.f32 v14, v0  }
0x142: {  	v13 =	vld [tilespmem:s31+$0x240];
	v63 =	vsub.f32 v16, v0;
	v24 =	vsub.f32 v24, v0  }
0x143: {  	s14 =	simm.s32 $0xC00;
	v23 =	vld [tilespmem:s16+$0x140];
	v6 =	vsub.f32 v6, v0;
	v5 =	vmax.f32 v5, $0.0e+00;
	v15 =	vmax.f32 v15, $0.0e+00  }
0x144: {  	v14 =	vld [tilespmem:s14+$0x1C0];
	v7 =	vmax.f32 v7, $0.0e+00;
	v12 =	vmax.f32 v12, $0.0e+00;
	v27 =	vmax.f32 v8, $0.0e+00  }
0x145: {  	v8 =	vsub.f32 v21, v0;
	v5 =	vadd.f32 v5, v3;
	v3 =	vmax.f32 v18, $0.0e+00;
	v18 =	vld [tilespmem:s16+$0x1C0]  }
0x146: {  	v15 =	vadd.f32 v15, v4;
	v4 =	vmax.f32 v11, $0.0e+00;
	v11 =	vld [tilespmem:s16+$0x340];
	v2 =	vadd.f32 v12, v2  }
0x147: {  	v7 =	vadd.f32 v7, v5;
	v5 =	vsub.f32 v13, v0;
	v13 =	vmax.f32 v9, $0.0e+00;
	v9 =	vld [tilespmem:s16+$0x2C0]  }
0x148: {  	v6 =	vmax.f32 v6, $0.0e+00;
	v12 =	vmax.f32 v25, $0.0e+00;
	v16 =	vadd.f32 v13, v2;
	v2 =	vld [tilespmem:s14+$0x440]  }
0x149: {  	v13 =	vld [tilespmem:s14+$0x140];
	v22 =	vmax.f32 v5, $0.0e+00;
	v7 =	vadd.f32 v6, v7;
	v6 =	vmax.f32 v10, $0.0e+00  }
0x14a: {  	v5 =	vld [tilespmem:s16+$0x440];
	v10 =	vmax.f32 v19, $0.0e+00;
	v19 =	vadd.f32 v6, v15;
	v18 =	vsub.f32 v18, v0  }
0x14b: {  	v6 =	vld [tilespmem:s16+$0xC0];
	v11 =	vsub.f32 v11, v0;
	v26 =	vadd.f32 v10, v7;
	v7 =	vmax.f32 v17, $0.0e+00  }
0x14c: {  	v15 =	vld [tilespmem:s14+$0x240];
	v17 =	vsub.f32 v9, v0;
	v9 =	vmax.f32 v8, $0.0e+00;
	v28 =	vadd.f32 v22, v19  }
0x14d: {  	v10 =	vld [tilespmem:s14+$0x2C0];
	v18 =	vmax.f32 v18, $0.0e+00;
	v19 =	vsub.f32 v20, v0;
	v22 =	vadd.f32 v27, v1  }
0x14e: {  	v1 =	vld [tilespmem:s14+$0x3C0];
	v20 =	vsub.f32 v23, v0;
	v21 =	vadd.f32 v18, v26;
	v18 =	vmax.f32 v63, $0.0e+00  }
0x14f: {  	s15 =	simm.s32 $0x4000;
	v23 =	vmax.f32 v24, $0.0e+00;
	v8 =	vmax.f32 v17, $0.0e+00;
	v17 =	vld [tilespmem:s14+$0x340];
	v18 =	vadd.f32 v18, v28  }
.LBB2_20:
0x150: {  	p0 =	sne.s32 s15, $0x7C000;
	v24 =	vld [tilespmem:s14+$0xC0];
	s14 =	sshra.s32 s15, $0x2;
	s15 =	sadd.s32 $0x1000, s15;
	v21 =	vadd.f32 v23, v21;
	v23 =	vmax.f32 v19, $0.0e+00;
	v22 =	vadd.f32 v3, v22;
	v3 =	vmovc v4;
	v4 =	vmovc v8  }
0x151: {  	v8 =	vsub.f32 v15, v0;
	v11 =	vmax.f32 v11, $0.0e+00;
	v16 =	vadd.f32 v12, v16;
	v25 =	vld [tilespmem:s14+$0x1C0]  }
0x152: {  	v19 =	vsub.f32 v10, v0;
	v12 =	vmax.f32 v20, $0.0e+00;
	v20 =	vsub.f32 v5, v0;
	v5 =	vmovc v2;
	v10 =	vld [tilespmem:s14+$0x2C0];
	v26 =	vmovc v13  }
.Ltmp9:
0x153: {  	v29 =	vsub.f32 v14, v0;
	v13 =	vmax.f32 v8, $0.0e+00;
	v16 =	vadd.f32 v7, v16;
	v7 =	vmovc v11;
	v15 =	vld [tilespmem:s14+$0x240];
	(pc) =	sbr.rel @p0 .LBB2_20-.Ltmp9, $4  }
0x154: {  	v18 =	vadd.f32 v9, v18;
	v8 =	vmax.f32 v19, $0.0e+00;
	v11 =	vsub.f32 v17, v0;
	v9 =	vmovc v13;
	v2 =	vld [tilespmem:s14+$0x440]  }
0x155: {  	v28 =	vmax.f32 v29, $0.0e+00;
	v19 =	vsub.f32 v6, v0;
	v27 =	vsub.f32 v1, v0;
	v13 =	vld [tilespmem:s14+$0x140];
	v6 =	vmovc v24  }
0x156: {  	v22 =	vadd.f32 v23, v22;
	v21 =	vadd.f32 v28, v21;
	v24 =	vmax.f32 v20, $0.0e+00;
	v17 =	vld [tilespmem:s14+$0x340];
	v14 =	vmovc v25  }
0x157: {  	v20 =	vsub.f32 v26, v0;
	v23 =	vmax.f32 v27, $0.0e+00;
	v18 =	vadd.f32 v24, v18;
	v1 =	vld [tilespmem:s14+$0x3C0]  }
0x158: {  	v21 =	vadd.f32 v23, v21  }
0x159: {  	v3 =	vadd.f32 v3, v22;
	v15 =	vsub.f32 v15, v0  }
0x15a: {  	v12 =	vadd.f32 v12, v16;
	v16 =	vsub.f32 v10, v0  }
0x15b: {  	v5 =	vsub.f32 v5, v0;
	v14 =	vsub.f32 v14, v0  }
0x15c: {  	v6 =	vsub.f32 v6, v0;
	v9 =	vadd.f32 v9, v18  }
0x15d: {  	v10 =	vmax.f32 v19, $0.0e+00;
	v2 =	vsub.f32 v2, v0;
	v7 =	vadd.f32 v7, v12  }
0x15e: {  	v12 =	vmax.f32 v20, $0.0e+00;
	v3 =	vadd.f32 v10, v3;
	v5 =	vmax.f32 v5, $0.0e+00  }
0x15f: {  	v18 =	vld [tilespmem:s14+$0xC0];
	v14 =	vmax.f32 v14, $0.0e+00;
	v13 =	vsub.f32 v13, v0;
	v9 =	vadd.f32 v5, v9  }
0x160: {  	v5 =	vmax.f32 v6, $0.0e+00;
	v1 =	vsub.f32 v1, v0;
	v6 =	vadd.f32 v12, v7  }
0x161: {  	s14 =	simm.s32 $0x2D0;
	v10 =	vadd.f32 v14, v21;
	v4 =	vadd.f32 v4, v3;
	v7 =	vmax.f32 v11, $0.0e+00  }
0x162: {  	v17 =	vsub.f32 v17, v0;
	v14 =	vld [tilespmem:s14+$0xFFFFFF80];
	v1 =	vmax.f32 v1, $0.0e+00;
	v7 =	vadd.f32 v7, v6  }
0x163: {  	v6 =	vld [tilespmem:s14+$0x0];
	v3 =	vadd.f32 v1, v10;
	v1 =	vadd.f32 v5, v4;
	v4 =	vmax.f32 v15, $0.0e+00  }
0x164: {  	v11 =	vmax.f32 v13, $0.0e+00;
	v5 =	vld [tilespmem:$0x50];
	v10 =	vsub.f32 v18, v0;
	v4 =	vadd.f32 v4, v9  }
0x165: {  	s15 =	simm.s32 $0x0;
	v2 =	vmax.f32 v2, $0.0e+00;
	v9 =	vadd.f32 v11, v7;
	v7 =	vld [tilespmem:s14+$0x100];
	v1 =	vadd.f32 v8, v1  }
0x166: {  	v12 =	vmax.f32 v16, $0.0e+00;
	v16 =	vmov s15;
	v0 =	vld [tilespmem:s14+$0x80];
	v8 =	vmax.f32 v10, $0.0e+00  }
0x167: {  	v13 =	vimm.f32 $0.0e+00;
	v11 =	vmax.f32 v17, $0.0e+00;
	v10 =	vld [tilespmem:s14+$0xFFFFFE00];
	v1 =	vadd.f32 v8, v1  }
0x168: {  	v15 =	vimm.f32 $0.0e+00;
	v4 =	vadd.f32 v2, v4;
	v2 =	vadd.f32 v11, v9;
	v9 =	vld [tilespmem:s14+$0xFFFFFF00]  }
0x169: {  	s16 =	simm.s32 $0x8;
	v11 =	vimm.f32 $0.0e+00;
	v8 =	vld [tilespmem:s14+$0xFFFFFE80];
	v1 =	vadd.f32 v12, v1;
	v12 =	vimm.f32 $0.0e+00  }
.LBB2_22:
0x16a: {  	p0 =	sne.s32 s16, $0x3E0;
	v16 =	vsub.s32 v5, v16;
	vm0 =	veq.s32 v5, s15;
	v17 =	vld [tilespmem:s14+$0x180];
	s14 =	sadd.s32 $0x400, s14;
	v18 =	vmov v7;
	s15 =	smov.u32 s16  }
0x16b: {  	v19 =	vld [tilespmem:s14+$0x0];
	vm1 =	veq.s32 v16, $0x4;
	vm2 =	veq.s32 v16, $0x5;
	vm3 =	veq.s32 v16, $0x6  }
0x16c: {  	v10 =	vsel vm0, v10, v15;
	vm0 =	veq.s32 v16, $0x1;
	vm4 =	veq.s32 v16, $0x7;
	v20 =	vld [tilespmem:s14+$0x80]  }
.Ltmp10:
0x16d: {  	vm5 =	veq.s32 v16, $0x2;
	vm6 =	veq.s32 v16, $0x3;
	v15 =	vsel vm1, v6, v10;
	v7 =	vld [tilespmem:s14+$0x100];
	(pc) =	sbr.rel @p0 .LBB2_22-.Ltmp10, $4  }
0x16e: {  	v16 =	vsel vm0, v8, v11;
	v9 =	vsel vm5, v9, v12;
	v10 =	vld [tilespmem:s14+$0xFFFFFE00];
	v13 =	vsel vm6, v14, v13  }
0x16f: {  	v11 =	vsel vm2, v0, v16;
	v12 =	vsel vm3, v18, v9;
	v8 =	vld [tilespmem:s14+$0xFFFFFE80];
	v13 =	vsel vm4, v17, v13  }
0x170: {  	v9 =	vld [tilespmem:s14+$0xFFFFFF00];
	v6 =	vmov v19  }
0x171: {  	s16 =	sadd.s32 $0x8, s16;
	v16 =	vmov s15;
	v14 =	vld [tilespmem:s14+$0xFFFFFF80];
	v0 =	vmov v20  }
0x172: {  	v17 =	vld [tilespmem:s14+$0x180];
	s30 =	simm.s32 $0x0  }
0x173: {  	v16 =	vsub.s32 v5, v16;
	vm0 =	veq.s32 v5, s15;
	v5 =	vld [tilespmem:s30+$0x1D0]  }
0x174: {  	vm1 =	veq.s32 v16, $0x4;
	vm2 =	veq.s32 v16, $0x5;
	vm3 =	veq.s32 v16, $0x6;
	v18 =	vld [tilespmem:s30+$0x2D0]  }
0x175: {  	s31 =	simm.s32 $0x400;
	v10 =	vsel vm0, v10, v15;
	vm15 =	veq.s32 v16, $0x1;
	vm4 =	veq.s32 v16, $0x7;
	v15 =	vld [tilespmem:s30+$0x250]  }
0x176: {  	vm5 =	veq.s32 v16, $0x2;
	vm6 =	veq.s32 v16, $0x3;
	v16 =	vld [tilespmem:s31+$0x450];
	v6 =	vsel vm1, v6, v10  }
0x177: {  	v19 =	vld [tilespmem:s31+$0x3D0];
	v8 =	vsel vm15, v8, v11;
	v9 =	vsel vm5, v9, v12;
	v11 =	vsel vm6, v14, v13  }
0x178: {  	v10 =	vld [tilespmem:s30+$0x450];
	v0 =	vsel vm2, v0, v8;
	v7 =	vsel vm3, v7, v9;
	v8 =	vsel vm4, v17, v11  }
0x179: {  	v12 =	vld [tilespmem:s30+$0x150];
	v0 =	vadd.f32 v0, v6;
	v6 =	vadd.f32 v8, v7  }
0x17a: {  	v9 =	vld [tilespmem:s30+$0x350]  }
0x17b: {  	v7 =	vld [tilespmem:s30+$0x3D0];
	v0 =	vadd.f32 v6, v0  }
0x17c: {  	v14 =	vld [tilespmem:s31+$0x150]  }
0x17d: {  	v11 =	vld [tilespmem:s31+$0x2D0];
	v0 =	vadd.f32 $-1.000000000e+00, v0  }
0x17e: {  	v17 =	vld [tilespmem:s31+$0x350]  }
0x17f: {  	s16 =	simm.s32 $0x800;
	v8 =	vld [tilespmem:s30+$0xD0];
	v5 =	vsub.f32 v5, v0;
	v15 =	vsub.f32 v15, v0  }
0x180: {  	v24 =	vld [tilespmem:s16+$0x3D0];
	v18 =	vsub.f32 v18, v0;
	v7 =	vsub.f32 v7, v0  }
0x181: {  	v6 =	vld [tilespmem:s31+$0x1D0];
	v9 =	vsub.f32 v9, v0;
	v12 =	vsub.f32 v12, v0  }
0x182: {  	v11 =	vsub.f32 v11, v0;
	v10 =	vsub.f32 v10, v0  }
0x183: {  	v21 =	vld [tilespmem:s16+$0x250];
	v17 =	vsub.f32 v17, v0;
	v19 =	vsub.f32 v19, v0  }
0x184: {  	v20 =	vld [tilespmem:s31+$0xD0];
	v8 =	vsub.f32 v8, v0;
	v25 =	vsub.f32 v14, v0  }
0x185: {  	v13 =	vld [tilespmem:s31+$0x250];
	v63 =	vsub.f32 v16, v0;
	v24 =	vsub.f32 v24, v0  }
0x186: {  	s14 =	simm.s32 $0xC00;
	v23 =	vld [tilespmem:s16+$0x150];
	v6 =	vsub.f32 v6, v0;
	v5 =	vmax.f32 v5, $0.0e+00;
	v15 =	vmax.f32 v15, $0.0e+00  }
0x187: {  	v14 =	vld [tilespmem:s14+$0x1D0];
	v7 =	vmax.f32 v7, $0.0e+00;
	v12 =	vmax.f32 v12, $0.0e+00;
	v27 =	vmax.f32 v8, $0.0e+00  }
0x188: {  	v8 =	vsub.f32 v21, v0;
	v5 =	vadd.f32 v5, v3;
	v3 =	vmax.f32 v18, $0.0e+00;
	v18 =	vld [tilespmem:s16+$0x1D0]  }
0x189: {  	v15 =	vadd.f32 v15, v4;
	v4 =	vmax.f32 v11, $0.0e+00;
	v11 =	vld [tilespmem:s16+$0x350];
	v2 =	vadd.f32 v12, v2  }
0x18a: {  	v7 =	vadd.f32 v7, v5;
	v5 =	vsub.f32 v13, v0;
	v13 =	vmax.f32 v9, $0.0e+00;
	v9 =	vld [tilespmem:s16+$0x2D0]  }
0x18b: {  	v6 =	vmax.f32 v6, $0.0e+00;
	v12 =	vmax.f32 v25, $0.0e+00;
	v16 =	vadd.f32 v13, v2;
	v2 =	vld [tilespmem:s14+$0x450]  }
0x18c: {  	v13 =	vld [tilespmem:s14+$0x150];
	v22 =	vmax.f32 v5, $0.0e+00;
	v7 =	vadd.f32 v6, v7;
	v6 =	vmax.f32 v10, $0.0e+00  }
0x18d: {  	v5 =	vld [tilespmem:s16+$0x450];
	v10 =	vmax.f32 v19, $0.0e+00;
	v19 =	vadd.f32 v6, v15;
	v18 =	vsub.f32 v18, v0  }
0x18e: {  	v6 =	vld [tilespmem:s16+$0xD0];
	v11 =	vsub.f32 v11, v0;
	v26 =	vadd.f32 v10, v7;
	v7 =	vmax.f32 v17, $0.0e+00  }
0x18f: {  	v15 =	vld [tilespmem:s14+$0x250];
	v17 =	vsub.f32 v9, v0;
	v9 =	vmax.f32 v8, $0.0e+00;
	v28 =	vadd.f32 v22, v19  }
0x190: {  	v10 =	vld [tilespmem:s14+$0x2D0];
	v18 =	vmax.f32 v18, $0.0e+00;
	v19 =	vsub.f32 v20, v0;
	v22 =	vadd.f32 v27, v1  }
0x191: {  	v1 =	vld [tilespmem:s14+$0x3D0];
	v20 =	vsub.f32 v23, v0;
	v21 =	vadd.f32 v18, v26;
	v18 =	vmax.f32 v63, $0.0e+00  }
0x192: {  	s15 =	simm.s32 $0x4000;
	v23 =	vmax.f32 v24, $0.0e+00;
	v8 =	vmax.f32 v17, $0.0e+00;
	v17 =	vld [tilespmem:s14+$0x350];
	v18 =	vadd.f32 v18, v28  }
.LBB2_24:
0x193: {  	p0 =	sne.s32 s15, $0x7C000;
	v24 =	vld [tilespmem:s14+$0xD0];
	s14 =	sshra.s32 s15, $0x2;
	s15 =	sadd.s32 $0x1000, s15;
	v21 =	vadd.f32 v23, v21;
	v23 =	vmax.f32 v19, $0.0e+00;
	v22 =	vadd.f32 v3, v22;
	v3 =	vmovc v4;
	v4 =	vmovc v8  }
0x194: {  	v8 =	vsub.f32 v15, v0;
	v11 =	vmax.f32 v11, $0.0e+00;
	v16 =	vadd.f32 v12, v16;
	v25 =	vld [tilespmem:s14+$0x1D0]  }
0x195: {  	v19 =	vsub.f32 v10, v0;
	v12 =	vmax.f32 v20, $0.0e+00;
	v20 =	vsub.f32 v5, v0;
	v5 =	vmovc v2;
	v10 =	vld [tilespmem:s14+$0x2D0];
	v26 =	vmovc v13  }
.Ltmp11:
0x196: {  	v29 =	vsub.f32 v14, v0;
	v13 =	vmax.f32 v8, $0.0e+00;
	v16 =	vadd.f32 v7, v16;
	v7 =	vmovc v11;
	v15 =	vld [tilespmem:s14+$0x250];
	(pc) =	sbr.rel @p0 .LBB2_24-.Ltmp11, $4  }
0x197: {  	v18 =	vadd.f32 v9, v18;
	v8 =	vmax.f32 v19, $0.0e+00;
	v11 =	vsub.f32 v17, v0;
	v9 =	vmovc v13;
	v2 =	vld [tilespmem:s14+$0x450]  }
0x198: {  	v28 =	vmax.f32 v29, $0.0e+00;
	v19 =	vsub.f32 v6, v0;
	v27 =	vsub.f32 v1, v0;
	v13 =	vld [tilespmem:s14+$0x150];
	v6 =	vmovc v24  }
0x199: {  	v22 =	vadd.f32 v23, v22;
	v21 =	vadd.f32 v28, v21;
	v24 =	vmax.f32 v20, $0.0e+00;
	v17 =	vld [tilespmem:s14+$0x350];
	v14 =	vmovc v25  }
0x19a: {  	v20 =	vsub.f32 v26, v0;
	v23 =	vmax.f32 v27, $0.0e+00;
	v18 =	vadd.f32 v24, v18;
	v1 =	vld [tilespmem:s14+$0x3D0]  }
0x19b: {  	v21 =	vadd.f32 v23, v21  }
0x19c: {  	v3 =	vadd.f32 v3, v22;
	v15 =	vsub.f32 v15, v0  }
0x19d: {  	v12 =	vadd.f32 v12, v16;
	v16 =	vsub.f32 v10, v0  }
0x19e: {  	v5 =	vsub.f32 v5, v0;
	v14 =	vsub.f32 v14, v0  }
0x19f: {  	v6 =	vsub.f32 v6, v0;
	v9 =	vadd.f32 v9, v18  }
0x1a0: {  	v10 =	vmax.f32 v19, $0.0e+00;
	v2 =	vsub.f32 v2, v0;
	v7 =	vadd.f32 v7, v12  }
0x1a1: {  	v12 =	vmax.f32 v20, $0.0e+00;
	v3 =	vadd.f32 v10, v3;
	v5 =	vmax.f32 v5, $0.0e+00  }
0x1a2: {  	v18 =	vld [tilespmem:s14+$0xD0];
	v14 =	vmax.f32 v14, $0.0e+00;
	v13 =	vsub.f32 v13, v0;
	v9 =	vadd.f32 v5, v9  }
0x1a3: {  	v5 =	vmax.f32 v6, $0.0e+00;
	v1 =	vsub.f32 v1, v0;
	v6 =	vadd.f32 v12, v7  }
0x1a4: {  	s14 =	simm.s32 $0x2E0;
	v10 =	vadd.f32 v14, v21;
	v4 =	vadd.f32 v4, v3;
	v7 =	vmax.f32 v11, $0.0e+00  }
0x1a5: {  	v17 =	vsub.f32 v17, v0;
	v14 =	vld [tilespmem:s14+$0xFFFFFF80];
	v1 =	vmax.f32 v1, $0.0e+00;
	v7 =	vadd.f32 v7, v6  }
0x1a6: {  	v6 =	vld [tilespmem:s14+$0x0];
	v3 =	vadd.f32 v1, v10;
	v1 =	vadd.f32 v5, v4;
	v4 =	vmax.f32 v15, $0.0e+00  }
0x1a7: {  	v11 =	vmax.f32 v13, $0.0e+00;
	v5 =	vld [tilespmem:$0x60];
	v10 =	vsub.f32 v18, v0;
	v4 =	vadd.f32 v4, v9  }
0x1a8: {  	s15 =	simm.s32 $0x0;
	v2 =	vmax.f32 v2, $0.0e+00;
	v9 =	vadd.f32 v11, v7;
	v7 =	vld [tilespmem:s14+$0x100];
	v1 =	vadd.f32 v8, v1  }
0x1a9: {  	v12 =	vmax.f32 v16, $0.0e+00;
	v16 =	vmov s15;
	v0 =	vld [tilespmem:s14+$0x80];
	v8 =	vmax.f32 v10, $0.0e+00  }
0x1aa: {  	v13 =	vimm.f32 $0.0e+00;
	v11 =	vmax.f32 v17, $0.0e+00;
	v10 =	vld [tilespmem:s14+$0xFFFFFE00];
	v1 =	vadd.f32 v8, v1  }
0x1ab: {  	v15 =	vimm.f32 $0.0e+00;
	v4 =	vadd.f32 v2, v4;
	v2 =	vadd.f32 v11, v9;
	v9 =	vld [tilespmem:s14+$0xFFFFFF00]  }
0x1ac: {  	s16 =	simm.s32 $0x8;
	v11 =	vimm.f32 $0.0e+00;
	v8 =	vld [tilespmem:s14+$0xFFFFFE80];
	v1 =	vadd.f32 v12, v1;
	v12 =	vimm.f32 $0.0e+00  }
.LBB2_26:
0x1ad: {  	p0 =	sne.s32 s16, $0x3E0;
	v16 =	vsub.s32 v5, v16;
	vm0 =	veq.s32 v5, s15;
	v17 =	vld [tilespmem:s14+$0x180];
	s14 =	sadd.s32 $0x400, s14;
	v18 =	vmov v7;
	s15 =	smov.u32 s16  }
0x1ae: {  	v19 =	vld [tilespmem:s14+$0x0];
	vm1 =	veq.s32 v16, $0x4;
	vm2 =	veq.s32 v16, $0x5;
	vm3 =	veq.s32 v16, $0x6  }
0x1af: {  	v10 =	vsel vm0, v10, v15;
	vm0 =	veq.s32 v16, $0x1;
	vm4 =	veq.s32 v16, $0x7;
	v20 =	vld [tilespmem:s14+$0x80]  }
.Ltmp12:
0x1b0: {  	vm5 =	veq.s32 v16, $0x2;
	vm6 =	veq.s32 v16, $0x3;
	v15 =	vsel vm1, v6, v10;
	v7 =	vld [tilespmem:s14+$0x100];
	(pc) =	sbr.rel @p0 .LBB2_26-.Ltmp12, $4  }
0x1b1: {  	v16 =	vsel vm0, v8, v11;
	v9 =	vsel vm5, v9, v12;
	v10 =	vld [tilespmem:s14+$0xFFFFFE00];
	v13 =	vsel vm6, v14, v13  }
0x1b2: {  	v11 =	vsel vm2, v0, v16;
	v12 =	vsel vm3, v18, v9;
	v8 =	vld [tilespmem:s14+$0xFFFFFE80];
	v13 =	vsel vm4, v17, v13  }
0x1b3: {  	v9 =	vld [tilespmem:s14+$0xFFFFFF00];
	v6 =	vmov v19  }
0x1b4: {  	s16 =	sadd.s32 $0x8, s16;
	v16 =	vmov s15;
	v14 =	vld [tilespmem:s14+$0xFFFFFF80];
	v0 =	vmov v20  }
0x1b5: {  	v17 =	vld [tilespmem:s14+$0x180];
	s30 =	simm.s32 $0x0  }
0x1b6: {  	v16 =	vsub.s32 v5, v16;
	vm0 =	veq.s32 v5, s15;
	v5 =	vld [tilespmem:s30+$0x1E0]  }
0x1b7: {  	vm1 =	veq.s32 v16, $0x4;
	vm2 =	veq.s32 v16, $0x5;
	vm3 =	veq.s32 v16, $0x6;
	v18 =	vld [tilespmem:s30+$0x2E0]  }
0x1b8: {  	s31 =	simm.s32 $0x400;
	v10 =	vsel vm0, v10, v15;
	vm15 =	veq.s32 v16, $0x1;
	vm4 =	veq.s32 v16, $0x7;
	v15 =	vld [tilespmem:s30+$0x260]  }
0x1b9: {  	vm5 =	veq.s32 v16, $0x2;
	vm6 =	veq.s32 v16, $0x3;
	v16 =	vld [tilespmem:s31+$0x460];
	v6 =	vsel vm1, v6, v10  }
0x1ba: {  	v19 =	vld [tilespmem:s31+$0x3E0];
	v8 =	vsel vm15, v8, v11;
	v9 =	vsel vm5, v9, v12;
	v11 =	vsel vm6, v14, v13  }
0x1bb: {  	v10 =	vld [tilespmem:s30+$0x460];
	v0 =	vsel vm2, v0, v8;
	v7 =	vsel vm3, v7, v9;
	v8 =	vsel vm4, v17, v11  }
0x1bc: {  	v12 =	vld [tilespmem:s30+$0x160];
	v0 =	vadd.f32 v0, v6;
	v6 =	vadd.f32 v8, v7  }
0x1bd: {  	v9 =	vld [tilespmem:s30+$0x360]  }
0x1be: {  	v7 =	vld [tilespmem:s30+$0x3E0];
	v0 =	vadd.f32 v6, v0  }
0x1bf: {  	v14 =	vld [tilespmem:s31+$0x160]  }
0x1c0: {  	v11 =	vld [tilespmem:s31+$0x2E0];
	v0 =	vadd.f32 $-1.000000000e+00, v0  }
0x1c1: {  	v17 =	vld [tilespmem:s31+$0x360]  }
0x1c2: {  	s16 =	simm.s32 $0x800;
	v8 =	vld [tilespmem:s30+$0xE0];
	v5 =	vsub.f32 v5, v0;
	v15 =	vsub.f32 v15, v0  }
0x1c3: {  	v24 =	vld [tilespmem:s16+$0x3E0];
	v18 =	vsub.f32 v18, v0;
	v7 =	vsub.f32 v7, v0  }
0x1c4: {  	v6 =	vld [tilespmem:s31+$0x1E0];
	v9 =	vsub.f32 v9, v0;
	v12 =	vsub.f32 v12, v0  }
0x1c5: {  	v11 =	vsub.f32 v11, v0;
	v10 =	vsub.f32 v10, v0  }
0x1c6: {  	v21 =	vld [tilespmem:s16+$0x260];
	v17 =	vsub.f32 v17, v0;
	v19 =	vsub.f32 v19, v0  }
0x1c7: {  	v20 =	vld [tilespmem:s31+$0xE0];
	v8 =	vsub.f32 v8, v0;
	v25 =	vsub.f32 v14, v0  }
0x1c8: {  	v13 =	vld [tilespmem:s31+$0x260];
	v63 =	vsub.f32 v16, v0;
	v24 =	vsub.f32 v24, v0  }
0x1c9: {  	s14 =	simm.s32 $0xC00;
	v23 =	vld [tilespmem:s16+$0x160];
	v6 =	vsub.f32 v6, v0;
	v5 =	vmax.f32 v5, $0.0e+00;
	v15 =	vmax.f32 v15, $0.0e+00  }
0x1ca: {  	v14 =	vld [tilespmem:s14+$0x1E0];
	v7 =	vmax.f32 v7, $0.0e+00;
	v12 =	vmax.f32 v12, $0.0e+00;
	v27 =	vmax.f32 v8, $0.0e+00  }
0x1cb: {  	v8 =	vsub.f32 v21, v0;
	v5 =	vadd.f32 v5, v3;
	v3 =	vmax.f32 v18, $0.0e+00;
	v18 =	vld [tilespmem:s16+$0x1E0]  }
0x1cc: {  	v15 =	vadd.f32 v15, v4;
	v4 =	vmax.f32 v11, $0.0e+00;
	v11 =	vld [tilespmem:s16+$0x360];
	v2 =	vadd.f32 v12, v2  }
0x1cd: {  	v7 =	vadd.f32 v7, v5;
	v5 =	vsub.f32 v13, v0;
	v13 =	vmax.f32 v9, $0.0e+00;
	v9 =	vld [tilespmem:s16+$0x2E0]  }
0x1ce: {  	v6 =	vmax.f32 v6, $0.0e+00;
	v12 =	vmax.f32 v25, $0.0e+00;
	v16 =	vadd.f32 v13, v2;
	v2 =	vld [tilespmem:s14+$0x460]  }
0x1cf: {  	v13 =	vld [tilespmem:s14+$0x160];
	v22 =	vmax.f32 v5, $0.0e+00;
	v7 =	vadd.f32 v6, v7;
	v6 =	vmax.f32 v10, $0.0e+00  }
0x1d0: {  	v5 =	vld [tilespmem:s16+$0x460];
	v10 =	vmax.f32 v19, $0.0e+00;
	v19 =	vadd.f32 v6, v15;
	v18 =	vsub.f32 v18, v0  }
0x1d1: {  	v6 =	vld [tilespmem:s16+$0xE0];
	v11 =	vsub.f32 v11, v0;
	v26 =	vadd.f32 v10, v7;
	v7 =	vmax.f32 v17, $0.0e+00  }
0x1d2: {  	v15 =	vld [tilespmem:s14+$0x260];
	v17 =	vsub.f32 v9, v0;
	v9 =	vmax.f32 v8, $0.0e+00;
	v28 =	vadd.f32 v22, v19  }
0x1d3: {  	v10 =	vld [tilespmem:s14+$0x2E0];
	v18 =	vmax.f32 v18, $0.0e+00;
	v19 =	vsub.f32 v20, v0;
	v22 =	vadd.f32 v27, v1  }
0x1d4: {  	v1 =	vld [tilespmem:s14+$0x3E0];
	v20 =	vsub.f32 v23, v0;
	v21 =	vadd.f32 v18, v26;
	v18 =	vmax.f32 v63, $0.0e+00  }
0x1d5: {  	s15 =	simm.s32 $0x4000;
	v23 =	vmax.f32 v24, $0.0e+00;
	v8 =	vmax.f32 v17, $0.0e+00;
	v17 =	vld [tilespmem:s14+$0x360];
	v18 =	vadd.f32 v18, v28  }
.LBB2_28:
0x1d6: {  	p0 =	sne.s32 s15, $0x7C000;
	v24 =	vld [tilespmem:s14+$0xE0];
	s14 =	sshra.s32 s15, $0x2;
	s15 =	sadd.s32 $0x1000, s15;
	v21 =	vadd.f32 v23, v21;
	v23 =	vmax.f32 v19, $0.0e+00;
	v22 =	vadd.f32 v3, v22;
	v3 =	vmovc v4;
	v4 =	vmovc v8  }
0x1d7: {  	v8 =	vsub.f32 v15, v0;
	v11 =	vmax.f32 v11, $0.0e+00;
	v16 =	vadd.f32 v12, v16;
	v25 =	vld [tilespmem:s14+$0x1E0]  }
0x1d8: {  	v19 =	vsub.f32 v10, v0;
	v12 =	vmax.f32 v20, $0.0e+00;
	v20 =	vsub.f32 v5, v0;
	v5 =	vmovc v2;
	v10 =	vld [tilespmem:s14+$0x2E0];
	v26 =	vmovc v13  }
.Ltmp13:
0x1d9: {  	v29 =	vsub.f32 v14, v0;
	v13 =	vmax.f32 v8, $0.0e+00;
	v16 =	vadd.f32 v7, v16;
	v7 =	vmovc v11;
	v15 =	vld [tilespmem:s14+$0x260];
	(pc) =	sbr.rel @p0 .LBB2_28-.Ltmp13, $4  }
0x1da: {  	v18 =	vadd.f32 v9, v18;
	v8 =	vmax.f32 v19, $0.0e+00;
	v11 =	vsub.f32 v17, v0;
	v9 =	vmovc v13;
	v2 =	vld [tilespmem:s14+$0x460]  }
0x1db: {  	v28 =	vmax.f32 v29, $0.0e+00;
	v19 =	vsub.f32 v6, v0;
	v27 =	vsub.f32 v1, v0;
	v13 =	vld [tilespmem:s14+$0x160];
	v6 =	vmovc v24  }
0x1dc: {  	v22 =	vadd.f32 v23, v22;
	v21 =	vadd.f32 v28, v21;
	v24 =	vmax.f32 v20, $0.0e+00;
	v17 =	vld [tilespmem:s14+$0x360];
	v14 =	vmovc v25  }
0x1dd: {  	v20 =	vsub.f32 v26, v0;
	v23 =	vmax.f32 v27, $0.0e+00;
	v18 =	vadd.f32 v24, v18;
	v1 =	vld [tilespmem:s14+$0x3E0]  }
0x1de: {  	v21 =	vadd.f32 v23, v21  }
0x1df: {  	v3 =	vadd.f32 v3, v22;
	v15 =	vsub.f32 v15, v0  }
0x1e0: {  	v12 =	vadd.f32 v12, v16;
	v16 =	vsub.f32 v10, v0  }
0x1e1: {  	v5 =	vsub.f32 v5, v0;
	v14 =	vsub.f32 v14, v0  }
0x1e2: {  	v6 =	vsub.f32 v6, v0;
	v9 =	vadd.f32 v9, v18  }
0x1e3: {  	v10 =	vmax.f32 v19, $0.0e+00;
	v2 =	vsub.f32 v2, v0;
	v7 =	vadd.f32 v7, v12  }
0x1e4: {  	v12 =	vmax.f32 v20, $0.0e+00;
	v3 =	vadd.f32 v10, v3;
	v5 =	vmax.f32 v5, $0.0e+00  }
0x1e5: {  	v18 =	vld [tilespmem:s14+$0xE0];
	v14 =	vmax.f32 v14, $0.0e+00;
	v13 =	vsub.f32 v13, v0;
	v9 =	vadd.f32 v5, v9  }
0x1e6: {  	v5 =	vmax.f32 v6, $0.0e+00;
	v1 =	vsub.f32 v1, v0;
	v6 =	vadd.f32 v12, v7  }
0x1e7: {  	s14 =	simm.s32 $0x2F0;
	v10 =	vadd.f32 v14, v21;
	v4 =	vadd.f32 v4, v3;
	v7 =	vmax.f32 v11, $0.0e+00  }
0x1e8: {  	v17 =	vsub.f32 v17, v0;
	v14 =	vld [tilespmem:s14+$0xFFFFFF80];
	v1 =	vmax.f32 v1, $0.0e+00;
	v7 =	vadd.f32 v7, v6  }
0x1e9: {  	v6 =	vld [tilespmem:s14+$0x0];
	v3 =	vadd.f32 v1, v10;
	v1 =	vadd.f32 v5, v4;
	v4 =	vmax.f32 v15, $0.0e+00  }
0x1ea: {  	v11 =	vmax.f32 v13, $0.0e+00;
	v5 =	vld [tilespmem:$0x70];
	v10 =	vsub.f32 v18, v0;
	v4 =	vadd.f32 v4, v9  }
0x1eb: {  	s15 =	simm.s32 $0x0;
	v2 =	vmax.f32 v2, $0.0e+00;
	v9 =	vadd.f32 v11, v7;
	v7 =	vld [tilespmem:s14+$0x100];
	v1 =	vadd.f32 v8, v1  }
0x1ec: {  	v12 =	vmax.f32 v16, $0.0e+00;
	v16 =	vmov s15;
	v0 =	vld [tilespmem:s14+$0x80];
	v8 =	vmax.f32 v10, $0.0e+00  }
0x1ed: {  	v13 =	vimm.f32 $0.0e+00;
	v11 =	vmax.f32 v17, $0.0e+00;
	v10 =	vld [tilespmem:s14+$0xFFFFFE00];
	v1 =	vadd.f32 v8, v1  }
0x1ee: {  	v15 =	vimm.f32 $0.0e+00;
	v4 =	vadd.f32 v2, v4;
	v2 =	vadd.f32 v11, v9;
	v9 =	vld [tilespmem:s14+$0xFFFFFF00]  }
0x1ef: {  	s16 =	simm.s32 $0x8;
	v11 =	vimm.f32 $0.0e+00;
	v8 =	vld [tilespmem:s14+$0xFFFFFE80];
	v1 =	vadd.f32 v12, v1;
	v12 =	vimm.f32 $0.0e+00  }
.LBB2_30:
0x1f0: {  	p0 =	sne.s32 s16, $0x3E0;
	v16 =	vsub.s32 v5, v16;
	vm0 =	veq.s32 v5, s15;
	v17 =	vld [tilespmem:s14+$0x180];
	s14 =	sadd.s32 $0x400, s14;
	v18 =	vmov v7;
	s15 =	smov.u32 s16  }
0x1f1: {  	v19 =	vld [tilespmem:s14+$0x0];
	vm1 =	veq.s32 v16, $0x4;
	vm2 =	veq.s32 v16, $0x5;
	vm3 =	veq.s32 v16, $0x6  }
0x1f2: {  	v10 =	vsel vm0, v10, v15;
	vm0 =	veq.s32 v16, $0x1;
	vm4 =	veq.s32 v16, $0x7;
	v20 =	vld [tilespmem:s14+$0x80]  }
.Ltmp14:
0x1f3: {  	vm5 =	veq.s32 v16, $0x2;
	vm6 =	veq.s32 v16, $0x3;
	v15 =	vsel vm1, v6, v10;
	v7 =	vld [tilespmem:s14+$0x100];
	(pc) =	sbr.rel @p0 .LBB2_30-.Ltmp14, $4  }
0x1f4: {  	v16 =	vsel vm0, v8, v11;
	v9 =	vsel vm5, v9, v12;
	v10 =	vld [tilespmem:s14+$0xFFFFFE00];
	v13 =	vsel vm6, v14, v13  }
0x1f5: {  	v11 =	vsel vm2, v0, v16;
	v12 =	vsel vm3, v18, v9;
	v8 =	vld [tilespmem:s14+$0xFFFFFE80];
	v13 =	vsel vm4, v17, v13  }
0x1f6: {  	v9 =	vld [tilespmem:s14+$0xFFFFFF00];
	v6 =	vmov v19  }
0x1f7: {  	s16 =	sadd.s32 $0x8, s16;
	v16 =	vmov s15;
	v14 =	vld [tilespmem:s14+$0xFFFFFF80];
	v0 =	vmov v20  }
0x1f8: {  	v17 =	vld [tilespmem:s14+$0x180];
	s30 =	simm.s32 $0x0;
	v16 =	vsub.s32 v5, v16;
	vm0 =	veq.s32 v5, s15  }
0x1f9: {  	v5 =	vld [tilespmem:s30+$0x1F0];
	vm1 =	veq.s32 v16, $0x4;
	vm2 =	veq.s32 v16, $0x5;
	vm3 =	veq.s32 v16, $0x6  }
0x1fa: {  	v18 =	vld [tilespmem:s30+$0x2F0];
	v10 =	vsel vm0, v10, v15;
	vm15 =	veq.s32 v16, $0x1;
	vm4 =	veq.s32 v16, $0x7  }
0x1fb: {  	s31 =	simm.s32 $0x400;
	v15 =	vld [tilespmem:s30+$0x270];
	vm5 =	veq.s32 v16, $0x2;
	vm6 =	veq.s32 v16, $0x3;
	v6 =	vsel vm1, v6, v10  }
0x1fc: {  	v16 =	vld [tilespmem:s31+$0x170];
	v8 =	vsel vm15, v8, v11;
	v9 =	vsel vm5, v9, v12;
	v11 =	vsel vm6, v14, v13  }
0x1fd: {  	v20 =	vld [tilespmem:s31+$0xF0];
	v0 =	vsel vm2, v0, v8;
	v7 =	vsel vm3, v7, v9;
	v8 =	vsel vm4, v17, v11  }
0x1fe: {  	v10 =	vld [tilespmem:s30+$0x470];
	v0 =	vadd.f32 v0, v6;
	v6 =	vadd.f32 v8, v7  }
0x1ff: {  	v12 =	vld [tilespmem:s30+$0x170]  }
0x200: {  	v9 =	vld [tilespmem:s30+$0x370];
	v0 =	vadd.f32 v6, v0  }
0x201: {  	v7 =	vld [tilespmem:s30+$0x3F0]  }
0x202: {  	v17 =	vld [tilespmem:s31+$0x370];
	v0 =	vadd.f32 $-1.000000000e+00, v0  }
0x203: {  	v8 =	vld [tilespmem:s30+$0xF0]  }
0x204: {  	v6 =	vld [tilespmem:s31+$0x1F0];
	v5 =	vsub.f32 v5, v0  }
0x205: {  	v11 =	vld [tilespmem:s31+$0x2F0];
	v15 =	vsub.f32 v15, v0;
	v18 =	vsub.f32 v18, v0  }
0x206: {  	s16 =	simm.s32 $0x800;
	v19 =	vld [tilespmem:s31+$0x3F0];
	v7 =	vsub.f32 v7, v0;
	v9 =	vsub.f32 v9, v0  }
0x207: {  	v22 =	vld [tilespmem:s16+$0x2F0];
	v12 =	vsub.f32 v12, v0;
	v10 =	vsub.f32 v10, v0  }
0x208: {  	v13 =	vld [tilespmem:s31+$0x270];
	v17 =	vsub.f32 v17, v0;
	v8 =	vsub.f32 v8, v0  }
0x209: {  	v24 =	vld [tilespmem:s16+$0x170];
	v20 =	vsub.f32 v20, v0;
	v6 =	vsub.f32 v6, v0;
	v5 =	vmax.f32 v5, $0.0e+00  }
0x20a: {  	v21 =	vmax.f32 v9, $0.0e+00;
	v9 =	vsub.f32 v11, v0;
	v11 =	vmax.f32 v12, $0.0e+00;
	v12 =	vld [tilespmem:s16+$0x270]  }
0x20b: {  	v14 =	vld [tilespmem:s31+$0x470];
	v15 =	vmax.f32 v15, $0.0e+00;
	v7 =	vmax.f32 v7, $0.0e+00;
	v5 =	vadd.f32 v5, v3  }
0x20c: {  	v25 =	vld [tilespmem:s16+$0x3F0];
	v27 =	vmax.f32 v8, $0.0e+00;
	v3 =	vmax.f32 v18, $0.0e+00;
	v2 =	vadd.f32 v11, v2  }
0x20d: {  	v18 =	vld [tilespmem:s16+$0x1F0];
	v6 =	vmax.f32 v6, $0.0e+00;
	v7 =	vadd.f32 v7, v5;
	v5 =	vsub.f32 v13, v0  }
0x20e: {  	v13 =	vadd.f32 v15, v4;
	v15 =	vsub.f32 v19, v0;
	v4 =	vmax.f32 v9, $0.0e+00;
	v19 =	vld [tilespmem:s16+$0x370]  }
0x20f: {  	s14 =	simm.s32 $0xC00;
	v23 =	vmax.f32 v5, $0.0e+00;
	v5 =	vld [tilespmem:s16+$0x470];
	v7 =	vadd.f32 v6, v7;
	v8 =	vsub.f32 v12, v0  }
0x210: {  	v6 =	vmax.f32 v10, $0.0e+00;
	v12 =	vsub.f32 v22, v0;
	v22 =	vsub.f32 v14, v0;
	v14 =	vld [tilespmem:s14+$0x270]  }
0x211: {  	v10 =	vsub.f32 v16, v0;
	v9 =	vmax.f32 v15, $0.0e+00;
	v15 =	vadd.f32 v21, v2;
	v2 =	vld [tilespmem:s14+$0x470]  }
0x212: {  	v16 =	vadd.f32 v6, v13;
	v6 =	vld [tilespmem:s16+$0xF0];
	v18 =	vsub.f32 v18, v0  }
0x213: {  	v13 =	vld [tilespmem:s14+$0x1F0];
	v26 =	vadd.f32 v9, v7;
	v7 =	vmax.f32 v17, $0.0e+00;
	v11 =	vmax.f32 v10, $0.0e+00  }
0x214: {  	v9 =	vld [tilespmem:s14+$0x2F0];
	v8 =	vmax.f32 v8, $0.0e+00;
	v10 =	vmax.f32 v12, $0.0e+00;
	v17 =	vsub.f32 v19, v0  }
0x215: {  	v12 =	vld [tilespmem:s14+$0x170];
	v28 =	vadd.f32 v23, v16;
	v18 =	vmax.f32 v18, $0.0e+00;
	v23 =	vsub.f32 v25, v0  }
0x216: {  	v16 =	vld [tilespmem:s14+$0x370];
	v21 =	vadd.f32 v18, v26;
	v18 =	vmax.f32 v22, $0.0e+00;
	v22 =	vadd.f32 v27, v1  }
0x217: {  	s15 =	simm.s32 $0x4000;
	v19 =	vsub.f32 v24, v0;
	v1 =	vld [tilespmem:s14+$0x3F0];
	v23 =	vmax.f32 v23, $0.0e+00;
	v18 =	vadd.f32 v18, v28  }
.LBB2_32:
0x218: {  	p0 =	sne.s32 s15, $0x7C000;
	v24 =	vld [tilespmem:s14+$0xF0];
	s14 =	sshra.s32 s15, $0x2;
	s15 =	sadd.s32 $0x1000, s15;
	v21 =	vadd.f32 v23, v21;
	v23 =	vmax.f32 v20, $0.0e+00;
	v22 =	vadd.f32 v3, v22;
	v3 =	vmovc v4;
	v4 =	vmovc v10  }
0x219: {  	v10 =	vsub.f32 v14, v0;
	v17 =	vmax.f32 v17, $0.0e+00;
	v15 =	vadd.f32 v11, v15;
	v25 =	vld [tilespmem:s14+$0x1F0]  }
0x21a: {  	v20 =	vsub.f32 v9, v0;
	v11 =	vmax.f32 v19, $0.0e+00;
	v19 =	vsub.f32 v5, v0;
	v5 =	vmovc v2;
	v9 =	vld [tilespmem:s14+$0x2F0];
	v26 =	vmovc v12  }
.Ltmp15:
0x21b: {  	v29 =	vsub.f32 v13, v0;
	v12 =	vmax.f32 v10, $0.0e+00;
	v15 =	vadd.f32 v7, v15;
	v7 =	vmovc v17;
	v14 =	vld [tilespmem:s14+$0x270];
	(pc) =	sbr.rel @p0 .LBB2_32-.Ltmp15, $4  }
0x21c: {  	v18 =	vadd.f32 v8, v18;
	v10 =	vmax.f32 v20, $0.0e+00;
	v17 =	vsub.f32 v16, v0;
	v8 =	vmovc v12;
	v2 =	vld [tilespmem:s14+$0x470]  }
0x21d: {  	v28 =	vmax.f32 v29, $0.0e+00;
	v20 =	vsub.f32 v6, v0;
	v27 =	vsub.f32 v1, v0;
	v12 =	vld [tilespmem:s14+$0x170];
	v6 =	vmovc v24  }
0x21e: {  	v22 =	vadd.f32 v23, v22;
	v21 =	vadd.f32 v28, v21;
	v24 =	vmax.f32 v19, $0.0e+00;
	v16 =	vld [tilespmem:s14+$0x370];
	v13 =	vmovc v25  }
0x21f: {  	v19 =	vsub.f32 v26, v0;
	v23 =	vmax.f32 v27, $0.0e+00;
	v18 =	vadd.f32 v24, v18;
	v1 =	vld [tilespmem:s14+$0x3F0]  }
0x220: {  	v21 =	vadd.f32 v23, v21  }
0x221: {  	v3 =	vadd.f32 v3, v22;
	v14 =	vsub.f32 v14, v0  }
0x222: {  	v11 =	vadd.f32 v11, v15;
	v9 =	vsub.f32 v9, v0  }
0x223: {  	v56 =	vmax.f32 v20, $0.0e+00;
	v5 =	vsub.f32 v5, v0;
	v13 =	vsub.f32 v13, v0  }
0x224: {  	v17 =	vmax.f32 v17, $0.0e+00;
	v6 =	vsub.f32 v6, v0;
	v8 =	vadd.f32 v8, v18  }
0x225: {  	v58 =	vld [tilespmem:s14+$0xF0];
	v19 =	vmax.f32 v19, $0.0e+00;
	v2 =	vsub.f32 v2, v0;
	v3 =	vadd.f32 v56, v3  }
0x226: {  	v7 =	vadd.f32 v7, v11;
	v13 =	vmax.f32 v13, $0.0e+00;
	v59 =	vsub.f32 v12, v0  }
0x227: {  	v5 =	vmax.f32 v5, $0.0e+00;
	v57 =	vsub.f32 v16, v0;
	v3 =	vadd.f32 v4, v3  }
0x228: {  	v6 =	vmax.f32 v6, $0.0e+00;
	v13 =	vadd.f32 v13, v21;
	v5 =	vadd.f32 v5, v8  }
0x229: {  	v60 =	vmax.f32 v14, $0.0e+00;
	v7 =	vadd.f32 v19, v7;
	v3 =	vadd.f32 v6, v3  }
0x22a: {  	v61 =	vmax.f32 v9, $0.0e+00;
	v1 =	vsub.f32 v1, v0;
	v62 =	vsub.f32 v58, v0  }
0x22b: {  	v2 =	vmax.f32 v2, $0.0e+00;
	v7 =	vadd.f32 v17, v7;
	v3 =	vadd.f32 v10, v3  }
0x22c: {  	v4 =	vmax.f32 v59, $0.0e+00;
	v5 =	vadd.f32 v60, v5;
	v0 =	vmax.f32 v62, $0.0e+00  }
0x22d: {  	v1 =	vmax.f32 v1, $0.0e+00;
	v4 =	vadd.f32 v4, v7;
	v0 =	vadd.f32 v0, v3  }
0x22e: {  	v63 =	vmax.f32 v57, $0.0e+00;
	v1 =	vadd.f32 v1, v13;
	v2 =	vadd.f32 v2, v5  }
0x22f: {  	v3 =	vadd.f32 v63, v4;
	v0 =	vadd.f32 v61, v0;
	_ =	sdelay $0x1  }
0x230: {  	v1 =	vadd.f32 v2, v1;
	v0 =	vadd.f32 v3, v0;
	_ =	sdelay $0x1  }
0x231: {  	s13 =	sadd.s32 $0x1, s13;
	v0 =	vadd.f32 v1, v0  }
0x232: {  	p0 =	sne.s32 s13, s6  }
.Ltmp16:
0x233: {  	[tilespmem:$0x1F480] =	vst v0;
	(pc) =	sbr.rel @p0 .LBB2_1-.Ltmp16, $4  }
0x234: {  	[hbm4b:s5+s2] =	stream.linear.scatter [tilespmem:s12], [sflag:$0x2], $0x10, $0x38;
	[tilespmem:$0x1F500] =	vst v63  }
0x235: {  	_ =	swait.ge [sflag:s7], $0x10  }
0x236: {  	[sflag:s7] =	ssyncset.done $0x0  }
0x237: {  	[sflag:s7] =	ssyncadd.s32 $0xFFFFFFF0  }
0x238: {  	_ =	sfence.sel $0x180000  }
0x239: {  	[bflag:$0x0] =	sbarrier.arrive $0xFFFF  }
0x23a: {  	p0 =	sne.s32 s1, $0x0;
	_ =	strace $0x90000047  }
0x23b: {  	s0 =	sadd.s32 @!p0 $0x100000, s0;
	[bflag:$0x2] =	sbarrier.arrive $0xFFFF  }
0x23c: {  	[sflag:s0] =	ssyncadd.tile.s32 @!p0 $0x1;
	_ =	shalt  }
.Lfunc_end2:
_tile_overlayer_lowered:
.L_overlay_start_2:
0x23d: {  	(tag) =	ssettag $0x2  }
0x23e: {  	s0 =	rddreg [dreg:$0x0];
	s2 =	stileid.u32  }
0x23f: {  	s1 =	rddreg [dreg:$0x1];
	p0 =	sne.s32 s2, $0x0  }
0x240: {  	s3 =	rddreg [dreg:$0x2];
	[bflag:$0x3] =	sbarrier.arrive $0xFFFF;
	s2 =	simm.s32 @!p0 $0x1C02  }
0x241: {  	[timem:s3], [sflag:s2] =	dma.local @!p0 [hbm:s0], s1  }
0x242: {  	s0 =	simm.s32 @!p0 $0x2  }
0x243: {  	_ =	swait.ge @!p0 [sflag:s0], s1  }
0x244: {  	s1 =	ssub.s32 @!p0 $0x0, s1;
	[sflag:s0] =	ssyncset.done @!p0 $0x0  }
0x245: {  	[sflag:s0] =	ssyncadd.s32 @!p0 s1  }
0x246: {  	[bflag:$0x3] =	sbarrier.arrive $0xFFFF  }
0x247: {  	_ =	shalt  }

</sc_bundles>
